<compile_context>
chip_gen: v7x
topology: tpu7x:2x2x1
jax: 0.10.2.dev20260603
libtpu: 0.0.44.dev20260713+nightly
codegen_flags: <defaults>
</compile_context>

<pallas_src>
import functools

import jax
import jax.numpy as jnp
from jax import lax
from jax.experimental import pallas as pl
from jax.experimental.pallas import tpu as pltpu
from jax.experimental.pallas import tpu_sc as plsc

_B = 16384
_L = 16
_NC = 2
_NS = 16
_NW = _NC * _NS
_BW = _B // _NW
_N = 1000000
_NPAD = 1000448


def _make_half(alpha_side):
    def body(uid_hbm, iid_hbm, mu_hbm, up_hbm, tu_hbm, ti_hbm, g_hbm,
             pass_out, res_hbm,
             uidx_v, iidx_v, mu_v, up_v, tu_v, ti_v, r_v, g_v, sem, sem2):
        wid = lax.axis_index("s") * _NC + lax.axis_index("c")
        base = wid * _BW
        sl_w = pl.ds(base, _BW)

        pltpu.sync_copy(uid_hbm.at[sl_w], uidx_v)
        pltpu.sync_copy(iid_hbm.at[sl_w], iidx_v)
        c1 = pltpu.async_copy(tu_hbm.at[uidx_v], tu_v, sem)
        c2 = pltpu.async_copy(ti_hbm.at[iidx_v], ti_v, sem)
        src_hbm = mu_hbm if alpha_side else up_hbm
        m1 = pltpu.async_copy(src_hbm.at[sl_w], pass_out.at[sl_w], sem2)
        pltpu.sync_copy(mu_hbm.at[sl_w], mu_v)
        pltpu.sync_copy(up_hbm.at[sl_w], up_v)
        pltpu.sync_copy(g_hbm, g_v)

        eps = jnp.float32(0.01)
        g = g_v[...]
        c1.wait()
        c2.wait()
        for i in range(_BW // _L):
            sl = pl.ds(i * _L, _L)
            mu16 = mu_v[sl]
            up16 = up_v[sl]
            raw = jnp.maximum(mu16 * up16, eps)
            if alpha_side:
                r = raw
            else:
                r = jnp.maximum(up16 - raw, eps)
            r_v[sl] = jnp.maximum(r + g + tu_v[sl] + ti_v[sl], eps)
        pltpu.sync_copy(r_v, res_hbm.at[sl_w])
        m1.wait()

    return pl.kernel(
        body,
        out_type=(jax.ShapeDtypeStruct((_B,), jnp.float32),
                  jax.ShapeDtypeStruct((_B,), jnp.float32)),
        mesh=plsc.VectorSubcoreMesh(core_axis_name="c", subcore_axis_name="s"),
        scratch_types=[
            pltpu.VMEM((_BW,), jnp.int32),
            pltpu.VMEM((_BW,), jnp.int32),
            pltpu.VMEM((_BW,), jnp.float32),
            pltpu.VMEM((_BW,), jnp.float32),
            pltpu.VMEM((_BW,), jnp.float32),
            pltpu.VMEM((_BW,), jnp.float32),
            pltpu.VMEM((_BW,), jnp.float32),
            pltpu.VMEM((_L,), jnp.float32),
            pltpu.SemaphoreType.DMA,
            pltpu.SemaphoreType.DMA,
        ],
        name="alpha_half" if alpha_side else "beta_half",
    )


_alpha_call = _make_half(True)
_beta_call = _make_half(False)


def _flat_table(t):
    return jnp.pad(t, ((0, _NPAD - _N), (0, 0))).reshape(-1)


@jax.jit
def kernel(uid, iid, mu, upsilon, uid_alpha_emb, iid_alpha_emb,
           uid_beta_emb, iid_beta_emb, g_alpha_bias, g_beta_bias):
    ga = jnp.full((_L,), g_alpha_bias, jnp.float32)
    gb = jnp.full((_L,), g_beta_bias, jnp.float32)
    uid32 = uid.astype(jnp.int32)
    iid32 = iid.astype(jnp.int32)
    mu1 = mu.reshape(-1)
    up1 = upsilon.reshape(-1)
    mu_o, alpha = _alpha_call(
        uid32, iid32, mu1, up1,
        _flat_table(uid_alpha_emb), _flat_table(iid_alpha_emb), ga)
    up_o, beta = _beta_call(
        uid32, iid32, mu1, up1,
        _flat_table(uid_beta_emb), _flat_table(iid_beta_emb), gb)
    return (mu_o.reshape(-1, 1), up_o.reshape(-1, 1),
            alpha.reshape(-1, 1), beta.reshape(-1, 1))

# --- scband reference (transcript-rebuilt; emitter-appended) ---
"""Pipeline reference for scband-bias-alpha-beta-35296041239078 (READ-ONLY COPY).

The authoritative reference and input builder live on the scoring server;
editing this copy changes nothing except your own understanding.
"""

import jax, jax.numpy as jnp
import numpy as np

NUM_USERS = 1000000
NUM_ITEMS = 1000000
BATCH = 16384


def setup_inputs(seed: int = 0) -> dict:
    key = jax.random.key(seed)
    k1, k2, k3, k4, k5, k6, k7, k8 = jax.random.split(key, 8)
    uid = jax.random.randint(k1, (BATCH,), 0, NUM_USERS, dtype=jnp.int64 if jax.config.read('jax_enable_x64') else jnp.int32)
    iid = jax.random.randint(k2, (BATCH,), 0, NUM_ITEMS, dtype=jnp.int64 if jax.config.read('jax_enable_x64') else jnp.int32)
    mu = jax.random.uniform(k3, (BATCH, 1), dtype=jnp.float32)
    upsilon = jax.random.uniform(k4, (BATCH, 1), dtype=jnp.float32)
    # learned parameters: four embedding tables (normal_ init, std=0.01) + two global biases (0.3)
    uid_alpha_emb = 0.01 * jax.random.normal(k5, (NUM_USERS, 1), dtype=jnp.float32)
    iid_alpha_emb = 0.01 * jax.random.normal(k6, (NUM_ITEMS, 1), dtype=jnp.float32)
    uid_beta_emb = 0.01 * jax.random.normal(k7, (NUM_USERS, 1), dtype=jnp.float32)
    iid_beta_emb = 0.01 * jax.random.normal(k8, (NUM_ITEMS, 1), dtype=jnp.float32)
    g_alpha_bias = jnp.float32(0.3)
    g_beta_bias = jnp.float32(0.3)
    return {
        'uid': uid, 'iid': iid, 'mu': mu, 'upsilon': upsilon,
        'uid_alpha_emb': uid_alpha_emb, 'iid_alpha_emb': iid_alpha_emb,
        'uid_beta_emb': uid_beta_emb, 'iid_beta_emb': iid_beta_emb,
        'g_alpha_bias': g_alpha_bias, 'g_beta_bias': g_beta_bias,
    }


def reference(uid, iid, mu, upsilon, uid_alpha_emb, iid_alpha_emb,
              uid_beta_emb, iid_beta_emb, g_alpha_bias, g_beta_bias):
    eps = jnp.float32(0.01)
    # embedding lookups (gather)
    ua = jnp.take(uid_alpha_emb, uid, axis=0)  # [B, 1]
    ia = jnp.take(iid_alpha_emb, iid, axis=0)
    ub = jnp.take(uid_beta_emb, uid, axis=0)
    ib = jnp.take(iid_beta_emb, iid, axis=0)
    alpha = jnp.maximum(mu * upsilon, eps)
    beta = jnp.maximum(upsilon - alpha, eps)
    alpha = alpha + g_alpha_bias
    beta = beta + g_beta_bias
    alpha = jnp.maximum(alpha + ua + ia, eps)
    beta = jnp.maximum(beta + ub + ib, eps)
    return (mu, upsilon, alpha, beta)

if __name__ == "__main__":
    import jax
    _d = setup_inputs()
    print(jax.jit(kernel)(*tuple(_d.values())))

</pallas_src>

<mosaic_0001>
#map = affine_map<(d0, d1) -> (0)>
module attributes {stable_mosaic.version = 14 : i64} {
  func.func @alpha_half(%arg0: i32, %arg1: i32, %arg2: memref<16384xi32, #tpu.memory_space<hbm>>, %arg3: memref<16384xi32, #tpu.memory_space<hbm>>, %arg4: memref<16384xf32, #tpu.memory_space<hbm>>, %arg5: memref<16384xf32, #tpu.memory_space<hbm>>, %arg6: memref<1000448xf32, #tpu.memory_space<hbm>>, %arg7: memref<1000448xf32, #tpu.memory_space<hbm>>, %arg8: memref<16xf32, #tpu.memory_space<hbm>>, %arg9: memref<16384xf32, #tpu.memory_space<hbm>>, %arg10: memref<16384xf32, #tpu.memory_space<hbm>>, %arg11: memref<512xi32, #tpu.memory_space<vmem>>, %arg12: memref<512xi32, #tpu.memory_space<vmem>>, %arg13: memref<512xf32, #tpu.memory_space<vmem>>, %arg14: memref<512xf32, #tpu.memory_space<vmem>>, %arg15: memref<512xf32, #tpu.memory_space<vmem>>, %arg16: memref<512xf32, #tpu.memory_space<vmem>>, %arg17: memref<512xf32, #tpu.memory_space<vmem>>, %arg18: memref<16xf32, #tpu.memory_space<vmem>>, %arg19: memref<!tpu.dma_semaphore, #tpu.memory_space<semaphore_mem>>, %arg20: memref<!tpu.dma_semaphore, #tpu.memory_space<semaphore_mem>>) attributes {dimension_semantics = [#tpu.dimension_semantics<core_parallel>, #tpu.dimension_semantics<subcore_parallel>], iteration_bounds = array<i64: 2, 16>, scalar_prefetch = 0 : i64, scratch_operands = 10 : i64, tpu.core_type = #tpu.core_type<sc_vector_subcore>, window_params = [{transform_indices = #map}, {transform_indices = #map}, {transform_indices = #map}, {transform_indices = #map}, {transform_indices = #map}, {transform_indices = #map}, {transform_indices = #map}, {transform_indices = #map}, {transform_indices = #map}]} {
    %mul3A = arith.constant 2 : i32
    %mul3A_0 = arith.muli %arg1, %mul3A : i32
    %add3A = arith.addi %mul3A_0, %arg0 : i32
    %mul3A_1 = arith.constant 512 : i32
    %mul3A_2 = arith.muli %add3A, %mul3A_1 : i32
    "tpu.region"() ({
      %run_scoped3A = tpu.sem_alloc : memref<!tpu.dma_semaphore, #tpu.memory_space<semaphore_mem>>
      %dma_start3A_845 = tpu.memref_slice %arg2[%mul3A_2] : memref<16384xi32, #tpu.memory_space<hbm>> -> memref<512xi32, #tpu.memory_space<hbm>>
      %dma_start3A_846 = tpu.memref_slice %arg2[%mul3A_2] : memref<16384xi32, #tpu.memory_space<hbm>> -> memref<512xi32, #tpu.memory_space<hbm>>
      tpu.enqueue_dma source(%dma_start3A_846 : memref<512xi32, #tpu.memory_space<hbm>>) target(%arg11 : memref<512xi32, #tpu.memory_space<vmem>>) target_semaphore(%run_scoped3A : memref<!tpu.dma_semaphore, #tpu.memory_space<semaphore_mem>>)
      %dma_wait3A_847 = tpu.memref_slice %arg2[%mul3A_2] : memref<16384xi32, #tpu.memory_space<hbm>> -> memref<512xi32, #tpu.memory_space<hbm>>
      %dma_wait3A_848 = tpu.memref_slice %arg2[%mul3A_2] : memref<16384xi32, #tpu.memory_space<hbm>> -> memref<512xi32, #tpu.memory_space<hbm>>
      tpu.wait_dma2 semaphore(%run_scoped3A : memref<!tpu.dma_semaphore, #tpu.memory_space<semaphore_mem>>) src(%dma_wait3A_848 : memref<512xi32, #tpu.memory_space<hbm>>) dst(%arg11 : memref<512xi32, #tpu.memory_space<vmem>>)
      tpu.yield
    }) : () -> ()
    "tpu.region"() ({
      %run_scoped3A = tpu.sem_alloc : memref<!tpu.dma_semaphore, #tpu.memory_space<semaphore_mem>>
      %dma_start3A_845 = tpu.memref_slice %arg3[%mul3A_2] : memref<16384xi32, #tpu.memory_space<hbm>> -> memref<512xi32, #tpu.memory_space<hbm>>
      %dma_start3A_846 = tpu.memref_slice %arg3[%mul3A_2] : memref<16384xi32, #tpu.memory_space<hbm>> -> memref<512xi32, #tpu.memory_space<hbm>>
      tpu.enqueue_dma source(%dma_start3A_846 : memref<512xi32, #tpu.memory_space<hbm>>) target(%arg12 : memref<512xi32, #tpu.memory_space<vmem>>) target_semaphore(%run_scoped3A : memref<!tpu.dma_semaphore, #tpu.memory_space<semaphore_mem>>)
      %dma_wait3A_847 = tpu.memref_slice %arg3[%mul3A_2] : memref<16384xi32, #tpu.memory_space<hbm>> -> memref<512xi32, #tpu.memory_space<hbm>>
      %dma_wait3A_848 = tpu.memref_slice %arg3[%mul3A_2] : memref<16384xi32, #tpu.memory_space<hbm>> -> memref<512xi32, #tpu.memory_space<hbm>>
      tpu.wait_dma2 semaphore(%run_scoped3A : memref<!tpu.dma_semaphore, #tpu.memory_space<semaphore_mem>>) src(%dma_wait3A_848 : memref<512xi32, #tpu.memory_space<hbm>>) dst(%arg12 : memref<512xi32, #tpu.memory_space<vmem>>)
      tpu.yield
    }) : () -> ()
    %dma_start3A = arith.constant 0 : i32
    %dma_start3A_3 = tpu.memref_slice %arg6[%dma_start3A] : memref<1000448xf32, #tpu.memory_space<hbm>> -> memref<1000448xf32, #tpu.memory_space<hbm>>
    tpu.enqueue_indirect_dma source(%dma_start3A_3 : memref<1000448xf32, #tpu.memory_space<hbm>>) target(%arg15 : memref<512xf32, #tpu.memory_space<vmem>>) offsets(%arg11 : memref<512xi32, #tpu.memory_space<vmem>>) semaphore(%arg19 : memref<!tpu.dma_semaphore, #tpu.memory_space<semaphore_mem>>)
    %dma_start3A_4 = arith.constant 0 : i32
    %dma_start3A_5 = tpu.memref_slice %arg7[%dma_start3A_4] : memref<1000448xf32, #tpu.memory_space<hbm>> -> memref<1000448xf32, #tpu.memory_space<hbm>>
    tpu.enqueue_indirect_dma source(%dma_start3A_5 : memref<1000448xf32, #tpu.memory_space<hbm>>) target(%arg16 : memref<512xf32, #tpu.memory_space<vmem>>) offsets(%arg12 : memref<512xi32, #tpu.memory_space<vmem>>) semaphore(%arg19 : memref<!tpu.dma_semaphore, #tpu.memory_space<semaphore_mem>>)
    %dma_start3A_6 = tpu.memref_slice %arg9[%mul3A_2] : memref<16384xf32, #tpu.memory_space<hbm>> -> memref<512xf32, #tpu.memory_space<hbm>>
    %dma_start3A_7 = tpu.memref_slice %arg4[%mul3A_2] : memref<16384xf32, #tpu.memory_space<hbm>> -> memref<512xf32, #tpu.memory_space<hbm>>
    tpu.enqueue_dma source(%dma_start3A_7 : memref<512xf32, #tpu.memory_space<hbm>>) target(%dma_start3A_6 : memref<512xf32, #tpu.memory_space<hbm>>) target_semaphore(%arg20 : memref<!tpu.dma_semaphore, #tpu.memory_space<semaphore_mem>>)
    "tpu.region"() ({
      %run_scoped3A = tpu.sem_alloc : memref<!tpu.dma_semaphore, #tpu.memory_space<semaphore_mem>>
      %dma_start3A_845 = tpu.memref_slice %arg4[%mul3A_2] : memref<16384xf32, #tpu.memory_space<hbm>> -> memref<512xf32, #tpu.memory_space<hbm>>
      %dma_start3A_846 = tpu.memref_slice %arg4[%mul3A_2] : memref<16384xf32, #tpu.memory_space<hbm>> -> memref<512xf32, #tpu.memory_space<hbm>>
      tpu.enqueue_dma source(%dma_start3A_846 : memref<512xf32, #tpu.memory_space<hbm>>) target(%arg13 : memref<512xf32, #tpu.memory_space<vmem>>) target_semaphore(%run_scoped3A : memref<!tpu.dma_semaphore, #tpu.memory_space<semaphore_mem>>)
      %dma_wait3A_847 = tpu.memref_slice %arg4[%mul3A_2] : memref<16384xf32, #tpu.memory_space<hbm>> -> memref<512xf32, #tpu.memory_space<hbm>>
      %dma_wait3A_848 = tpu.memref_slice %arg4[%mul3A_2] : memref<16384xf32, #tpu.memory_space<hbm>> -> memref<512xf32, #tpu.memory_space<hbm>>
      tpu.wait_dma2 semaphore(%run_scoped3A : memref<!tpu.dma_semaphore, #tpu.memory_space<semaphore_mem>>) src(%dma_wait3A_848 : memref<512xf32, #tpu.memory_space<hbm>>) dst(%arg13 : memref<512xf32, #tpu.memory_space<vmem>>)
      tpu.yield
    }) : () -> ()
    "tpu.region"() ({
      %run_scoped3A = tpu.sem_alloc : memref<!tpu.dma_semaphore, #tpu.memory_space<semaphore_mem>>
      %dma_start3A_845 = tpu.memref_slice %arg5[%mul3A_2] : memref<16384xf32, #tpu.memory_space<hbm>> -> memref<512xf32, #tpu.memory_space<hbm>>
      %dma_start3A_846 = tpu.memref_slice %arg5[%mul3A_2] : memref<16384xf32, #tpu.memory_space<hbm>> -> memref<512xf32, #tpu.memory_space<hbm>>
      tpu.enqueue_dma source(%dma_start3A_846 : memref<512xf32, #tpu.memory_space<hbm>>) target(%arg14 : memref<512xf32, #tpu.memory_space<vmem>>) target_semaphore(%run_scoped3A : memref<!tpu.dma_semaphore, #tpu.memory_space<semaphore_mem>>)
      %dma_wait3A_847 = tpu.memref_slice %arg5[%mul3A_2] : memref<16384xf32, #tpu.memory_space<hbm>> -> memref<512xf32, #tpu.memory_space<hbm>>
      %dma_wait3A_848 = tpu.memref_slice %arg5[%mul3A_2] : memref<16384xf32, #tpu.memory_space<hbm>> -> memref<512xf32, #tpu.memory_space<hbm>>
      tpu.wait_dma2 semaphore(%run_scoped3A : memref<!tpu.dma_semaphore, #tpu.memory_space<semaphore_mem>>) src(%dma_wait3A_848 : memref<512xf32, #tpu.memory_space<hbm>>) dst(%arg14 : memref<512xf32, #tpu.memory_space<vmem>>)
      tpu.yield
    }) : () -> ()
    "tpu.region"() ({
      %run_scoped3A = tpu.sem_alloc : memref<!tpu.dma_semaphore, #tpu.memory_space<semaphore_mem>>
      tpu.enqueue_dma source(%arg8 : memref<16xf32, #tpu.memory_space<hbm>>) target(%arg18 : memref<16xf32, #tpu.memory_space<vmem>>) target_semaphore(%run_scoped3A : memref<!tpu.dma_semaphore, #tpu.memory_space<semaphore_mem>>)
      tpu.wait_dma2 semaphore(%run_scoped3A : memref<!tpu.dma_semaphore, #tpu.memory_space<semaphore_mem>>) src(%arg8 : memref<16xf32, #tpu.memory_space<hbm>>) dst(%arg18 : memref<16xf32, #tpu.memory_space<vmem>>)
      tpu.yield
    }) : () -> ()
    %get3A = arith.constant 0 : index
    %get3A_8 = tpu.vector_load %arg18[%get3A] {strides = array<i32>} : memref<16xf32, #tpu.memory_space<vmem>>, vector<16xf32>,
    %get3A_9 = vector.shape_cast %get3A_8 : vector<16xf32> to vector<16xf32>
    %dma_wait3A = arith.constant 0 : i32
    %dma_wait3A_10 = tpu.memref_slice %arg6[%dma_wait3A] : memref<1000448xf32, #tpu.memory_space<hbm>> -> memref<1000448xf32, #tpu.memory_space<hbm>>
    tpu.wait_indirect_dma semaphore(%arg19 : memref<!tpu.dma_semaphore, #tpu.memory_space<semaphore_mem>>) src(%dma_wait3A_10 : memref<1000448xf32, #tpu.memory_space<hbm>>) dst(%arg15 : memref<512xf32, #tpu.memory_space<vmem>>)
    %dma_wait3A_11 = arith.constant 0 : i32
    %dma_wait3A_12 = tpu.memref_slice %arg7[%dma_wait3A_11] : memref<1000448xf32, #tpu.memory_space<hbm>> -> memref<1000448xf32, #tpu.memory_space<hbm>>
    tpu.wait_indirect_dma semaphore(%arg19 : memref<!tpu.dma_semaphore, #tpu.memory_space<semaphore_mem>>) src(%dma_wait3A_12 : memref<1000448xf32, #tpu.memory_space<hbm>>) dst(%arg16 : memref<512xf32, #tpu.memory_space<vmem>>)
    %get3A_13 = arith.constant 0 : index
    %get3A_14 = tpu.vector_load %arg13[%get3A_13] {strides = array<i32>} : memref<512xf32, #tpu.memory_space<vmem>>, vector<16xf32>,
    %get3A_15 = vector.shape_cast %get3A_14 : vector<16xf32> to vector<16xf32>
    %get3A_16 = arith.constant 0 : index
    %get3A_17 = tpu.vector_load %arg14[%get3A_16] {strides = array<i32>} : memref<512xf32, #tpu.memory_space<vmem>>, vector<16xf32>,
    %get3A_18 = vector.shape_cast %get3A_17 : vector<16xf32> to vector<16xf32>
    %mul3A_19 = arith.mulf %get3A_15, %get3A_18 : vector<16xf32>
    %max3A = arith.constant 0.00999999977 : f32
    %max3A_20 = vector.broadcast %max3A : f32 to vector<16xf32>
    %max3A_21 = arith.maximumf %mul3A_19, %max3A_20 : vector<16xf32>
    %add3A_22 = arith.addf %max3A_21, %get3A_9 : vector<16xf32>
    %get3A_23 = arith.constant 0 : index
    %get3A_24 = tpu.vector_load %arg15[%get3A_23] {strides = array<i32>} : memref<512xf32, #tpu.memory_space<vmem>>, vector<16xf32>,
    %get3A_25 = vector.shape_cast %get3A_24 : vector<16xf32> to vector<16xf32>
    %add3A_26 = arith.addf %add3A_22, %get3A_25 : vector<16xf32>
    %get3A_27 = arith.constant 0 : index
    %get3A_28 = tpu.vector_load %arg16[%get3A_27] {strides = array<i32>} : memref<512xf32, #tpu.memory_space<vmem>>, vector<16xf32>,
    %get3A_29 = vector.shape_cast %get3A_28 : vector<16xf32> to vector<16xf32>
    %add3A_30 = arith.addf %add3A_26, %get3A_29 : vector<16xf32>
    %max3A_31 = arith.constant 0.00999999977 : f32
    %max3A_32 = vector.broadcast %max3A_31 : f32 to vector<16xf32>
    %max3A_33 = arith.maximumf %add3A_30, %max3A_32 : vector<16xf32>
    %swap3A = arith.constant 0 : index
    %swap3A_34 = tpu.vector_load %arg17[%swap3A] {strides = array<i32>} : memref<512xf32, #tpu.memory_space<vmem>>, vector<16xf32>,
    %swap3A_35 = vector.shape_cast %swap3A_34 : vector<16xf32> to vector<16xf32>
    %swap3A_36 = vector.shape_cast %max3A_33 : vector<16xf32> to vector<16xf32>
    tpu.vector_store %arg17[%swap3A], %swap3A_36 {strides = array<i32>} : memref<512xf32, #tpu.memory_space<vmem>>, vector<16xf32>,
    %get3A_37 = arith.constant 16 : index
    %get3A_38 = tpu.vector_load %arg13[%get3A_37] {strides = array<i32>} : memref<512xf32, #tpu.memory_space<vmem>>, vector<16xf32>,
    %get3A_39 = vector.shape_cast %get3A_38 : vector<16xf32> to vector<16xf32>
    %get3A_40 = arith.constant 16 : index
    %get3A_41 = tpu.vector_load %arg14[%get3A_40] {strides = array<i32>} : memref<512xf32, #tpu.memory_space<vmem>>, vector<16xf32>,
    %get3A_42 = vector.shape_cast %get3A_41 : vector<16xf32> to vector<16xf32>
    %mul3A_43 = arith.mulf %get3A_39, %get3A_42 : vector<16xf32>
    %max3A_44 = arith.constant 0.00999999977 : f32
    %max3A_45 = vector.broadcast %max3A_44 : f32 to vector<16xf32>
    %max3A_46 = arith.maximumf %mul3A_43, %max3A_45 : vector<16xf32>
    %add3A_47 = arith.addf %max3A_46, %get3A_9 : vector<16xf32>
    %get3A_48 = arith.constant 16 : index
    %get3A_49 = tpu.vector_load %arg15[%get3A_48] {strides = array<i32>} : memref<512xf32, #tpu.memory_space<vmem>>, vector<16xf32>,
    %get3A_50 = vector.shape_cast %get3A_49 : vector<16xf32> to vector<16xf32>
    %add3A_51 = arith.addf %add3A_47, %get3A_50 : vector<16xf32>
    %get3A_52 = arith.constant 16 : index
    %get3A_53 = tpu.vector_load %arg16[%get3A_52] {strides = array<i32>} : memref<512xf32, #tpu.memory_space<vmem>>, vector<16xf32>,
    %get3A_54 = vector.shape_cast %get3A_53 : vector<16xf32> to vector<16xf32>
    %add3A_55 = arith.addf %add3A_51, %get3A_54 : vector<16xf32>
    %max3A_56 = arith.constant 0.00999999977 : f32
    %max3A_57 = vector.broadcast %max3A_56 : f32 to vector<16xf32>
    %max3A_58 = arith.maximumf %add3A_55, %max3A_57 : vector<16xf32>
    %swap3A_59 = arith.constant 16 : index
    %swap3A_60 = tpu.vector_load %arg17[%swap3A_59] {strides = array<i32>} : memref<512xf32, #tpu.memory_space<vmem>>, vector<16xf32>,
    %swap3A_61 = vector.shape_cast %swap3A_60 : vector<16xf32> to vector<16xf32>
    %swap3A_62 = vector.shape_cast %max3A_58 : vector<16xf32> to vector<16xf32>
    tpu.vector_store %arg17[%swap3A_59], %swap3A_62 {strides = array<i32>} : memref<512xf32, #tpu.memory_space<vmem>>, vector<16xf32>,
    %get3A_63 = arith.constant 32 : index
    %get3A_64 = tpu.vector_load %arg13[%get3A_63] {strides = array<i32>} : memref<512xf32, #tpu.memory_space<vmem>>, vector<16xf32>,
    %get3A_65 = vector.shape_cast %get3A_64 : vector<16xf32> to vector<16xf32>
    %get3A_66 = arith.constant 32 : index
    %get3A_67 = tpu.vector_load %arg14[%get3A_66] {strides = array<i32>} : memref<512xf32, #tpu.memory_space<vmem>>, vector<16xf32>,
    %get3A_68 = vector.shape_cast %get3A_67 : vector<16xf32> to vector<16xf32>
    %mul3A_69 = arith.mulf %get3A_65, %get3A_68 : vector<16xf32>
    %max3A_70 = arith.constant 0.00999999977 : f32
    %max3A_71 = vector.broadcast %max3A_70 : f32 to vector<16xf32>
    %max3A_72 = arith.maximumf %mul3A_69, %max3A_71 : vector<16xf32>
    %add3A_73 = arith.addf %max3A_72, %get3A_9 : vector<16xf32>
    %get3A_74 = arith.constant 32 : index
    %get3A_75 = tpu.vector_load %arg15[%get3A_74] {strides = array<i32>} : memref<512xf32, #tpu.memory_space<vmem>>, vector<16xf32>,
    %get3A_76 = vector.shape_cast %get3A_75 : vector<16xf32> to vector<16xf32>
    %add3A_77 = arith.addf %add3A_73, %get3A_76 : vector<16xf32>
    %get3A_78 = arith.constant 32 : index
    %get3A_79 = tpu.vector_load %arg16[%get3A_78] {strides = array<i32>} : memref<512xf32, #tpu.memory_space<vmem>>, vector<16xf32>,
    %get3A_80 = vector.shape_cast %get3A_79 : vector<16xf32> to vector<16xf32>
    %add3A_81 = arith.addf %add3A_77, %get3A_80 : vector<16xf32>
    %max3A_82 = arith.constant 0.00999999977 : f32
    %max3A_83 = vector.broadcast %max3A_82 : f32 to vector<16xf32>
    %max3A_84 = arith.maximumf %add3A_81, %max3A_83 : vector<16xf32>
    %swap3A_85 = arith.constant 32 : index
    %swap3A_86 = tpu.vector_load %arg17[%swap3A_85] {strides = array<i32>} : memref<512xf32, #tpu.memory_space<vmem>>, vector<16xf32>,
    %swap3A_87 = vector.shape_cast %swap3A_86 : vector<16xf32> to vector<16xf32>
    %swap3A_88 = vector.shape_cast %max3A_84 : vector<16xf32> to vector<16xf32>
    tpu.vector_store %arg17[%swap3A_85], %swap3A_88 {strides = array<i32>} : memref<512xf32, #tpu.memory_space<vmem>>, vector<16xf32>,
    %get3A_89 = arith.constant 48 : index
    %get3A_90 = tpu.vector_load %arg13[%get3A_89] {strides = array<i32>} : memref<512xf32, #tpu.memory_space<vmem>>, vector<16xf32>,
    %get3A_91 = vector.shape_cast %get3A_90 : vector<16xf32> to vector<16xf32>
    %get3A_92 = arith.constant 48 : index
    %get3A_93 = tpu.vector_load %arg14[%get3A_92] {strides = array<i32>} : memref<512xf32, #tpu.memory_space<vmem>>, vector<16xf32>,
    %get3A_94 = vector.shape_cast %get3A_93 : vector<16xf32> to vector<16xf32>
    %mul3A_95 = arith.mulf %get3A_91, %get3A_94 : vector<16xf32>
    %max3A_96 = arith.constant 0.00999999977 : f32
    %max3A_97 = vector.broadcast %max3A_96 : f32 to vector<16xf32>
    %max3A_98 = arith.maximumf %mul3A_95, %max3A_97 : vector<16xf32>
    %add3A_99 = arith.addf %max3A_98, %get3A_9 : vector<16xf32>
    %get3A_100 = arith.constant 48 : index
    %get3A_101 = tpu.vector_load %arg15[%get3A_100] {strides = array<i32>} : memref<512xf32, #tpu.memory_space<vmem>>, vector<16xf32>,
    %get3A_102 = vector.shape_cast %get3A_101 : vector<16xf32> to vector<16xf32>
    %add3A_103 = arith.addf %add3A_99, %get3A_102 : vector<16xf32>
    %get3A_104 = arith.constant 48 : index
    %get3A_105 = tpu.vector_load %arg16[%get3A_104] {strides = array<i32>} : memref<512xf32, #tpu.memory_space<vmem>>, vector<16xf32>,
    %get3A_106 = vector.shape_cast %get3A_105 : vector<16xf32> to vector<16xf32>
    %add3A_107 = arith.addf %add3A_103, %get3A_106 : vector<16xf32>
    %max3A_108 = arith.constant 0.00999999977 : f32
    %max3A_109 = vector.broadcast %max3A_108 : f32 to vector<16xf32>
    %max3A_110 = arith.maximumf %add3A_107, %max3A_109 : vector<16xf32>
    %swap3A_111 = arith.constant 48 : index
    %swap3A_112 = tpu.vector_load %arg17[%swap3A_111] {strides = array<i32>} : memref<512xf32, #tpu.memory_space<vmem>>, vector<16xf32>,
    %swap3A_113 = vector.shape_cast %swap3A_112 : vector<16xf32> to vector<16xf32>
    %swap3A_114 = vector.shape_cast %max3A_110 : vector<16xf32> to vector<16xf32>
    tpu.vector_store %arg17[%swap3A_111], %swap3A_114 {strides = array<i32>} : memref<512xf32, #tpu.memory_space<vmem>>, vector<16xf32>,
    %get3A_115 = arith.constant 64 : index
    %get3A_116 = tpu.vector_load %arg13[%get3A_115] {strides = array<i32>} : memref<512xf32, #tpu.memory_space<vmem>>, vector<16xf32>,
    %get3A_117 = vector.shape_cast %get3A_116 : vector<16xf32> to vector<16xf32>
    %get3A_118 = arith.constant 64 : index
    %get3A_119 = tpu.vector_load %arg14[%get3A_118] {strides = array<i32>} : memref<512xf32, #tpu.memory_space<vmem>>, vector<16xf32>,
    %get3A_120 = vector.shape_cast %get3A_119 : vector<16xf32> to vector<16xf32>
    %mul3A_121 = arith.mulf %get3A_117, %get3A_120 : vector<16xf32>
    %max3A_122 = arith.constant 0.00999999977 : f32
    %max3A_123 = vector.broadcast %max3A_122 : f32 to vector<16xf32>
    %max3A_124 = arith.maximumf %mul3A_121, %max3A_123 : vector<16xf32>
    %add3A_125 = arith.addf %max3A_124, %get3A_9 : vector<16xf32>
    %get3A_126 = arith.constant 64 : index
    %get3A_127 = tpu.vector_load %arg15[%get3A_126] {strides = array<i32>} : memref<512xf32, #tpu.memory_space<vmem>>, vector<16xf32>,
    %get3A_128 = vector.shape_cast %get3A_127 : vector<16xf32> to vector<16xf32>
    %add3A_129 = arith.addf %add3A_125, %get3A_128 : vector<16xf32>
    %get3A_130 = arith.constant 64 : index
    %get3A_131 = tpu.vector_load %arg16[%get3A_130] {strides = array<i32>} : memref<512xf32, #tpu.memory_space<vmem>>, vector<16xf32>,
    %get3A_132 = vector.shape_cast %get3A_131 : vector<16xf32> to vector<16xf32>
    %add3A_133 = arith.addf %add3A_129, %get3A_132 : vector<16xf32>
    %max3A_134 = arith.constant 0.00999999977 : f32
    %max3A_135 = vector.broadcast %max3A_134 : f32 to vector<16xf32>
    %max3A_136 = arith.maximumf %add3A_133, %max3A_135 : vector<16xf32>
    %swap3A_137 = arith.constant 64 : index
    %swap3A_138 = tpu.vector_load %arg17[%swap3A_137] {strides = array<i32>} : memref<512xf32, #tpu.memory_space<vmem>>, vector<16xf32>,
    %swap3A_139 = vector.shape_cast %swap3A_138 : vector<16xf32> to vector<16xf32>
    %swap3A_140 = vector.shape_cast %max3A_136 : vector<16xf32> to vector<16xf32>
    tpu.vector_store %arg17[%swap3A_137], %swap3A_140 {strides = array<i32>} : memref<512xf32, #tpu.memory_space<vmem>>, vector<16xf32>,
    %get3A_141 = arith.constant 80 : index
    %get3A_142 = tpu.vector_load %arg13[%get3A_141] {strides = array<i32>} : memref<512xf32, #tpu.memory_space<vmem>>, vector<16xf32>,
    %get3A_143 = vector.shape_cast %get3A_142 : vector<16xf32> to vector<16xf32>
    %get3A_144 = arith.constant 80 : index
    %get3A_145 = tpu.vector_load %arg14[%get3A_144] {strides = array<i32>} : memref<512xf32, #tpu.memory_space<vmem>>, vector<16xf32>,
    %get3A_146 = vector.shape_cast %get3A_145 : vector<16xf32> to vector<16xf32>
    %mul3A_147 = arith.mulf %get3A_143, %get3A_146 : vector<16xf32>
    %max3A_148 = arith.constant 0.00999999977 : f32
    %max3A_149 = vector.broadcast %max3A_148 : f32 to vector<16xf32>
    %max3A_150 = arith.maximumf %mul3A_147, %max3A_149 : vector<16xf32>
    %add3A_151 = arith.addf %max3A_150, %get3A_9 : vector<16xf32>
    %get3A_152 = arith.constant 80 : index
    %get3A_153 = tpu.vector_load %arg15[%get3A_152] {strides = array<i32>} : memref<512xf32, #tpu.memory_space<vmem>>, vector<16xf32>,
    %get3A_154 = vector.shape_cast %get3A_153 : vector<16xf32> to vector<16xf32>
    %add3A_155 = arith.addf %add3A_151, %get3A_154 : vector<16xf32>
    %get3A_156 = arith.constant 80 : index
    %get3A_157 = tpu.vector_load %arg16[%get3A_156] {strides = array<i32>} : memref<512xf32, #tpu.memory_space<vmem>>, vector<16xf32>,
    %get3A_158 = vector.shape_cast %get3A_157 : vector<16xf32> to vector<16xf32>
    %add3A_159 = arith.addf %add3A_155, %get3A_158 : vector<16xf32>
    %max3A_160 = arith.constant 0.00999999977 : f32
    %max3A_161 = vector.broadcast %max3A_160 : f32 to vector<16xf32>
    %max3A_162 = arith.maximumf %add3A_159, %max3A_161 : vector<16xf32>
    %swap3A_163 = arith.constant 80 : index
    %swap3A_164 = tpu.vector_load %arg17[%swap3A_163] {strides = array<i32>} : memref<512xf32, #tpu.memory_space<vmem>>, vector<16xf32>,
    %swap3A_165 = vector.shape_cast %swap3A_164 : vector<16xf32> to vector<16xf32>
    %swap3A_166 = vector.shape_cast %max3A_162 : vector<16xf32> to vector<16xf32>
    tpu.vector_store %arg17[%swap3A_163], %swap3A_166 {strides = array<i32>} : memref<512xf32, #tpu.memory_space<vmem>>, vector<16xf32>,
    %get3A_167 = arith.constant 96 : index
    %get3A_168 = tpu.vector_load %arg13[%get3A_167] {strides = array<i32>} : memref<512xf32, #tpu.memory_space<vmem>>, vector<16xf32>,
    %get3A_169 = vector.shape_cast %get3A_168 : vector<16xf32> to vector<16xf32>
    %get3A_170 = arith.constant 96 : index
    %get3A_171 = tpu.vector_load %arg14[%get3A_170] {strides = array<i32>} : memref<512xf32, #tpu.memory_space<vmem>>, vector<16xf32>,
    %get3A_172 = vector.shape_cast %get3A_171 : vector<16xf32> to vector<16xf32>
    %mul3A_173 = arith.mulf %get3A_169, %get3A_172 : vector<16xf32>
    %max3A_174 = arith.constant 0.00999999977 : f32
    %max3A_175 = vector.broadcast %max3A_174 : f32 to vector<16xf32>
    %max3A_176 = arith.maximumf %mul3A_173, %max3A_175 : vector<16xf32>
    %add3A_177 = arith.addf %max3A_176, %get3A_9 : vector<16xf32>
    %get3A_178 = arith.constant 96 : index
    %get3A_179 = tpu.vector_load %arg15[%get3A_178] {strides = array<i32>} : memref<512xf32, #tpu.memory_space<vmem>>, vector<16xf32>,
    %get3A_180 = vector.shape_cast %get3A_179 : vector<16xf32> to vector<16xf32>
    %add3A_181 = arith.addf %add3A_177, %get3A_180 : vector<16xf32>
    %get3A_182 = arith.constant 96 : index
    %get3A_183 = tpu.vector_load %arg16[%get3A_182] {strides = array<i32>} : memref<512xf32, #tpu.memory_space<vmem>>, vector<16xf32>,
    %get3A_184 = vector.shape_cast %get3A_183 : vector<16xf32> to vector<16xf32>
    %add3A_185 = arith.addf %add3A_181, %get3A_184 : vector<16xf32>
    %max3A_186 = arith.constant 0.00999999977 : f32
    %max3A_187 = vector.broadcast %max3A_186 : f32 to vector<16xf32>
    %max3A_188 = arith.maximumf %add3A_185, %max3A_187 : vector<16xf32>
    %swap3A_189 = arith.constant 96 : index
    %swap3A_190 = tpu.vector_load %arg17[%swap3A_189] {strides = array<i32>} : memref<512xf32, #tpu.memory_space<vmem>>, vector<16xf32>,
    %swap3A_191 = vector.shape_cast %swap3A_190 : vector<16xf32> to vector<16xf32>
    %swap3A_192 = vector.shape_cast %max3A_188 : vector<16xf32> to vector<16xf32>
    tpu.vector_store %arg17[%swap3A_189], %swap3A_192 {strides = array<i32>} : memref<512xf32, #tpu.memory_space<vmem>>, vector<16xf32>,
    %get3A_193 = arith.constant 112 : index
    %get3A_194 = tpu.vector_load %arg13[%get3A_193] {strides = array<i32>} : memref<512xf32, #tpu.memory_space<vmem>>, vector<16xf32>,
    %get3A_195 = vector.shape_cast %get3A_194 : vector<16xf32> to vector<16xf32>
    %get3A_196 = arith.constant 112 : index
    %get3A_197 = tpu.vector_load %arg14[%get3A_196] {strides = array<i32>} : memref<512xf32, #tpu.memory_space<vmem>>, vector<16xf32>,
    %get3A_198 = vector.shape_cast %get3A_197 : vector<16xf32> to vector<16xf32>
    %mul3A_199 = arith.mulf %get3A_195, %get3A_198 : vector<16xf32>
    %max3A_200 = arith.constant 0.00999999977 : f32
    %max3A_201 = vector.broadcast %max3A_200 : f32 to vector<16xf32>
    %max3A_202 = arith.maximumf %mul3A_199, %max3A_201 : vector<16xf32>
    %add3A_203 = arith.addf %max3A_202, %get3A_9 : vector<16xf32>
    %get3A_204 = arith.constant 112 : index
    %get3A_205 = tpu.vector_load %arg15[%get3A_204] {strides = array<i32>} : memref<512xf32, #tpu.memory_space<vmem>>, vector<16xf32>,
    %get3A_206 = vector.shape_cast %get3A_205 : vector<16xf32> to vector<16xf32>
    %add3A_207 = arith.addf %add3A_203, %get3A_206 : vector<16xf32>
    %get3A_208 = arith.constant 112 : index
    %get3A_209 = tpu.vector_load %arg16[%get3A_208] {strides = array<i32>} : memref<512xf32, #tpu.memory_space<vmem>>, vector<16xf32>,
    %get3A_210 = vector.shape_cast %get3A_209 : vector<16xf32> to vector<16xf32>
    %add3A_211 = arith.addf %add3A_207, %get3A_210 : vector<16xf32>
    %max3A_212 = arith.constant 0.00999999977 : f32
    %max3A_213 = vector.broadcast %max3A_212 : f32 to vector<16xf32>
    %max3A_214 = arith.maximumf %add3A_211, %max3A_213 : vector<16xf32>
    %swap3A_215 = arith.constant 112 : index
    %swap3A_216 = tpu.vector_load %arg17[%swap3A_215] {strides = array<i32>} : memref<512xf32, #tpu.memory_space<vmem>>, vector<16xf32>,
    %swap3A_217 = vector.shape_cast %swap3A_216 : vector<16xf32> to vector<16xf32>
    %swap3A_218 = vector.shape_cast %max3A_214 : vector<16xf32> to vector<16xf32>
    tpu.vector_store %arg17[%swap3A_215], %swap3A_218 {strides = array<i32>} : memref<512xf32, #tpu.memory_space<vmem>>, vector<16xf32>,
    %get3A_219 = arith.constant 128 : index
    %get3A_220 = tpu.vector_load %arg13[%get3A_219] {strides = array<i32>} : memref<512xf32, #tpu.memory_space<vmem>>, vector<16xf32>,
    %get3A_221 = vector.shape_cast %get3A_220 : vector<16xf32> to vector<16xf32>
    %get3A_222 = arith.constant 128 : index
    %get3A_223 = tpu.vector_load %arg14[%get3A_222] {strides = array<i32>} : memref<512xf32, #tpu.memory_space<vmem>>, vector<16xf32>,
    %get3A_224 = vector.shape_cast %get3A_223 : vector<16xf32> to vector<16xf32>
    %mul3A_225 = arith.mulf %get3A_221, %get3A_224 : vector<16xf32>
    %max3A_226 = arith.constant 0.00999999977 : f32
    %max3A_227 = vector.broadcast %max3A_226 : f32 to vector<16xf32>
    %max3A_228 = arith.maximumf %mul3A_225, %max3A_227 : vector<16xf32>
    %add3A_229 = arith.addf %max3A_228, %get3A_9 : vector<16xf32>
    %get3A_230 = arith.constant 128 : index
    %get3A_231 = tpu.vector_load %arg15[%get3A_230] {strides = array<i32>} : memref<512xf32, #tpu.memory_space<vmem>>, vector<16xf32>,
    %get3A_232 = vector.shape_cast %get3A_231 : vector<16xf32> to vector<16xf32>
    %add3A_233 = arith.addf %add3A_229, %get3A_232 : vector<16xf32>
    %get3A_234 = arith.constant 128 : index
    %get3A_235 = tpu.vector_load %arg16[%get3A_234] {strides = array<i32>} : memref<512xf32, #tpu.memory_space<vmem>>, vector<16xf32>,
    %get3A_236 = vector.shape_cast %get3A_235 : vector<16xf32> to vector<16xf32>
    %add3A_237 = arith.addf %add3A_233, %get3A_236 : vector<16xf32>
    %max3A_238 = arith.constant 0.00999999977 : f32
    %max3A_239 = vector.broadcast %max3A_238 : f32 to vector<16xf32>
    %max3A_240 = arith.maximumf %add3A_237, %max3A_239 : vector<16xf32>
    %swap3A_241 = arith.constant 128 : index
    %swap3A_242 = tpu.vector_load %arg17[%swap3A_241] {strides = array<i32>} : memref<512xf32, #tpu.memory_space<vmem>>, vector<16xf32>,
    %swap3A_243 = vector.shape_cast %swap3A_242 : vector<16xf32> to vector<16xf32>
    %swap3A_244 = vector.shape_cast %max3A_240 : vector<16xf32> to vector<16xf32>
    tpu.vector_store %arg17[%swap3A_241], %swap3A_244 {strides = array<i32>} : memref<512xf32, #tpu.memory_space<vmem>>, vector<16xf32>,
    %get3A_245 = arith.constant 144 : index
    %get3A_246 = tpu.vector_load %arg13[%get3A_245] {strides = array<i32>} : memref<512xf32, #tpu.memory_space<vmem>>, vector<16xf32>,
    %get3A_247 = vector.shape_cast %get3A_246 : vector<16xf32> to vector<16xf32>
    %get3A_248 = arith.constant 144 : index
    %get3A_249 = tpu.vector_load %arg14[%get3A_248] {strides = array<i32>} : memref<512xf32, #tpu.memory_space<vmem>>, vector<16xf32>,
    %get3A_250 = vector.shape_cast %get3A_249 : vector<16xf32> to vector<16xf32>
    %mul3A_251 = arith.mulf %get3A_247, %get3A_250 : vector<16xf32>
    %max3A_252 = arith.constant 0.00999999977 : f32
    %max3A_253 = vector.broadcast %max3A_252 : f32 to vector<16xf32>
    %max3A_254 = arith.maximumf %mul3A_251, %max3A_253 : vector<16xf32>
    %add3A_255 = arith.addf %max3A_254, %get3A_9 : vector<16xf32>
    %get3A_256 = arith.constant 144 : index
    %get3A_257 = tpu.vector_load %arg15[%get3A_256] {strides = array<i32>} : memref<512xf32, #tpu.memory_space<vmem>>, vector<16xf32>,
    %get3A_258 = vector.shape_cast %get3A_257 : vector<16xf32> to vector<16xf32>
    %add3A_259 = arith.addf %add3A_255, %get3A_258 : vector<16xf32>
    %get3A_260 = arith.constant 144 : index
    %get3A_261 = tpu.vector_load %arg16[%get3A_260] {strides = array<i32>} : memref<512xf32, #tpu.memory_space<vmem>>, vector<16xf32>,
    %get3A_262 = vector.shape_cast %get3A_261 : vector<16xf32> to vector<16xf32>
    %add3A_263 = arith.addf %add3A_259, %get3A_262 : vector<16xf32>
    %max3A_264 = arith.constant 0.00999999977 : f32
    %max3A_265 = vector.broadcast %max3A_264 : f32 to vector<16xf32>
    %max3A_266 = arith.maximumf %add3A_263, %max3A_265 : vector<16xf32>
    %swap3A_267 = arith.constant 144 : index
    %swap3A_268 = tpu.vector_load %arg17[%swap3A_267] {strides = array<i32>} : memref<512xf32, #tpu.memory_space<vmem>>, vector<16xf32>,
    %swap3A_269 = vector.shape_cast %swap3A_268 : vector<16xf32> to vector<16xf32>
    %swap3A_270 = vector.shape_cast %max3A_266 : vector<16xf32> to vector<16xf32>
    tpu.vector_store %arg17[%swap3A_267], %swap3A_270 {strides = array<i32>} : memref<512xf32, #tpu.memory_space<vmem>>, vector<16xf32>,
    %get3A_271 = arith.constant 160 : index
    %get3A_272 = tpu.vector_load %arg13[%get3A_271] {strides = array<i32>} : memref<512xf32, #tpu.memory_space<vmem>>, vector<16xf32>,
    %get3A_273 = vector.shape_cast %get3A_272 : vector<16xf32> to vector<16xf32>
    %get3A_274 = arith.constant 160 : index
    %get3A_275 = tpu.vector_load %arg14[%get3A_274] {strides = array<i32>} : memref<512xf32, #tpu.memory_space<vmem>>, vector<16xf32>,
    %get3A_276 = vector.shape_cast %get3A_275 : vector<16xf32> to vector<16xf32>
    %mul3A_277 = arith.mulf %get3A_273, %get3A_276 : vector<16xf32>
    %max3A_278 = arith.constant 0.00999999977 : f32
    %max3A_279 = vector.broadcast %max3A_278 : f32 to vector<16xf32>
    %max3A_280 = arith.maximumf %mul3A_277, %max3A_279 : vector<16xf32>
    %add3A_281 = arith.addf %max3A_280, %get3A_9 : vector<16xf32>
    %get3A_282 = arith.constant 160 : index
    %get3A_283 = tpu.vector_load %arg15[%get3A_282] {strides = array<i32>} : memref<512xf32, #tpu.memory_space<vmem>>, vector<16xf32>,
    %get3A_284 = vector.shape_cast %get3A_283 : vector<16xf32> to vector<16xf32>
    %add3A_285 = arith.addf %add3A_281, %get3A_284 : vector<16xf32>
    %get3A_286 = arith.constant 160 : index
    %get3A_287 = tpu.vector_load %arg16[%get3A_286] {strides = array<i32>} : memref<512xf32, #tpu.memory_space<vmem>>, vector<16xf32>,
    %get3A_288 = vector.shape_cast %get3A_287 : vector<16xf32> to vector<16xf32>
    %add3A_289 = arith.addf %add3A_285, %get3A_288 : vector<16xf32>
    %max3A_290 = arith.constant 0.00999999977 : f32
    %max3A_291 = vector.broadcast %max3A_290 : f32 to vector<16xf32>
    %max3A_292 = arith.maximumf %add3A_289, %max3A_291 : vector<16xf32>
    %swap3A_293 = arith.constant 160 : index
    %swap3A_294 = tpu.vector_load %arg17[%swap3A_293] {strides = array<i32>} : memref<512xf32, #tpu.memory_space<vmem>>, vector<16xf32>,
    %swap3A_295 = vector.shape_cast %swap3A_294 : vector<16xf32> to vector<16xf32>
    %swap3A_296 = vector.shape_cast %max3A_292 : vector<16xf32> to vector<16xf32>
    tpu.vector_store %arg17[%swap3A_293], %swap3A_296 {strides = array<i32>} : memref<512xf32, #tpu.memory_space<vmem>>, vector<16xf32>,
    %get3A_297 = arith.constant 176 : index
    %get3A_298 = tpu.vector_load %arg13[%get3A_297] {strides = array<i32>} : memref<512xf32, #tpu.memory_space<vmem>>, vector<16xf32>,
    %get3A_299 = vector.shape_cast %get3A_298 : vector<16xf32> to vector<16xf32>
    %get3A_300 = arith.constant 176 : index
    %get3A_301 = tpu.vector_load %arg14[%get3A_300] {strides = array<i32>} : memref<512xf32, #tpu.memory_space<vmem>>, vector<16xf32>,
    %get3A_302 = vector.shape_cast %get3A_301 : vector<16xf32> to vector<16xf32>
    %mul3A_303 = arith.mulf %get3A_299, %get3A_302 : vector<16xf32>
    %max3A_304 = arith.constant 0.00999999977 : f32
    %max3A_305 = vector.broadcast %max3A_304 : f32 to vector<16xf32>
    %max3A_306 = arith.maximumf %mul3A_303, %max3A_305 : vector<16xf32>
    %add3A_307 = arith.addf %max3A_306, %get3A_9 : vector<16xf32>
    %get3A_308 = arith.constant 176 : index
    %get3A_309 = tpu.vector_load %arg15[%get3A_308] {strides = array<i32>} : memref<512xf32, #tpu.memory_space<vmem>>, vector<16xf32>,
    %get3A_310 = vector.shape_cast %get3A_309 : vector<16xf32> to vector<16xf32>
    %add3A_311 = arith.addf %add3A_307, %get3A_310 : vector<16xf32>
    %get3A_312 = arith.constant 176 : index
    %get3A_313 = tpu.vector_load %arg16[%get3A_312] {strides = array<i32>} : memref<512xf32, #tpu.memory_space<vmem>>, vector<16xf32>,
    %get3A_314 = vector.shape_cast %get3A_313 : vector<16xf32> to vector<16xf32>
    %add3A_315 = arith.addf %add3A_311, %get3A_314 : vector<16xf32>
    %max3A_316 = arith.constant 0.00999999977 : f32
    %max3A_317 = vector.broadcast %max3A_316 : f32 to vector<16xf32>
    %max3A_318 = arith.maximumf %add3A_315, %max3A_317 : vector<16xf32>
    %swap3A_319 = arith.constant 176 : index
    %swap3A_320 = tpu.vector_load %arg17[%swap3A_319] {strides = array<i32>} : memref<512xf32, #tpu.memory_space<vmem>>, vector<16xf32>,
    %swap3A_321 = vector.shape_cast %swap3A_320 : vector<16xf32> to vector<16xf32>
    %swap3A_322 = vector.shape_cast %max3A_318 : vector<16xf32> to vector<16xf32>
    tpu.vector_store %arg17[%swap3A_319], %swap3A_322 {strides = array<i32>} : memref<512xf32, #tpu.memory_space<vmem>>, vector<16xf32>,
    %get3A_323 = arith.constant 192 : index
    %get3A_324 = tpu.vector_load %arg13[%get3A_323] {strides = array<i32>} : memref<512xf32, #tpu.memory_space<vmem>>, vector<16xf32>,
    %get3A_325 = vector.shape_cast %get3A_324 : vector<16xf32> to vector<16xf32>
    %get3A_326 = arith.constant 192 : index
    %get3A_327 = tpu.vector_load %arg14[%get3A_326] {strides = array<i32>} : memref<512xf32, #tpu.memory_space<vmem>>, vector<16xf32>,
    %get3A_328 = vector.shape_cast %get3A_327 : vector<16xf32> to vector<16xf32>
    %mul3A_329 = arith.mulf %get3A_325, %get3A_328 : vector<16xf32>
    %max3A_330 = arith.constant 0.00999999977 : f32
    %max3A_331 = vector.broadcast %max3A_330 : f32 to vector<16xf32>
    %max3A_332 = arith.maximumf %mul3A_329, %max3A_331 : vector<16xf32>
    %add3A_333 = arith.addf %max3A_332, %get3A_9 : vector<16xf32>
    %get3A_334 = arith.constant 192 : index
    %get3A_335 = tpu.vector_load %arg15[%get3A_334] {strides = array<i32>} : memref<512xf32, #tpu.memory_space<vmem>>, vector<16xf32>,
    %get3A_336 = vector.shape_cast %get3A_335 : vector<16xf32> to vector<16xf32>
    %add3A_337 = arith.addf %add3A_333, %get3A_336 : vector<16xf32>
    %get3A_338 = arith.constant 192 : index
    %get3A_339 = tpu.vector_load %arg16[%get3A_338] {strides = array<i32>} : memref<512xf32, #tpu.memory_space<vmem>>, vector<16xf32>,
    %get3A_340 = vector.shape_cast %get3A_339 : vector<16xf32> to vector<16xf32>
    %add3A_341 = arith.addf %add3A_337, %get3A_340 : vector<16xf32>
    %max3A_342 = arith.constant 0.00999999977 : f32
    %max3A_343 = vector.broadcast %max3A_342 : f32 to vector<16xf32>
    %max3A_344 = arith.maximumf %add3A_341, %max3A_343 : vector<16xf32>
    %swap3A_345 = arith.constant 192 : index
    %swap3A_346 = tpu.vector_load %arg17[%swap3A_345] {strides = array<i32>} : memref<512xf32, #tpu.memory_space<vmem>>, vector<16xf32>,
    %swap3A_347 = vector.shape_cast %swap3A_346 : vector<16xf32> to vector<16xf32>
    %swap3A_348 = vector.shape_cast %max3A_344 : vector<16xf32> to vector<16xf32>
    tpu.vector_store %arg17[%swap3A_345], %swap3A_348 {strides = array<i32>} : memref<512xf32, #tpu.memory_space<vmem>>, vector<16xf32>,
    %get3A_349 = arith.constant 208 : index
    %get3A_350 = tpu.vector_load %arg13[%get3A_349] {strides = array<i32>} : memref<512xf32, #tpu.memory_space<vmem>>, vector<16xf32>,
    %get3A_351 = vector.shape_cast %get3A_350 : vector<16xf32> to vector<16xf32>
    %get3A_352 = arith.constant 208 : index
    %get3A_353 = tpu.vector_load %arg14[%get3A_352] {strides = array<i32>} : memref<512xf32, #tpu.memory_space<vmem>>, vector<16xf32>,
    %get3A_354 = vector.shape_cast %get3A_353 : vector<16xf32> to vector<16xf32>
    %mul3A_355 = arith.mulf %get3A_351, %get3A_354 : vector<16xf32>
    %max3A_356 = arith.constant 0.00999999977 : f32
    %max3A_357 = vector.broadcast %max3A_356 : f32 to vector<16xf32>
    %max3A_358 = arith.maximumf %mul3A_355, %max3A_357 : vector<16xf32>
    %add3A_359 = arith.addf %max3A_358, %get3A_9 : vector<16xf32>
    %get3A_360 = arith.constant 208 : index
    %get3A_361 = tpu.vector_load %arg15[%get3A_360] {strides = array<i32>} : memref<512xf32, #tpu.memory_space<vmem>>, vector<16xf32>,
    %get3A_362 = vector.shape_cast %get3A_361 : vector<16xf32> to vector<16xf32>
    %add3A_363 = arith.addf %add3A_359, %get3A_362 : vector<16xf32>
    %get3A_364 = arith.constant 208 : index
    %get3A_365 = tpu.vector_load %arg16[%get3A_364] {strides = array<i32>} : memref<512xf32, #tpu.memory_space<vmem>>, vector<16xf32>,
    %get3A_366 = vector.shape_cast %get3A_365 : vector<16xf32> to vector<16xf32>
    %add3A_367 = arith.addf %add3A_363, %get3A_366 : vector<16xf32>
    %max3A_368 = arith.constant 0.00999999977 : f32
    %max3A_369 = vector.broadcast %max3A_368 : f32 to vector<16xf32>
    %max3A_370 = arith.maximumf %add3A_367, %max3A_369 : vector<16xf32>
    %swap3A_371 = arith.constant 208 : index
    %swap3A_372 = tpu.vector_load %arg17[%swap3A_371] {strides = array<i32>} : memref<512xf32, #tpu.memory_space<vmem>>, vector<16xf32>,
    %swap3A_373 = vector.shape_cast %swap3A_372 : vector<16xf32> to vector<16xf32>
    %swap3A_374 = vector.shape_cast %max3A_370 : vector<16xf32> to vector<16xf32>
    tpu.vector_store %arg17[%swap3A_371], %swap3A_374 {strides = array<i32>} : memref<512xf32, #tpu.memory_space<vmem>>, vector<16xf32>,
    %get3A_375 = arith.constant 224 : index
    %get3A_376 = tpu.vector_load %arg13[%get3A_375] {strides = array<i32>} : memref<512xf32, #tpu.memory_space<vmem>>, vector<16xf32>,
    %get3A_377 = vector.shape_cast %get3A_376 : vector<16xf32> to vector<16xf32>
    %get3A_378 = arith.constant 224 : index
    %get3A_379 = tpu.vector_load %arg14[%get3A_378] {strides = array<i32>} : memref<512xf32, #tpu.memory_space<vmem>>, vector<16xf32>,
    %get3A_380 = vector.shape_cast %get3A_379 : vector<16xf32> to vector<16xf32>
    %mul3A_381 = arith.mulf %get3A_377, %get3A_380 : vector<16xf32>
    %max3A_382 = arith.constant 0.00999999977 : f32
    %max3A_383 = vector.broadcast %max3A_382 : f32 to vector<16xf32>
    %max3A_384 = arith.maximumf %mul3A_381, %max3A_383 : vector<16xf32>
    %add3A_385 = arith.addf %max3A_384, %get3A_9 : vector<16xf32>
    %get3A_386 = arith.constant 224 : index
    %get3A_387 = tpu.vector_load %arg15[%get3A_386] {strides = array<i32>} : memref<512xf32, #tpu.memory_space<vmem>>, vector<16xf32>,
    %get3A_388 = vector.shape_cast %get3A_387 : vector<16xf32> to vector<16xf32>
    %add3A_389 = arith.addf %add3A_385, %get3A_388 : vector<16xf32>
    %get3A_390 = arith.constant 224 : index
    %get3A_391 = tpu.vector_load %arg16[%get3A_390] {strides = array<i32>} : memref<512xf32, #tpu.memory_space<vmem>>, vector<16xf32>,
    %get3A_392 = vector.shape_cast %get3A_391 : vector<16xf32> to vector<16xf32>
    %add3A_393 = arith.addf %add3A_389, %get3A_392 : vector<16xf32>
    %max3A_394 = arith.constant 0.00999999977 : f32
    %max3A_395 = vector.broadcast %max3A_394 : f32 to vector<16xf32>
    %max3A_396 = arith.maximumf %add3A_393, %max3A_395 : vector<16xf32>
    %swap3A_397 = arith.constant 224 : index
    %swap3A_398 = tpu.vector_load %arg17[%swap3A_397] {strides = array<i32>} : memref<512xf32, #tpu.memory_space<vmem>>, vector<16xf32>,
    %swap3A_399 = vector.shape_cast %swap3A_398 : vector<16xf32> to vector<16xf32>
    %swap3A_400 = vector.shape_cast %max3A_396 : vector<16xf32> to vector<16xf32>
    tpu.vector_store %arg17[%swap3A_397], %swap3A_400 {strides = array<i32>} : memref<512xf32, #tpu.memory_space<vmem>>, vector<16xf32>,
    %get3A_401 = arith.constant 240 : index
    %get3A_402 = tpu.vector_load %arg13[%get3A_401] {strides = array<i32>} : memref<512xf32, #tpu.memory_space<vmem>>, vector<16xf32>,
    %get3A_403 = vector.shape_cast %get3A_402 : vector<16xf32> to vector<16xf32>
    %get3A_404 = arith.constant 240 : index
    %get3A_405 = tpu.vector_load %arg14[%get3A_404] {strides = array<i32>} : memref<512xf32, #tpu.memory_space<vmem>>, vector<16xf32>,
    %get3A_406 = vector.shape_cast %get3A_405 : vector<16xf32> to vector<16xf32>
    %mul3A_407 = arith.mulf %get3A_403, %get3A_406 : vector<16xf32>
    %max3A_408 = arith.constant 0.00999999977 : f32
    %max3A_409 = vector.broadcast %max3A_408 : f32 to vector<16xf32>
    %max3A_410 = arith.maximumf %mul3A_407, %max3A_409 : vector<16xf32>
    %add3A_411 = arith.addf %max3A_410, %get3A_9 : vector<16xf32>
    %get3A_412 = arith.constant 240 : index
    %get3A_413 = tpu.vector_load %arg15[%get3A_412] {strides = array<i32>} : memref<512xf32, #tpu.memory_space<vmem>>, vector<16xf32>,
    %get3A_414 = vector.shape_cast %get3A_413 : vector<16xf32> to vector<16xf32>
    %add3A_415 = arith.addf %add3A_411, %get3A_414 : vector<16xf32>
    %get3A_416 = arith.constant 240 : index
    %get3A_417 = tpu.vector_load %arg16[%get3A_416] {strides = array<i32>} : memref<512xf32, #tpu.memory_space<vmem>>, vector<16xf32>,
    %get3A_418 = vector.shape_cast %get3A_417 : vector<16xf32> to vector<16xf32>
    %add3A_419 = arith.addf %add3A_415, %get3A_418 : vector<16xf32>
    %max3A_420 = arith.constant 0.00999999977 : f32
    %max3A_421 = vector.broadcast %max3A_420 : f32 to vector<16xf32>
    %max3A_422 = arith.maximumf %add3A_419, %max3A_421 : vector<16xf32>
    %swap3A_423 = arith.constant 240 : index
    %swap3A_424 = tpu.vector_load %arg17[%swap3A_423] {strides = array<i32>} : memref<512xf32, #tpu.memory_space<vmem>>, vector<16xf32>,
    %swap3A_425 = vector.shape_cast %swap3A_424 : vector<16xf32> to vector<16xf32>
    %swap3A_426 = vector.shape_cast %max3A_422 : vector<16xf32> to vector<16xf32>
    tpu.vector_store %arg17[%swap3A_423], %swap3A_426 {strides = array<i32>} : memref<512xf32, #tpu.memory_space<vmem>>, vector<16xf32>,
    %get3A_427 = arith.constant 256 : index
    %get3A_428 = tpu.vector_load %arg13[%get3A_427] {strides = array<i32>} : memref<512xf32, #tpu.memory_space<vmem>>, vector<16xf32>,
    %get3A_429 = vector.shape_cast %get3A_428 : vector<16xf32> to vector<16xf32>
    %get3A_430 = arith.constant 256 : index
    %get3A_431 = tpu.vector_load %arg14[%get3A_430] {strides = array<i32>} : memref<512xf32, #tpu.memory_space<vmem>>, vector<16xf32>,
    %get3A_432 = vector.shape_cast %get3A_431 : vector<16xf32> to vector<16xf32>
    %mul3A_433 = arith.mulf %get3A_429, %get3A_432 : vector<16xf32>
    %max3A_434 = arith.constant 0.00999999977 : f32
    %max3A_435 = vector.broadcast %max3A_434 : f32 to vector<16xf32>
    %max3A_436 = arith.maximumf %mul3A_433, %max3A_435 : vector<16xf32>
    %add3A_437 = arith.addf %max3A_436, %get3A_9 : vector<16xf32>
    %get3A_438 = arith.constant 256 : index
    %get3A_439 = tpu.vector_load %arg15[%get3A_438] {strides = array<i32>} : memref<512xf32, #tpu.memory_space<vmem>>, vector<16xf32>,
    %get3A_440 = vector.shape_cast %get3A_439 : vector<16xf32> to vector<16xf32>
    %add3A_441 = arith.addf %add3A_437, %get3A_440 : vector<16xf32>
    %get3A_442 = arith.constant 256 : index
    %get3A_443 = tpu.vector_load %arg16[%get3A_442] {strides = array<i32>} : memref<512xf32, #tpu.memory_space<vmem>>, vector<16xf32>,
    %get3A_444 = vector.shape_cast %get3A_443 : vector<16xf32> to vector<16xf32>
    %add3A_445 = arith.addf %add3A_441, %get3A_444 : vector<16xf32>
    %max3A_446 = arith.constant 0.00999999977 : f32
    %max3A_447 = vector.broadcast %max3A_446 : f32 to vector<16xf32>
    %max3A_448 = arith.maximumf %add3A_445, %max3A_447 : vector<16xf32>
    %swap3A_449 = arith.constant 256 : index
    %swap3A_450 = tpu.vector_load %arg17[%swap3A_449] {strides = array<i32>} : memref<512xf32, #tpu.memory_space<vmem>>, vector<16xf32>,
    %swap3A_451 = vector.shape_cast %swap3A_450 : vector<16xf32> to vector<16xf32>
    %swap3A_452 = vector.shape_cast %max3A_448 : vector<16xf32> to vector<16xf32>
    tpu.vector_store %arg17[%swap3A_449], %swap3A_452 {strides = array<i32>} : memref<512xf32, #tpu.memory_space<vmem>>, vector<16xf32>,
    %get3A_453 = arith.constant 272 : index
    %get3A_454 = tpu.vector_load %arg13[%get3A_453] {strides = array<i32>} : memref<512xf32, #tpu.memory_space<vmem>>, vector<16xf32>,
    %get3A_455 = vector.shape_cast %get3A_454 : vector<16xf32> to vector<16xf32>
    %get3A_456 = arith.constant 272 : index
    %get3A_457 = tpu.vector_load %arg14[%get3A_456] {strides = array<i32>} : memref<512xf32, #tpu.memory_space<vmem>>, vector<16xf32>,
    %get3A_458 = vector.shape_cast %get3A_457 : vector<16xf32> to vector<16xf32>
    %mul3A_459 = arith.mulf %get3A_455, %get3A_458 : vector<16xf32>
    %max3A_460 = arith.constant 0.00999999977 : f32
    %max3A_461 = vector.broadcast %max3A_460 : f32 to vector<16xf32>
    %max3A_462 = arith.maximumf %mul3A_459, %max3A_461 : vector<16xf32>
    %add3A_463 = arith.addf %max3A_462, %get3A_9 : vector<16xf32>
    %get3A_464 = arith.constant 272 : index
    %get3A_465 = tpu.vector_load %arg15[%get3A_464] {strides = array<i32>} : memref<512xf32, #tpu.memory_space<vmem>>, vector<16xf32>,
    %get3A_466 = vector.shape_cast %get3A_465 : vector<16xf32> to vector<16xf32>
    %add3A_467 = arith.addf %add3A_463, %get3A_466 : vector<16xf32>
    %get3A_468 = arith.constant 272 : index
    %get3A_469 = tpu.vector_load %arg16[%get3A_468] {strides = array<i32>} : memref<512xf32, #tpu.memory_space<vmem>>, vector<16xf32>,
    %get3A_470 = vector.shape_cast %get3A_469 : vector<16xf32> to vector<16xf32>
    %add3A_471 = arith.addf %add3A_467, %get3A_470 : vector<16xf32>
    %max3A_472 = arith.constant 0.00999999977 : f32
    %max3A_473 = vector.broadcast %max3A_472 : f32 to vector<16xf32>
    %max3A_474 = arith.maximumf %add3A_471, %max3A_473 : vector<16xf32>
    %swap3A_475 = arith.constant 272 : index
    %swap3A_476 = tpu.vector_load %arg17[%swap3A_475] {strides = array<i32>} : memref<512xf32, #tpu.memory_space<vmem>>, vector<16xf32>,
    %swap3A_477 = vector.shape_cast %swap3A_476 : vector<16xf32> to vector<16xf32>
    %swap3A_478 = vector.shape_cast %max3A_474 : vector<16xf32> to vector<16xf32>
    tpu.vector_store %arg17[%swap3A_475], %swap3A_478 {strides = array<i32>} : memref<512xf32, #tpu.memory_space<vmem>>, vector<16xf32>,
    %get3A_479 = arith.constant 288 : index
    %get3A_480 = tpu.vector_load %arg13[%get3A_479] {strides = array<i32>} : memref<512xf32, #tpu.memory_space<vmem>>, vector<16xf32>,
    %get3A_481 = vector.shape_cast %get3A_480 : vector<16xf32> to vector<16xf32>
    %get3A_482 = arith.constant 288 : index
    %get3A_483 = tpu.vector_load %arg14[%get3A_482] {strides = array<i32>} : memref<512xf32, #tpu.memory_space<vmem>>, vector<16xf32>,
    %get3A_484 = vector.shape_cast %get3A_483 : vector<16xf32> to vector<16xf32>
    %mul3A_485 = arith.mulf %get3A_481, %get3A_484 : vector<16xf32>
    %max3A_486 = arith.constant 0.00999999977 : f32
    %max3A_487 = vector.broadcast %max3A_486 : f32 to vector<16xf32>
    %max3A_488 = arith.maximumf %mul3A_485, %max3A_487 : vector<16xf32>
    %add3A_489 = arith.addf %max3A_488, %get3A_9 : vector<16xf32>
    %get3A_490 = arith.constant 288 : index
    %get3A_491 = tpu.vector_load %arg15[%get3A_490] {strides = array<i32>} : memref<512xf32, #tpu.memory_space<vmem>>, vector<16xf32>,
    %get3A_492 = vector.shape_cast %get3A_491 : vector<16xf32> to vector<16xf32>
    %add3A_493 = arith.addf %add3A_489, %get3A_492 : vector<16xf32>
    %get3A_494 = arith.constant 288 : index
    %get3A_495 = tpu.vector_load %arg16[%get3A_494] {strides = array<i32>} : memref<512xf32, #tpu.memory_space<vmem>>, vector<16xf32>,
    %get3A_496 = vector.shape_cast %get3A_495 : vector<16xf32> to vector<16xf32>
    %add3A_497 = arith.addf %add3A_493, %get3A_496 : vector<16xf32>
    %max3A_498 = arith.constant 0.00999999977 : f32
    %max3A_499 = vector.broadcast %max3A_498 : f32 to vector<16xf32>
    %max3A_500 = arith.maximumf %add3A_497, %max3A_499 : vector<16xf32>
    %swap3A_501 = arith.constant 288 : index
    %swap3A_502 = tpu.vector_load %arg17[%swap3A_501] {strides = array<i32>} : memref<512xf32, #tpu.memory_space<vmem>>, vector<16xf32>,
    %swap3A_503 = vector.shape_cast %swap3A_502 : vector<16xf32> to vector<16xf32>
    %swap3A_504 = vector.shape_cast %max3A_500 : vector<16xf32> to vector<16xf32>
    tpu.vector_store %arg17[%swap3A_501], %swap3A_504 {strides = array<i32>} : memref<512xf32, #tpu.memory_space<vmem>>, vector<16xf32>,
    %get3A_505 = arith.constant 304 : index
    %get3A_506 = tpu.vector_load %arg13[%get3A_505] {strides = array<i32>} : memref<512xf32, #tpu.memory_space<vmem>>, vector<16xf32>,
    %get3A_507 = vector.shape_cast %get3A_506 : vector<16xf32> to vector<16xf32>
    %get3A_508 = arith.constant 304 : index
    %get3A_509 = tpu.vector_load %arg14[%get3A_508] {strides = array<i32>} : memref<512xf32, #tpu.memory_space<vmem>>, vector<16xf32>,
    %get3A_510 = vector.shape_cast %get3A_509 : vector<16xf32> to vector<16xf32>
    %mul3A_511 = arith.mulf %get3A_507, %get3A_510 : vector<16xf32>
    %max3A_512 = arith.constant 0.00999999977 : f32
    %max3A_513 = vector.broadcast %max3A_512 : f32 to vector<16xf32>
    %max3A_514 = arith.maximumf %mul3A_511, %max3A_513 : vector<16xf32>
    %add3A_515 = arith.addf %max3A_514, %get3A_9 : vector<16xf32>
    %get3A_516 = arith.constant 304 : index
    %get3A_517 = tpu.vector_load %arg15[%get3A_516] {strides = array<i32>} : memref<512xf32, #tpu.memory_space<vmem>>, vector<16xf32>,
    %get3A_518 = vector.shape_cast %get3A_517 : vector<16xf32> to vector<16xf32>
    %add3A_519 = arith.addf %add3A_515, %get3A_518 : vector<16xf32>
    %get3A_520 = arith.constant 304 : index
    %get3A_521 = tpu.vector_load %arg16[%get3A_520] {strides = array<i32>} : memref<512xf32, #tpu.memory_space<vmem>>, vector<16xf32>,
    %get3A_522 = vector.shape_cast %get3A_521 : vector<16xf32> to vector<16xf32>
    %add3A_523 = arith.addf %add3A_519, %get3A_522 : vector<16xf32>
    %max3A_524 = arith.constant 0.00999999977 : f32
    %max3A_525 = vector.broadcast %max3A_524 : f32 to vector<16xf32>
    %max3A_526 = arith.maximumf %add3A_523, %max3A_525 : vector<16xf32>
    %swap3A_527 = arith.constant 304 : index
    %swap3A_528 = tpu.vector_load %arg17[%swap3A_527] {strides = array<i32>} : memref<512xf32, #tpu.memory_space<vmem>>, vector<16xf32>,
    %swap3A_529 = vector.shape_cast %swap3A_528 : vector<16xf32> to vector<16xf32>
    %swap3A_530 = vector.shape_cast %max3A_526 : vector<16xf32> to vector<16xf32>
    tpu.vector_store %arg17[%swap3A_527], %swap3A_530 {strides = array<i32>} : memref<512xf32, #tpu.memory_space<vmem>>, vector<16xf32>,
    %get3A_531 = arith.constant 320 : index
    %get3A_532 = tpu.vector_load %arg13[%get3A_531] {strides = array<i32>} : memref<512xf32, #tpu.memory_space<vmem>>, vector<16xf32>,
    %get3A_533 = vector.shape_cast %get3A_532 : vector<16xf32> to vector<16xf32>
    %get3A_534 = arith.constant 320 : index
    %get3A_535 = tpu.vector_load %arg14[%get3A_534] {strides = array<i32>} : memref<512xf32, #tpu.memory_space<vmem>>, vector<16xf32>,
    %get3A_536 = vector.shape_cast %get3A_535 : vector<16xf32> to vector<16xf32>
    %mul3A_537 = arith.mulf %get3A_533, %get3A_536 : vector<16xf32>
    %max3A_538 = arith.constant 0.00999999977 : f32
    %max3A_539 = vector.broadcast %max3A_538 : f32 to vector<16xf32>
    %max3A_540 = arith.maximumf %mul3A_537, %max3A_539 : vector<16xf32>
    %add3A_541 = arith.addf %max3A_540, %get3A_9 : vector<16xf32>
    %get3A_542 = arith.constant 320 : index
    %get3A_543 = tpu.vector_load %arg15[%get3A_542] {strides = array<i32>} : memref<512xf32, #tpu.memory_space<vmem>>, vector<16xf32>,
    %get3A_544 = vector.shape_cast %get3A_543 : vector<16xf32> to vector<16xf32>
    %add3A_545 = arith.addf %add3A_541, %get3A_544 : vector<16xf32>
    %get3A_546 = arith.constant 320 : index
    %get3A_547 = tpu.vector_load %arg16[%get3A_546] {strides = array<i32>} : memref<512xf32, #tpu.memory_space<vmem>>, vector<16xf32>,
    %get3A_548 = vector.shape_cast %get3A_547 : vector<16xf32> to vector<16xf32>
    %add3A_549 = arith.addf %add3A_545, %get3A_548 : vector<16xf32>
    %max3A_550 = arith.constant 0.00999999977 : f32
    %max3A_551 = vector.broadcast %max3A_550 : f32 to vector<16xf32>
    %max3A_552 = arith.maximumf %add3A_549, %max3A_551 : vector<16xf32>
    %swap3A_553 = arith.constant 320 : index
    %swap3A_554 = tpu.vector_load %arg17[%swap3A_553] {strides = array<i32>} : memref<512xf32, #tpu.memory_space<vmem>>, vector<16xf32>,
    %swap3A_555 = vector.shape_cast %swap3A_554 : vector<16xf32> to vector<16xf32>
    %swap3A_556 = vector.shape_cast %max3A_552 : vector<16xf32> to vector<16xf32>
    tpu.vector_store %arg17[%swap3A_553], %swap3A_556 {strides = array<i32>} : memref<512xf32, #tpu.memory_space<vmem>>, vector<16xf32>,
    %get3A_557 = arith.constant 336 : index
    %get3A_558 = tpu.vector_load %arg13[%get3A_557] {strides = array<i32>} : memref<512xf32, #tpu.memory_space<vmem>>, vector<16xf32>,
    %get3A_559 = vector.shape_cast %get3A_558 : vector<16xf32> to vector<16xf32>
    %get3A_560 = arith.constant 336 : index
    %get3A_561 = tpu.vector_load %arg14[%get3A_560] {strides = array<i32>} : memref<512xf32, #tpu.memory_space<vmem>>, vector<16xf32>,
    %get3A_562 = vector.shape_cast %get3A_561 : vector<16xf32> to vector<16xf32>
    %mul3A_563 = arith.mulf %get3A_559, %get3A_562 : vector<16xf32>
    %max3A_564 = arith.constant 0.00999999977 : f32
    %max3A_565 = vector.broadcast %max3A_564 : f32 to vector<16xf32>
    %max3A_566 = arith.maximumf %mul3A_563, %max3A_565 : vector<16xf32>
    %add3A_567 = arith.addf %max3A_566, %get3A_9 : vector<16xf32>
    %get3A_568 = arith.constant 336 : index
    %get3A_569 = tpu.vector_load %arg15[%get3A_568] {strides = array<i32>} : memref<512xf32, #tpu.memory_space<vmem>>, vector<16xf32>,
    %get3A_570 = vector.shape_cast %get3A_569 : vector<16xf32> to vector<16xf32>
    %add3A_571 = arith.addf %add3A_567, %get3A_570 : vector<16xf32>
    %get3A_572 = arith.constant 336 : index
    %get3A_573 = tpu.vector_load %arg16[%get3A_572] {strides = array<i32>} : memref<512xf32, #tpu.memory_space<vmem>>, vector<16xf32>,
    %get3A_574 = vector.shape_cast %get3A_573 : vector<16xf32> to vector<16xf32>
    %add3A_575 = arith.addf %add3A_571, %get3A_574 : vector<16xf32>
    %max3A_576 = arith.constant 0.00999999977 : f32
    %max3A_577 = vector.broadcast %max3A_576 : f32 to vector<16xf32>
    %max3A_578 = arith.maximumf %add3A_575, %max3A_577 : vector<16xf32>
    %swap3A_579 = arith.constant 336 : index
    %swap3A_580 = tpu.vector_load %arg17[%swap3A_579] {strides = array<i32>} : memref<512xf32, #tpu.memory_space<vmem>>, vector<16xf32>,
    %swap3A_581 = vector.shape_cast %swap3A_580 : vector<16xf32> to vector<16xf32>
    %swap3A_582 = vector.shape_cast %max3A_578 : vector<16xf32> to vector<16xf32>
    tpu.vector_store %arg17[%swap3A_579], %swap3A_582 {strides = array<i32>} : memref<512xf32, #tpu.memory_space<vmem>>, vector<16xf32>,
    %get3A_583 = arith.constant 352 : index
    %get3A_584 = tpu.vector_load %arg13[%get3A_583] {strides = array<i32>} : memref<512xf32, #tpu.memory_space<vmem>>, vector<16xf32>,
    %get3A_585 = vector.shape_cast %get3A_584 : vector<16xf32> to vector<16xf32>
    %get3A_586 = arith.constant 352 : index
    %get3A_587 = tpu.vector_load %arg14[%get3A_586] {strides = array<i32>} : memref<512xf32, #tpu.memory_space<vmem>>, vector<16xf32>,
    %get3A_588 = vector.shape_cast %get3A_587 : vector<16xf32> to vector<16xf32>
    %mul3A_589 = arith.mulf %get3A_585, %get3A_588 : vector<16xf32>
    %max3A_590 = arith.constant 0.00999999977 : f32
    %max3A_591 = vector.broadcast %max3A_590 : f32 to vector<16xf32>
    %max3A_592 = arith.maximumf %mul3A_589, %max3A_591 : vector<16xf32>
    %add3A_593 = arith.addf %max3A_592, %get3A_9 : vector<16xf32>
    %get3A_594 = arith.constant 352 : index
    %get3A_595 = tpu.vector_load %arg15[%get3A_594] {strides = array<i32>} : memref<512xf32, #tpu.memory_space<vmem>>, vector<16xf32>,
    %get3A_596 = vector.shape_cast %get3A_595 : vector<16xf32> to vector<16xf32>
    %add3A_597 = arith.addf %add3A_593, %get3A_596 : vector<16xf32>
    %get3A_598 = arith.constant 352 : index
    %get3A_599 = tpu.vector_load %arg16[%get3A_598] {strides = array<i32>} : memref<512xf32, #tpu.memory_space<vmem>>, vector<16xf32>,
    %get3A_600 = vector.shape_cast %get3A_599 : vector<16xf32> to vector<16xf32>
    %add3A_601 = arith.addf %add3A_597, %get3A_600 : vector<16xf32>
    %max3A_602 = arith.constant 0.00999999977 : f32
    %max3A_603 = vector.broadcast %max3A_602 : f32 to vector<16xf32>
    %max3A_604 = arith.maximumf %add3A_601, %max3A_603 : vector<16xf32>
    %swap3A_605 = arith.constant 352 : index
    %swap3A_606 = tpu.vector_load %arg17[%swap3A_605] {strides = array<i32>} : memref<512xf32, #tpu.memory_space<vmem>>, vector<16xf32>,
    %swap3A_607 = vector.shape_cast %swap3A_606 : vector<16xf32> to vector<16xf32>
    %swap3A_608 = vector.shape_cast %max3A_604 : vector<16xf32> to vector<16xf32>
    tpu.vector_store %arg17[%swap3A_605], %swap3A_608 {strides = array<i32>} : memref<512xf32, #tpu.memory_space<vmem>>, vector<16xf32>,
    %get3A_609 = arith.constant 368 : index
    %get3A_610 = tpu.vector_load %arg13[%get3A_609] {strides = array<i32>} : memref<512xf32, #tpu.memory_space<vmem>>, vector<16xf32>,
    %get3A_611 = vector.shape_cast %get3A_610 : vector<16xf32> to vector<16xf32>
    %get3A_612 = arith.constant 368 : index
    %get3A_613 = tpu.vector_load %arg14[%get3A_612] {strides = array<i32>} : memref<512xf32, #tpu.memory_space<vmem>>, vector<16xf32>,
    %get3A_614 = vector.shape_cast %get3A_613 : vector<16xf32> to vector<16xf32>
    %mul3A_615 = arith.mulf %get3A_611, %get3A_614 : vector<16xf32>
    %max3A_616 = arith.constant 0.00999999977 : f32
    %max3A_617 = vector.broadcast %max3A_616 : f32 to vector<16xf32>
    %max3A_618 = arith.maximumf %mul3A_615, %max3A_617 : vector<16xf32>
    %add3A_619 = arith.addf %max3A_618, %get3A_9 : vector<16xf32>
    %get3A_620 = arith.constant 368 : index
    %get3A_621 = tpu.vector_load %arg15[%get3A_620] {strides = array<i32>} : memref<512xf32, #tpu.memory_space<vmem>>, vector<16xf32>,
    %get3A_622 = vector.shape_cast %get3A_621 : vector<16xf32> to vector<16xf32>
    %add3A_623 = arith.addf %add3A_619, %get3A_622 : vector<16xf32>
    %get3A_624 = arith.constant 368 : index
    %get3A_625 = tpu.vector_load %arg16[%get3A_624] {strides = array<i32>} : memref<512xf32, #tpu.memory_space<vmem>>, vector<16xf32>,
    %get3A_626 = vector.shape_cast %get3A_625 : vector<16xf32> to vector<16xf32>
    %add3A_627 = arith.addf %add3A_623, %get3A_626 : vector<16xf32>
    %max3A_628 = arith.constant 0.00999999977 : f32
    %max3A_629 = vector.broadcast %max3A_628 : f32 to vector<16xf32>
    %max3A_630 = arith.maximumf %add3A_627, %max3A_629 : vector<16xf32>
    %swap3A_631 = arith.constant 368 : index
    %swap3A_632 = tpu.vector_load %arg17[%swap3A_631] {strides = array<i32>} : memref<512xf32, #tpu.memory_space<vmem>>, vector<16xf32>,
    %swap3A_633 = vector.shape_cast %swap3A_632 : vector<16xf32> to vector<16xf32>
    %swap3A_634 = vector.shape_cast %max3A_630 : vector<16xf32> to vector<16xf32>
    tpu.vector_store %arg17[%swap3A_631], %swap3A_634 {strides = array<i32>} : memref<512xf32, #tpu.memory_space<vmem>>, vector<16xf32>,
    %get3A_635 = arith.constant 384 : index
    %get3A_636 = tpu.vector_load %arg13[%get3A_635] {strides = array<i32>} : memref<512xf32, #tpu.memory_space<vmem>>, vector<16xf32>,
    %get3A_637 = vector.shape_cast %get3A_636 : vector<16xf32> to vector<16xf32>
    %get3A_638 = arith.constant 384 : index
    %get3A_639 = tpu.vector_load %arg14[%get3A_638] {strides = array<i32>} : memref<512xf32, #tpu.memory_space<vmem>>, vector<16xf32>,
    %get3A_640 = vector.shape_cast %get3A_639 : vector<16xf32> to vector<16xf32>
    %mul3A_641 = arith.mulf %get3A_637, %get3A_640 : vector<16xf32>
    %max3A_642 = arith.constant 0.00999999977 : f32
    %max3A_643 = vector.broadcast %max3A_642 : f32 to vector<16xf32>
    %max3A_644 = arith.maximumf %mul3A_641, %max3A_643 : vector<16xf32>
    %add3A_645 = arith.addf %max3A_644, %get3A_9 : vector<16xf32>
    %get3A_646 = arith.constant 384 : index
    %get3A_647 = tpu.vector_load %arg15[%get3A_646] {strides = array<i32>} : memref<512xf32, #tpu.memory_space<vmem>>, vector<16xf32>,
    %get3A_648 = vector.shape_cast %get3A_647 : vector<16xf32> to vector<16xf32>
    %add3A_649 = arith.addf %add3A_645, %get3A_648 : vector<16xf32>
    %get3A_650 = arith.constant 384 : index
    %get3A_651 = tpu.vector_load %arg16[%get3A_650] {strides = array<i32>} : memref<512xf32, #tpu.memory_space<vmem>>, vector<16xf32>,
    %get3A_652 = vector.shape_cast %get3A_651 : vector<16xf32> to vector<16xf32>
    %add3A_653 = arith.addf %add3A_649, %get3A_652 : vector<16xf32>
    %max3A_654 = arith.constant 0.00999999977 : f32
    %max3A_655 = vector.broadcast %max3A_654 : f32 to vector<16xf32>
    %max3A_656 = arith.maximumf %add3A_653, %max3A_655 : vector<16xf32>
    %swap3A_657 = arith.constant 384 : index
    %swap3A_658 = tpu.vector_load %arg17[%swap3A_657] {strides = array<i32>} : memref<512xf32, #tpu.memory_space<vmem>>, vector<16xf32>,
    %swap3A_659 = vector.shape_cast %swap3A_658 : vector<16xf32> to vector<16xf32>
    %swap3A_660 = vector.shape_cast %max3A_656 : vector<16xf32> to vector<16xf32>
    tpu.vector_store %arg17[%swap3A_657], %swap3A_660 {strides = array<i32>} : memref<512xf32, #tpu.memory_space<vmem>>, vector<16xf32>,
    %get3A_661 = arith.constant 400 : index
    %get3A_662 = tpu.vector_load %arg13[%get3A_661] {strides = array<i32>} : memref<512xf32, #tpu.memory_space<vmem>>, vector<16xf32>,
    %get3A_663 = vector.shape_cast %get3A_662 : vector<16xf32> to vector<16xf32>
    %get3A_664 = arith.constant 400 : index
    %get3A_665 = tpu.vector_load %arg14[%get3A_664] {strides = array<i32>} : memref<512xf32, #tpu.memory_space<vmem>>, vector<16xf32>,
    %get3A_666 = vector.shape_cast %get3A_665 : vector<16xf32> to vector<16xf32>
    %mul3A_667 = arith.mulf %get3A_663, %get3A_666 : vector<16xf32>
    %max3A_668 = arith.constant 0.00999999977 : f32
    %max3A_669 = vector.broadcast %max3A_668 : f32 to vector<16xf32>
    %max3A_670 = arith.maximumf %mul3A_667, %max3A_669 : vector<16xf32>
    %add3A_671 = arith.addf %max3A_670, %get3A_9 : vector<16xf32>
    %get3A_672 = arith.constant 400 : index
    %get3A_673 = tpu.vector_load %arg15[%get3A_672] {strides = array<i32>} : memref<512xf32, #tpu.memory_space<vmem>>, vector<16xf32>,
    %get3A_674 = vector.shape_cast %get3A_673 : vector<16xf32> to vector<16xf32>
    %add3A_675 = arith.addf %add3A_671, %get3A_674 : vector<16xf32>
    %get3A_676 = arith.constant 400 : index
    %get3A_677 = tpu.vector_load %arg16[%get3A_676] {strides = array<i32>} : memref<512xf32, #tpu.memory_space<vmem>>, vector<16xf32>,
    %get3A_678 = vector.shape_cast %get3A_677 : vector<16xf32> to vector<16xf32>
    %add3A_679 = arith.addf %add3A_675, %get3A_678 : vector<16xf32>
    %max3A_680 = arith.constant 0.00999999977 : f32
    %max3A_681 = vector.broadcast %max3A_680 : f32 to vector<16xf32>
    %max3A_682 = arith.maximumf %add3A_679, %max3A_681 : vector<16xf32>
    %swap3A_683 = arith.constant 400 : index
    %swap3A_684 = tpu.vector_load %arg17[%swap3A_683] {strides = array<i32>} : memref<512xf32, #tpu.memory_space<vmem>>, vector<16xf32>,
    %swap3A_685 = vector.shape_cast %swap3A_684 : vector<16xf32> to vector<16xf32>
    %swap3A_686 = vector.shape_cast %max3A_682 : vector<16xf32> to vector<16xf32>
    tpu.vector_store %arg17[%swap3A_683], %swap3A_686 {strides = array<i32>} : memref<512xf32, #tpu.memory_space<vmem>>, vector<16xf32>,
    %get3A_687 = arith.constant 416 : index
    %get3A_688 = tpu.vector_load %arg13[%get3A_687] {strides = array<i32>} : memref<512xf32, #tpu.memory_space<vmem>>, vector<16xf32>,
    %get3A_689 = vector.shape_cast %get3A_688 : vector<16xf32> to vector<16xf32>
    %get3A_690 = arith.constant 416 : index
    %get3A_691 = tpu.vector_load %arg14[%get3A_690] {strides = array<i32>} : memref<512xf32, #tpu.memory_space<vmem>>, vector<16xf32>,
    %get3A_692 = vector.shape_cast %get3A_691 : vector<16xf32> to vector<16xf32>
    %mul3A_693 = arith.mulf %get3A_689, %get3A_692 : vector<16xf32>
    %max3A_694 = arith.constant 0.00999999977 : f32
    %max3A_695 = vector.broadcast %max3A_694 : f32 to vector<16xf32>
    %max3A_696 = arith.maximumf %mul3A_693, %max3A_695 : vector<16xf32>
    %add3A_697 = arith.addf %max3A_696, %get3A_9 : vector<16xf32>
    %get3A_698 = arith.constant 416 : index
    %get3A_699 = tpu.vector_load %arg15[%get3A_698] {strides = array<i32>} : memref<512xf32, #tpu.memory_space<vmem>>, vector<16xf32>,
    %get3A_700 = vector.shape_cast %get3A_699 : vector<16xf32> to vector<16xf32>
    %add3A_701 = arith.addf %add3A_697, %get3A_700 : vector<16xf32>
    %get3A_702 = arith.constant 416 : index
    %get3A_703 = tpu.vector_load %arg16[%get3A_702] {strides = array<i32>} : memref<512xf32, #tpu.memory_space<vmem>>, vector<16xf32>,
    %get3A_704 = vector.shape_cast %get3A_703 : vector<16xf32> to vector<16xf32>
    %add3A_705 = arith.addf %add3A_701, %get3A_704 : vector<16xf32>
    %max3A_706 = arith.constant 0.00999999977 : f32
    %max3A_707 = vector.broadcast %max3A_706 : f32 to vector<16xf32>
    %max3A_708 = arith.maximumf %add3A_705, %max3A_707 : vector<16xf32>
    %swap3A_709 = arith.constant 416 : index
    %swap3A_710 = tpu.vector_load %arg17[%swap3A_709] {strides = array<i32>} : memref<512xf32, #tpu.memory_space<vmem>>, vector<16xf32>,
    %swap3A_711 = vector.shape_cast %swap3A_710 : vector<16xf32> to vector<16xf32>
    %swap3A_712 = vector.shape_cast %max3A_708 : vector<16xf32> to vector<16xf32>
    tpu.vector_store %arg17[%swap3A_709], %swap3A_712 {strides = array<i32>} : memref<512xf32, #tpu.memory_space<vmem>>, vector<16xf32>,
    %get3A_713 = arith.constant 432 : index
    %get3A_714 = tpu.vector_load %arg13[%get3A_713] {strides = array<i32>} : memref<512xf32, #tpu.memory_space<vmem>>, vector<16xf32>,
    %get3A_715 = vector.shape_cast %get3A_714 : vector<16xf32> to vector<16xf32>
    %get3A_716 = arith.constant 432 : index
    %get3A_717 = tpu.vector_load %arg14[%get3A_716] {strides = array<i32>} : memref<512xf32, #tpu.memory_space<vmem>>, vector<16xf32>,
    %get3A_718 = vector.shape_cast %get3A_717 : vector<16xf32> to vector<16xf32>
    %mul3A_719 = arith.mulf %get3A_715, %get3A_718 : vector<16xf32>
    %max3A_720 = arith.constant 0.00999999977 : f32
    %max3A_721 = vector.broadcast %max3A_720 : f32 to vector<16xf32>
    %max3A_722 = arith.maximumf %mul3A_719, %max3A_721 : vector<16xf32>
    %add3A_723 = arith.addf %max3A_722, %get3A_9 : vector<16xf32>
    %get3A_724 = arith.constant 432 : index
    %get3A_725 = tpu.vector_load %arg15[%get3A_724] {strides = array<i32>} : memref<512xf32, #tpu.memory_space<vmem>>, vector<16xf32>,
    %get3A_726 = vector.shape_cast %get3A_725 : vector<16xf32> to vector<16xf32>
    %add3A_727 = arith.addf %add3A_723, %get3A_726 : vector<16xf32>
    %get3A_728 = arith.constant 432 : index
    %get3A_729 = tpu.vector_load %arg16[%get3A_728] {strides = array<i32>} : memref<512xf32, #tpu.memory_space<vmem>>, vector<16xf32>,
    %get3A_730 = vector.shape_cast %get3A_729 : vector<16xf32> to vector<16xf32>
    %add3A_731 = arith.addf %add3A_727, %get3A_730 : vector<16xf32>
    %max3A_732 = arith.constant 0.00999999977 : f32
    %max3A_733 = vector.broadcast %max3A_732 : f32 to vector<16xf32>
    %max3A_734 = arith.maximumf %add3A_731, %max3A_733 : vector<16xf32>
    %swap3A_735 = arith.constant 432 : index
    %swap3A_736 = tpu.vector_load %arg17[%swap3A_735] {strides = array<i32>} : memref<512xf32, #tpu.memory_space<vmem>>, vector<16xf32>,
    %swap3A_737 = vector.shape_cast %swap3A_736 : vector<16xf32> to vector<16xf32>
    %swap3A_738 = vector.shape_cast %max3A_734 : vector<16xf32> to vector<16xf32>
    tpu.vector_store %arg17[%swap3A_735], %swap3A_738 {strides = array<i32>} : memref<512xf32, #tpu.memory_space<vmem>>, vector<16xf32>,
    %get3A_739 = arith.constant 448 : index
    %get3A_740 = tpu.vector_load %arg13[%get3A_739] {strides = array<i32>} : memref<512xf32, #tpu.memory_space<vmem>>, vector<16xf32>,
    %get3A_741 = vector.shape_cast %get3A_740 : vector<16xf32> to vector<16xf32>
    %get3A_742 = arith.constant 448 : index
    %get3A_743 = tpu.vector_load %arg14[%get3A_742] {strides = array<i32>} : memref<512xf32, #tpu.memory_space<vmem>>, vector<16xf32>,
    %get3A_744 = vector.shape_cast %get3A_743 : vector<16xf32> to vector<16xf32>
    %mul3A_745 = arith.mulf %get3A_741, %get3A_744 : vector<16xf32>
    %max3A_746 = arith.constant 0.00999999977 : f32
    %max3A_747 = vector.broadcast %max3A_746 : f32 to vector<16xf32>
    %max3A_748 = arith.maximumf %mul3A_745, %max3A_747 : vector<16xf32>
    %add3A_749 = arith.addf %max3A_748, %get3A_9 : vector<16xf32>
    %get3A_750 = arith.constant 448 : index
    %get3A_751 = tpu.vector_load %arg15[%get3A_750] {strides = array<i32>} : memref<512xf32, #tpu.memory_space<vmem>>, vector<16xf32>,
    %get3A_752 = vector.shape_cast %get3A_751 : vector<16xf32> to vector<16xf32>
    %add3A_753 = arith.addf %add3A_749, %get3A_752 : vector<16xf32>
    %get3A_754 = arith.constant 448 : index
    %get3A_755 = tpu.vector_load %arg16[%get3A_754] {strides = array<i32>} : memref<512xf32, #tpu.memory_space<vmem>>, vector<16xf32>,
    %get3A_756 = vector.shape_cast %get3A_755 : vector<16xf32> to vector<16xf32>
    %add3A_757 = arith.addf %add3A_753, %get3A_756 : vector<16xf32>
    %max3A_758 = arith.constant 0.00999999977 : f32
    %max3A_759 = vector.broadcast %max3A_758 : f32 to vector<16xf32>
    %max3A_760 = arith.maximumf %add3A_757, %max3A_759 : vector<16xf32>
    %swap3A_761 = arith.constant 448 : index
    %swap3A_762 = tpu.vector_load %arg17[%swap3A_761] {strides = array<i32>} : memref<512xf32, #tpu.memory_space<vmem>>, vector<16xf32>,
    %swap3A_763 = vector.shape_cast %swap3A_762 : vector<16xf32> to vector<16xf32>
    %swap3A_764 = vector.shape_cast %max3A_760 : vector<16xf32> to vector<16xf32>
    tpu.vector_store %arg17[%swap3A_761], %swap3A_764 {strides = array<i32>} : memref<512xf32, #tpu.memory_space<vmem>>, vector<16xf32>,
    %get3A_765 = arith.constant 464 : index
    %get3A_766 = tpu.vector_load %arg13[%get3A_765] {strides = array<i32>} : memref<512xf32, #tpu.memory_space<vmem>>, vector<16xf32>,
    %get3A_767 = vector.shape_cast %get3A_766 : vector<16xf32> to vector<16xf32>
    %get3A_768 = arith.constant 464 : index
    %get3A_769 = tpu.vector_load %arg14[%get3A_768] {strides = array<i32>} : memref<512xf32, #tpu.memory_space<vmem>>, vector<16xf32>,
    %get3A_770 = vector.shape_cast %get3A_769 : vector<16xf32> to vector<16xf32>
    %mul3A_771 = arith.mulf %get3A_767, %get3A_770 : vector<16xf32>
    %max3A_772 = arith.constant 0.00999999977 : f32
    %max3A_773 = vector.broadcast %max3A_772 : f32 to vector<16xf32>
    %max3A_774 = arith.maximumf %mul3A_771, %max3A_773 : vector<16xf32>
    %add3A_775 = arith.addf %max3A_774, %get3A_9 : vector<16xf32>
    %get3A_776 = arith.constant 464 : index
    %get3A_777 = tpu.vector_load %arg15[%get3A_776] {strides = array<i32>} : memref<512xf32, #tpu.memory_space<vmem>>, vector<16xf32>,
    %get3A_778 = vector.shape_cast %get3A_777 : vector<16xf32> to vector<16xf32>
    %add3A_779 = arith.addf %add3A_775, %get3A_778 : vector<16xf32>
    %get3A_780 = arith.constant 464 : index
    %get3A_781 = tpu.vector_load %arg16[%get3A_780] {strides = array<i32>} : memref<512xf32, #tpu.memory_space<vmem>>, vector<16xf32>,
    %get3A_782 = vector.shape_cast %get3A_781 : vector<16xf32> to vector<16xf32>
    %add3A_783 = arith.addf %add3A_779, %get3A_782 : vector<16xf32>
    %max3A_784 = arith.constant 0.00999999977 : f32
    %max3A_785 = vector.broadcast %max3A_784 : f32 to vector<16xf32>
    %max3A_786 = arith.maximumf %add3A_783, %max3A_785 : vector<16xf32>
    %swap3A_787 = arith.constant 464 : index
    %swap3A_788 = tpu.vector_load %arg17[%swap3A_787] {strides = array<i32>} : memref<512xf32, #tpu.memory_space<vmem>>, vector<16xf32>,
    %swap3A_789 = vector.shape_cast %swap3A_788 : vector<16xf32> to vector<16xf32>
    %swap3A_790 = vector.shape_cast %max3A_786 : vector<16xf32> to vector<16xf32>
    tpu.vector_store %arg17[%swap3A_787], %swap3A_790 {strides = array<i32>} : memref<512xf32, #tpu.memory_space<vmem>>, vector<16xf32>,
    %get3A_791 = arith.constant 480 : index
    %get3A_792 = tpu.vector_load %arg13[%get3A_791] {strides = array<i32>} : memref<512xf32, #tpu.memory_space<vmem>>, vector<16xf32>,
    %get3A_793 = vector.shape_cast %get3A_792 : vector<16xf32> to vector<16xf32>
    %get3A_794 = arith.constant 480 : index
    %get3A_795 = tpu.vector_load %arg14[%get3A_794] {strides = array<i32>} : memref<512xf32, #tpu.memory_space<vmem>>, vector<16xf32>,
    %get3A_796 = vector.shape_cast %get3A_795 : vector<16xf32> to vector<16xf32>
    %mul3A_797 = arith.mulf %get3A_793, %get3A_796 : vector<16xf32>
    %max3A_798 = arith.constant 0.00999999977 : f32
    %max3A_799 = vector.broadcast %max3A_798 : f32 to vector<16xf32>
    %max3A_800 = arith.maximumf %mul3A_797, %max3A_799 : vector<16xf32>
    %add3A_801 = arith.addf %max3A_800, %get3A_9 : vector<16xf32>
    %get3A_802 = arith.constant 480 : index
    %get3A_803 = tpu.vector_load %arg15[%get3A_802] {strides = array<i32>} : memref<512xf32, #tpu.memory_space<vmem>>, vector<16xf32>,
    %get3A_804 = vector.shape_cast %get3A_803 : vector<16xf32> to vector<16xf32>
    %add3A_805 = arith.addf %add3A_801, %get3A_804 : vector<16xf32>
    %get3A_806 = arith.constant 480 : index
    %get3A_807 = tpu.vector_load %arg16[%get3A_806] {strides = array<i32>} : memref<512xf32, #tpu.memory_space<vmem>>, vector<16xf32>,
    %get3A_808 = vector.shape_cast %get3A_807 : vector<16xf32> to vector<16xf32>
    %add3A_809 = arith.addf %add3A_805, %get3A_808 : vector<16xf32>
    %max3A_810 = arith.constant 0.00999999977 : f32
    %max3A_811 = vector.broadcast %max3A_810 : f32 to vector<16xf32>
    %max3A_812 = arith.maximumf %add3A_809, %max3A_811 : vector<16xf32>
    %swap3A_813 = arith.constant 480 : index
    %swap3A_814 = tpu.vector_load %arg17[%swap3A_813] {strides = array<i32>} : memref<512xf32, #tpu.memory_space<vmem>>, vector<16xf32>,
    %swap3A_815 = vector.shape_cast %swap3A_814 : vector<16xf32> to vector<16xf32>
    %swap3A_816 = vector.shape_cast %max3A_812 : vector<16xf32> to vector<16xf32>
    tpu.vector_store %arg17[%swap3A_813], %swap3A_816 {strides = array<i32>} : memref<512xf32, #tpu.memory_space<vmem>>, vector<16xf32>,
    %get3A_817 = arith.constant 496 : index
    %get3A_818 = tpu.vector_load %arg13[%get3A_817] {strides = array<i32>} : memref<512xf32, #tpu.memory_space<vmem>>, vector<16xf32>,
    %get3A_819 = vector.shape_cast %get3A_818 : vector<16xf32> to vector<16xf32>
    %get3A_820 = arith.constant 496 : index
    %get3A_821 = tpu.vector_load %arg14[%get3A_820] {strides = array<i32>} : memref<512xf32, #tpu.memory_space<vmem>>, vector<16xf32>,
    %get3A_822 = vector.shape_cast %get3A_821 : vector<16xf32> to vector<16xf32>
    %mul3A_823 = arith.mulf %get3A_819, %get3A_822 : vector<16xf32>
    %max3A_824 = arith.constant 0.00999999977 : f32
    %max3A_825 = vector.broadcast %max3A_824 : f32 to vector<16xf32>
    %max3A_826 = arith.maximumf %mul3A_823, %max3A_825 : vector<16xf32>
    %add3A_827 = arith.addf %max3A_826, %get3A_9 : vector<16xf32>
    %get3A_828 = arith.constant 496 : index
    %get3A_829 = tpu.vector_load %arg15[%get3A_828] {strides = array<i32>} : memref<512xf32, #tpu.memory_space<vmem>>, vector<16xf32>,
    %get3A_830 = vector.shape_cast %get3A_829 : vector<16xf32> to vector<16xf32>
    %add3A_831 = arith.addf %add3A_827, %get3A_830 : vector<16xf32>
    %get3A_832 = arith.constant 496 : index
    %get3A_833 = tpu.vector_load %arg16[%get3A_832] {strides = array<i32>} : memref<512xf32, #tpu.memory_space<vmem>>, vector<16xf32>,
    %get3A_834 = vector.shape_cast %get3A_833 : vector<16xf32> to vector<16xf32>
    %add3A_835 = arith.addf %add3A_831, %get3A_834 : vector<16xf32>
    %max3A_836 = arith.constant 0.00999999977 : f32
    %max3A_837 = vector.broadcast %max3A_836 : f32 to vector<16xf32>
    %max3A_838 = arith.maximumf %add3A_835, %max3A_837 : vector<16xf32>
    %swap3A_839 = arith.constant 496 : index
    %swap3A_840 = tpu.vector_load %arg17[%swap3A_839] {strides = array<i32>} : memref<512xf32, #tpu.memory_space<vmem>>, vector<16xf32>,
    %swap3A_841 = vector.shape_cast %swap3A_840 : vector<16xf32> to vector<16xf32>
    %swap3A_842 = vector.shape_cast %max3A_838 : vector<16xf32> to vector<16xf32>
    tpu.vector_store %arg17[%swap3A_839], %swap3A_842 {strides = array<i32>} : memref<512xf32, #tpu.memory_space<vmem>>, vector<16xf32>,
    "tpu.region"() ({
      %run_scoped3A = tpu.sem_alloc : memref<!tpu.dma_semaphore, #tpu.memory_space<semaphore_mem>>
      %dma_start3A_845 = tpu.memref_slice %arg10[%mul3A_2] : memref<16384xf32, #tpu.memory_space<hbm>> -> memref<512xf32, #tpu.memory_space<hbm>>
      %dma_start3A_846 = tpu.memref_slice %arg10[%mul3A_2] : memref<16384xf32, #tpu.memory_space<hbm>> -> memref<512xf32, #tpu.memory_space<hbm>>
      tpu.enqueue_dma source(%arg17 : memref<512xf32, #tpu.memory_space<vmem>>) target(%dma_start3A_846 : memref<512xf32, #tpu.memory_space<hbm>>) target_semaphore(%run_scoped3A : memref<!tpu.dma_semaphore, #tpu.memory_space<semaphore_mem>>)
      %dma_wait3A_847 = tpu.memref_slice %arg10[%mul3A_2] : memref<16384xf32, #tpu.memory_space<hbm>> -> memref<512xf32, #tpu.memory_space<hbm>>
      %dma_wait3A_848 = tpu.memref_slice %arg10[%mul3A_2] : memref<16384xf32, #tpu.memory_space<hbm>> -> memref<512xf32, #tpu.memory_space<hbm>>
      tpu.wait_dma2 semaphore(%run_scoped3A : memref<!tpu.dma_semaphore, #tpu.memory_space<semaphore_mem>>) src(%arg17 : memref<512xf32, #tpu.memory_space<vmem>>) dst(%dma_wait3A_848 : memref<512xf32, #tpu.memory_space<hbm>>)
      tpu.yield
    }) : () -> ()
    %dma_wait3A_843 = tpu.memref_slice %arg9[%mul3A_2] : memref<16384xf32, #tpu.memory_space<hbm>> -> memref<512xf32, #tpu.memory_space<hbm>>
    %dma_wait3A_844 = tpu.memref_slice %arg4[%mul3A_2] : memref<16384xf32, #tpu.memory_space<hbm>> -> memref<512xf32, #tpu.memory_space<hbm>>
    tpu.wait_dma2 semaphore(%arg20 : memref<!tpu.dma_semaphore, #tpu.memory_space<semaphore_mem>>) src(%dma_wait3A_844 : memref<512xf32, #tpu.memory_space<hbm>>) dst(%dma_wait3A_843 : memref<512xf32, #tpu.memory_space<hbm>>)
    return
  }
}

#map = affine_map<(d0, d1) -> (0)>
module attributes {stable_mosaic.version = 14 : i64} {
  func.func @beta_half(%arg0: i32, %arg1: i32, %arg2: memref<16384xi32, #tpu.memory_space<hbm>>, %arg3: memref<16384xi32, #tpu.memory_space<hbm>>, %arg4: memref<16384xf32, #tpu.memory_space<hbm>>, %arg5: memref<16384xf32, #tpu.memory_space<hbm>>, %arg6: memref<1000448xf32, #tpu.memory_space<hbm>>, %arg7: memref<1000448xf32, #tpu.memory_space<hbm>>, %arg8: memref<16xf32, #tpu.memory_space<hbm>>, %arg9: memref<16384xf32, #tpu.memory_space<hbm>>, %arg10: memref<16384xf32, #tpu.memory_space<hbm>>, %arg11: memref<512xi32, #tpu.memory_space<vmem>>, %arg12: memref<512xi32, #tpu.memory_space<vmem>>, %arg13: memref<512xf32, #tpu.memory_space<vmem>>, %arg14: memref<512xf32, #tpu.memory_space<vmem>>, %arg15: memref<512xf32, #tpu.memory_space<vmem>>, %arg16: memref<512xf32, #tpu.memory_space<vmem>>, %arg17: memref<512xf32, #tpu.memory_space<vmem>>, %arg18: memref<16xf32, #tpu.memory_space<vmem>>, %arg19: memref<!tpu.dma_semaphore, #tpu.memory_space<semaphore_mem>>, %arg20: memref<!tpu.dma_semaphore, #tpu.memory_space<semaphore_mem>>) attributes {dimension_semantics = [#tpu.dimension_semantics<core_parallel>, #tpu.dimension_semantics<subcore_parallel>], iteration_bounds = array<i64: 2, 16>, scalar_prefetch = 0 : i64, scratch_operands = 10 : i64, tpu.core_type = #tpu.core_type<sc_vector_subcore>, window_params = [{transform_indices = #map}, {transform_indices = #map}, {transform_indices = #map}, {transform_indices = #map}, {transform_indices = #map}, {transform_indices = #map}, {transform_indices = #map}, {transform_indices = #map}, {transform_indices = #map}]} {
    %mul3A = arith.constant 2 : i32
    %mul3A_0 = arith.muli %arg1, %mul3A : i32
    %add3A = arith.addi %mul3A_0, %arg0 : i32
    %mul3A_1 = arith.constant 512 : i32
    %mul3A_2 = arith.muli %add3A, %mul3A_1 : i32
    "tpu.region"() ({
      %run_scoped3A = tpu.sem_alloc : memref<!tpu.dma_semaphore, #tpu.memory_space<semaphore_mem>>
      %dma_start3A_972 = tpu.memref_slice %arg2[%mul3A_2] : memref<16384xi32, #tpu.memory_space<hbm>> -> memref<512xi32, #tpu.memory_space<hbm>>
      %dma_start3A_973 = tpu.memref_slice %arg2[%mul3A_2] : memref<16384xi32, #tpu.memory_space<hbm>> -> memref<512xi32, #tpu.memory_space<hbm>>
      tpu.enqueue_dma source(%dma_start3A_973 : memref<512xi32, #tpu.memory_space<hbm>>) target(%arg11 : memref<512xi32, #tpu.memory_space<vmem>>) target_semaphore(%run_scoped3A : memref<!tpu.dma_semaphore, #tpu.memory_space<semaphore_mem>>)
      %dma_wait3A_974 = tpu.memref_slice %arg2[%mul3A_2] : memref<16384xi32, #tpu.memory_space<hbm>> -> memref<512xi32, #tpu.memory_space<hbm>>
      %dma_wait3A_975 = tpu.memref_slice %arg2[%mul3A_2] : memref<16384xi32, #tpu.memory_space<hbm>> -> memref<512xi32, #tpu.memory_space<hbm>>
      tpu.wait_dma2 semaphore(%run_scoped3A : memref<!tpu.dma_semaphore, #tpu.memory_space<semaphore_mem>>) src(%dma_wait3A_975 : memref<512xi32, #tpu.memory_space<hbm>>) dst(%arg11 : memref<512xi32, #tpu.memory_space<vmem>>)
      tpu.yield
    }) : () -> ()
    "tpu.region"() ({
      %run_scoped3A = tpu.sem_alloc : memref<!tpu.dma_semaphore, #tpu.memory_space<semaphore_mem>>
      %dma_start3A_972 = tpu.memref_slice %arg3[%mul3A_2] : memref<16384xi32, #tpu.memory_space<hbm>> -> memref<512xi32, #tpu.memory_space<hbm>>
      %dma_start3A_973 = tpu.memref_slice %arg3[%mul3A_2] : memref<16384xi32, #tpu.memory_space<hbm>> -> memref<512xi32, #tpu.memory_space<hbm>>
      tpu.enqueue_dma source(%dma_start3A_973 : memref<512xi32, #tpu.memory_space<hbm>>) target(%arg12 : memref<512xi32, #tpu.memory_space<vmem>>) target_semaphore(%run_scoped3A : memref<!tpu.dma_semaphore, #tpu.memory_space<semaphore_mem>>)
      %dma_wait3A_974 = tpu.memref_slice %arg3[%mul3A_2] : memref<16384xi32, #tpu.memory_space<hbm>> -> memref<512xi32, #tpu.memory_space<hbm>>
      %dma_wait3A_975 = tpu.memref_slice %arg3[%mul3A_2] : memref<16384xi32, #tpu.memory_space<hbm>> -> memref<512xi32, #tpu.memory_space<hbm>>
      tpu.wait_dma2 semaphore(%run_scoped3A : memref<!tpu.dma_semaphore, #tpu.memory_space<semaphore_mem>>) src(%dma_wait3A_975 : memref<512xi32, #tpu.memory_space<hbm>>) dst(%arg12 : memref<512xi32, #tpu.memory_space<vmem>>)
      tpu.yield
    }) : () -> ()
    %dma_start3A = arith.constant 0 : i32
    %dma_start3A_3 = tpu.memref_slice %arg6[%dma_start3A] : memref<1000448xf32, #tpu.memory_space<hbm>> -> memref<1000448xf32, #tpu.memory_space<hbm>>
    tpu.enqueue_indirect_dma source(%dma_start3A_3 : memref<1000448xf32, #tpu.memory_space<hbm>>) target(%arg15 : memref<512xf32, #tpu.memory_space<vmem>>) offsets(%arg11 : memref<512xi32, #tpu.memory_space<vmem>>) semaphore(%arg19 : memref<!tpu.dma_semaphore, #tpu.memory_space<semaphore_mem>>)
    %dma_start3A_4 = arith.constant 0 : i32
    %dma_start3A_5 = tpu.memref_slice %arg7[%dma_start3A_4] : memref<1000448xf32, #tpu.memory_space<hbm>> -> memref<1000448xf32, #tpu.memory_space<hbm>>
    tpu.enqueue_indirect_dma source(%dma_start3A_5 : memref<1000448xf32, #tpu.memory_space<hbm>>) target(%arg16 : memref<512xf32, #tpu.memory_space<vmem>>) offsets(%arg12 : memref<512xi32, #tpu.memory_space<vmem>>) semaphore(%arg19 : memref<!tpu.dma_semaphore, #tpu.memory_space<semaphore_mem>>)
    %dma_start3A_6 = tpu.memref_slice %arg9[%mul3A_2] : memref<16384xf32, #tpu.memory_space<hbm>> -> memref<512xf32, #tpu.memory_space<hbm>>
    %dma_start3A_7 = tpu.memref_slice %arg5[%mul3A_2] : memref<16384xf32, #tpu.memory_space<hbm>> -> memref<512xf32, #tpu.memory_space<hbm>>
    tpu.enqueue_dma source(%dma_start3A_7 : memref<512xf32, #tpu.memory_space<hbm>>) target(%dma_start3A_6 : memref<512xf32, #tpu.memory_space<hbm>>) target_semaphore(%arg20 : memref<!tpu.dma_semaphore, #tpu.memory_space<semaphore_mem>>)
    "tpu.region"() ({
      %run_scoped3A = tpu.sem_alloc : memref<!tpu.dma_semaphore, #tpu.memory_space<semaphore_mem>>
      %dma_start3A_972 = tpu.memref_slice %arg4[%mul3A_2] : memref<16384xf32, #tpu.memory_space<hbm>> -> memref<512xf32, #tpu.memory_space<hbm>>
      %dma_start3A_973 = tpu.memref_slice %arg4[%mul3A_2] : memref<16384xf32, #tpu.memory_space<hbm>> -> memref<512xf32, #tpu.memory_space<hbm>>
      tpu.enqueue_dma source(%dma_start3A_973 : memref<512xf32, #tpu.memory_space<hbm>>) target(%arg13 : memref<512xf32, #tpu.memory_space<vmem>>) target_semaphore(%run_scoped3A : memref<!tpu.dma_semaphore, #tpu.memory_space<semaphore_mem>>)
      %dma_wait3A_974 = tpu.memref_slice %arg4[%mul3A_2] : memref<16384xf32, #tpu.memory_space<hbm>> -> memref<512xf32, #tpu.memory_space<hbm>>
      %dma_wait3A_975 = tpu.memref_slice %arg4[%mul3A_2] : memref<16384xf32, #tpu.memory_space<hbm>> -> memref<512xf32, #tpu.memory_space<hbm>>
      tpu.wait_dma2 semaphore(%run_scoped3A : memref<!tpu.dma_semaphore, #tpu.memory_space<semaphore_mem>>) src(%dma_wait3A_975 : memref<512xf32, #tpu.memory_space<hbm>>) dst(%arg13 : memref<512xf32, #tpu.memory_space<vmem>>)
      tpu.yield
    }) : () -> ()
    "tpu.region"() ({
      %run_scoped3A = tpu.sem_alloc : memref<!tpu.dma_semaphore, #tpu.memory_space<semaphore_mem>>
      %dma_start3A_972 = tpu.memref_slice %arg5[%mul3A_2] : memref<16384xf32, #tpu.memory_space<hbm>> -> memref<512xf32, #tpu.memory_space<hbm>>
      %dma_start3A_973 = tpu.memref_slice %arg5[%mul3A_2] : memref<16384xf32, #tpu.memory_space<hbm>> -> memref<512xf32, #tpu.memory_space<hbm>>
      tpu.enqueue_dma source(%dma_start3A_973 : memref<512xf32, #tpu.memory_space<hbm>>) target(%arg14 : memref<512xf32, #tpu.memory_space<vmem>>) target_semaphore(%run_scoped3A : memref<!tpu.dma_semaphore, #tpu.memory_space<semaphore_mem>>)
      %dma_wait3A_974 = tpu.memref_slice %arg5[%mul3A_2] : memref<16384xf32, #tpu.memory_space<hbm>> -> memref<512xf32, #tpu.memory_space<hbm>>
      %dma_wait3A_975 = tpu.memref_slice %arg5[%mul3A_2] : memref<16384xf32, #tpu.memory_space<hbm>> -> memref<512xf32, #tpu.memory_space<hbm>>
      tpu.wait_dma2 semaphore(%run_scoped3A : memref<!tpu.dma_semaphore, #tpu.memory_space<semaphore_mem>>) src(%dma_wait3A_975 : memref<512xf32, #tpu.memory_space<hbm>>) dst(%arg14 : memref<512xf32, #tpu.memory_space<vmem>>)
      tpu.yield
    }) : () -> ()
    "tpu.region"() ({
      %run_scoped3A = tpu.sem_alloc : memref<!tpu.dma_semaphore, #tpu.memory_space<semaphore_mem>>
      tpu.enqueue_dma source(%arg8 : memref<16xf32, #tpu.memory_space<hbm>>) target(%arg18 : memref<16xf32, #tpu.memory_space<vmem>>) target_semaphore(%run_scoped3A : memref<!tpu.dma_semaphore, #tpu.memory_space<semaphore_mem>>)
      tpu.wait_dma2 semaphore(%run_scoped3A : memref<!tpu.dma_semaphore, #tpu.memory_space<semaphore_mem>>) src(%arg8 : memref<16xf32, #tpu.memory_space<hbm>>) dst(%arg18 : memref<16xf32, #tpu.memory_space<vmem>>)
      tpu.yield
    }) : () -> ()
    %get3A = arith.constant 0 : index
    %get3A_8 = tpu.vector_load %arg18[%get3A] {strides = array<i32>} : memref<16xf32, #tpu.memory_space<vmem>>, vector<16xf32>,
    %get3A_9 = vector.shape_cast %get3A_8 : vector<16xf32> to vector<16xf32>
    %dma_wait3A = arith.constant 0 : i32
    %dma_wait3A_10 = tpu.memref_slice %arg6[%dma_wait3A] : memref<1000448xf32, #tpu.memory_space<hbm>> -> memref<1000448xf32, #tpu.memory_space<hbm>>
    tpu.wait_indirect_dma semaphore(%arg19 : memref<!tpu.dma_semaphore, #tpu.memory_space<semaphore_mem>>) src(%dma_wait3A_10 : memref<1000448xf32, #tpu.memory_space<hbm>>) dst(%arg15 : memref<512xf32, #tpu.memory_space<vmem>>)
    %dma_wait3A_11 = arith.constant 0 : i32
    %dma_wait3A_12 = tpu.memref_slice %arg7[%dma_wait3A_11] : memref<1000448xf32, #tpu.memory_space<hbm>> -> memref<1000448xf32, #tpu.memory_space<hbm>>
    tpu.wait_indirect_dma semaphore(%arg19 : memref<!tpu.dma_semaphore, #tpu.memory_space<semaphore_mem>>) src(%dma_wait3A_12 : memref<1000448xf32, #tpu.memory_space<hbm>>) dst(%arg16 : memref<512xf32, #tpu.memory_space<vmem>>)
    %get3A_13 = arith.constant 0 : index
    %get3A_14 = tpu.vector_load %arg13[%get3A_13] {strides = array<i32>} : memref<512xf32, #tpu.memory_space<vmem>>, vector<16xf32>,
    %get3A_15 = vector.shape_cast %get3A_14 : vector<16xf32> to vector<16xf32>
    %get3A_16 = arith.constant 0 : index
    %get3A_17 = tpu.vector_load %arg14[%get3A_16] {strides = array<i32>} : memref<512xf32, #tpu.memory_space<vmem>>, vector<16xf32>,
    %get3A_18 = vector.shape_cast %get3A_17 : vector<16xf32> to vector<16xf32>
    %mul3A_19 = arith.mulf %get3A_15, %get3A_18 : vector<16xf32>
    %max3A = arith.constant 0.00999999977 : f32
    %max3A_20 = vector.broadcast %max3A : f32 to vector<16xf32>
    %max3A_21 = arith.maximumf %mul3A_19, %max3A_20 : vector<16xf32>
    %sub3A = arith.subf %get3A_18, %max3A_21 : vector<16xf32>
    %max3A_22 = arith.constant 0.00999999977 : f32
    %max3A_23 = vector.broadcast %max3A_22 : f32 to vector<16xf32>
    %max3A_24 = arith.maximumf %sub3A, %max3A_23 : vector<16xf32>
    %add3A_25 = arith.addf %max3A_24, %get3A_9 : vector<16xf32>
    %get3A_26 = arith.constant 0 : index
    %get3A_27 = tpu.vector_load %arg15[%get3A_26] {strides = array<i32>} : memref<512xf32, #tpu.memory_space<vmem>>, vector<16xf32>,
    %get3A_28 = vector.shape_cast %get3A_27 : vector<16xf32> to vector<16xf32>
    %add3A_29 = arith.addf %add3A_25, %get3A_28 : vector<16xf32>
    %get3A_30 = arith.constant 0 : index
    %get3A_31 = tpu.vector_load %arg16[%get3A_30] {strides = array<i32>} : memref<512xf32, #tpu.memory_space<vmem>>, vector<16xf32>,
    %get3A_32 = vector.shape_cast %get3A_31 : vector<16xf32> to vector<16xf32>
    %add3A_33 = arith.addf %add3A_29, %get3A_32 : vector<16xf32>
    %max3A_34 = arith.constant 0.00999999977 : f32
    %max3A_35 = vector.broadcast %max3A_34 : f32 to vector<16xf32>
    %max3A_36 = arith.maximumf %add3A_33, %max3A_35 : vector<16xf32>
    %swap3A = arith.constant 0 : index
    %swap3A_37 = tpu.vector_load %arg17[%swap3A] {strides = array<i32>} : memref<512xf32, #tpu.memory_space<vmem>>, vector<16xf32>,
    %swap3A_38 = vector.shape_cast %swap3A_37 : vector<16xf32> to vector<16xf32>
    %swap3A_39 = vector.shape_cast %max3A_36 : vector<16xf32> to vector<16xf32>
    tpu.vector_store %arg17[%swap3A], %swap3A_39 {strides = array<i32>} : memref<512xf32, #tpu.memory_space<vmem>>, vector<16xf32>,
    %get3A_40 = arith.constant 16 : index
    %get3A_41 = tpu.vector_load %arg13[%get3A_40] {strides = array<i32>} : memref<512xf32, #tpu.memory_space<vmem>>, vector<16xf32>,
    %get3A_42 = vector.shape_cast %get3A_41 : vector<16xf32> to vector<16xf32>
    %get3A_43 = arith.constant 16 : index
    %get3A_44 = tpu.vector_load %arg14[%get3A_43] {strides = array<i32>} : memref<512xf32, #tpu.memory_space<vmem>>, vector<16xf32>,
    %get3A_45 = vector.shape_cast %get3A_44 : vector<16xf32> to vector<16xf32>
    %mul3A_46 = arith.mulf %get3A_42, %get3A_45 : vector<16xf32>
    %max3A_47 = arith.constant 0.00999999977 : f32
    %max3A_48 = vector.broadcast %max3A_47 : f32 to vector<16xf32>
    %max3A_49 = arith.maximumf %mul3A_46, %max3A_48 : vector<16xf32>
    %sub3A_50 = arith.subf %get3A_45, %max3A_49 : vector<16xf32>
    %max3A_51 = arith.constant 0.00999999977 : f32
    %max3A_52 = vector.broadcast %max3A_51 : f32 to vector<16xf32>
    %max3A_53 = arith.maximumf %sub3A_50, %max3A_52 : vector<16xf32>
    %add3A_54 = arith.addf %max3A_53, %get3A_9 : vector<16xf32>
    %get3A_55 = arith.constant 16 : index
    %get3A_56 = tpu.vector_load %arg15[%get3A_55] {strides = array<i32>} : memref<512xf32, #tpu.memory_space<vmem>>, vector<16xf32>,
    %get3A_57 = vector.shape_cast %get3A_56 : vector<16xf32> to vector<16xf32>
    %add3A_58 = arith.addf %add3A_54, %get3A_57 : vector<16xf32>
    %get3A_59 = arith.constant 16 : index
    %get3A_60 = tpu.vector_load %arg16[%get3A_59] {strides = array<i32>} : memref<512xf32, #tpu.memory_space<vmem>>, vector<16xf32>,
    %get3A_61 = vector.shape_cast %get3A_60 : vector<16xf32> to vector<16xf32>
    %add3A_62 = arith.addf %add3A_58, %get3A_61 : vector<16xf32>
    %max3A_63 = arith.constant 0.00999999977 : f32
    %max3A_64 = vector.broadcast %max3A_63 : f32 to vector<16xf32>
    %max3A_65 = arith.maximumf %add3A_62, %max3A_64 : vector<16xf32>
    %swap3A_66 = arith.constant 16 : index
    %swap3A_67 = tpu.vector_load %arg17[%swap3A_66] {strides = array<i32>} : memref<512xf32, #tpu.memory_space<vmem>>, vector<16xf32>,
    %swap3A_68 = vector.shape_cast %swap3A_67 : vector<16xf32> to vector<16xf32>
    %swap3A_69 = vector.shape_cast %max3A_65 : vector<16xf32> to vector<16xf32>
    tpu.vector_store %arg17[%swap3A_66], %swap3A_69 {strides = array<i32>} : memref<512xf32, #tpu.memory_space<vmem>>, vector<16xf32>,
    %get3A_70 = arith.constant 32 : index
    %get3A_71 = tpu.vector_load %arg13[%get3A_70] {strides = array<i32>} : memref<512xf32, #tpu.memory_space<vmem>>, vector<16xf32>,
    %get3A_72 = vector.shape_cast %get3A_71 : vector<16xf32> to vector<16xf32>
    %get3A_73 = arith.constant 32 : index
    %get3A_74 = tpu.vector_load %arg14[%get3A_73] {strides = array<i32>} : memref<512xf32, #tpu.memory_space<vmem>>, vector<16xf32>,
    %get3A_75 = vector.shape_cast %get3A_74 : vector<16xf32> to vector<16xf32>
    %mul3A_76 = arith.mulf %get3A_72, %get3A_75 : vector<16xf32>
    %max3A_77 = arith.constant 0.00999999977 : f32
    %max3A_78 = vector.broadcast %max3A_77 : f32 to vector<16xf32>
    %max3A_79 = arith.maximumf %mul3A_76, %max3A_78 : vector<16xf32>
    %sub3A_80 = arith.subf %get3A_75, %max3A_79 : vector<16xf32>
    %max3A_81 = arith.constant 0.00999999977 : f32
    %max3A_82 = vector.broadcast %max3A_81 : f32 to vector<16xf32>
    %max3A_83 = arith.maximumf %sub3A_80, %max3A_82 : vector<16xf32>
    %add3A_84 = arith.addf %max3A_83, %get3A_9 : vector<16xf32>
    %get3A_85 = arith.constant 32 : index
    %get3A_86 = tpu.vector_load %arg15[%get3A_85] {strides = array<i32>} : memref<512xf32, #tpu.memory_space<vmem>>, vector<16xf32>,
    %get3A_87 = vector.shape_cast %get3A_86 : vector<16xf32> to vector<16xf32>
    %add3A_88 = arith.addf %add3A_84, %get3A_87 : vector<16xf32>
    %get3A_89 = arith.constant 32 : index
    %get3A_90 = tpu.vector_load %arg16[%get3A_89] {strides = array<i32>} : memref<512xf32, #tpu.memory_space<vmem>>, vector<16xf32>,
    %get3A_91 = vector.shape_cast %get3A_90 : vector<16xf32> to vector<16xf32>
    %add3A_92 = arith.addf %add3A_88, %get3A_91 : vector<16xf32>
    %max3A_93 = arith.constant 0.00999999977 : f32
    %max3A_94 = vector.broadcast %max3A_93 : f32 to vector<16xf32>
    %max3A_95 = arith.maximumf %add3A_92, %max3A_94 : vector<16xf32>
    %swap3A_96 = arith.constant 32 : index
    %swap3A_97 = tpu.vector_load %arg17[%swap3A_96] {strides = array<i32>} : memref<512xf32, #tpu.memory_space<vmem>>, vector<16xf32>,
    %swap3A_98 = vector.shape_cast %swap3A_97 : vector<16xf32> to vector<16xf32>
    %swap3A_99 = vector.shape_cast %max3A_95 : vector<16xf32> to vector<16xf32>
    tpu.vector_store %arg17[%swap3A_96], %swap3A_99 {strides = array<i32>} : memref<512xf32, #tpu.memory_space<vmem>>, vector<16xf32>,
    %get3A_100 = arith.constant 48 : index
    %get3A_101 = tpu.vector_load %arg13[%get3A_100] {strides = array<i32>} : memref<512xf32, #tpu.memory_space<vmem>>, vector<16xf32>,
    %get3A_102 = vector.shape_cast %get3A_101 : vector<16xf32> to vector<16xf32>
    %get3A_103 = arith.constant 48 : index
    %get3A_104 = tpu.vector_load %arg14[%get3A_103] {strides = array<i32>} : memref<512xf32, #tpu.memory_space<vmem>>, vector<16xf32>,
    %get3A_105 = vector.shape_cast %get3A_104 : vector<16xf32> to vector<16xf32>
    %mul3A_106 = arith.mulf %get3A_102, %get3A_105 : vector<16xf32>
    %max3A_107 = arith.constant 0.00999999977 : f32
    %max3A_108 = vector.broadcast %max3A_107 : f32 to vector<16xf32>
    %max3A_109 = arith.maximumf %mul3A_106, %max3A_108 : vector<16xf32>
    %sub3A_110 = arith.subf %get3A_105, %max3A_109 : vector<16xf32>
    %max3A_111 = arith.constant 0.00999999977 : f32
    %max3A_112 = vector.broadcast %max3A_111 : f32 to vector<16xf32>
    %max3A_113 = arith.maximumf %sub3A_110, %max3A_112 : vector<16xf32>
    %add3A_114 = arith.addf %max3A_113, %get3A_9 : vector<16xf32>
    %get3A_115 = arith.constant 48 : index
    %get3A_116 = tpu.vector_load %arg15[%get3A_115] {strides = array<i32>} : memref<512xf32, #tpu.memory_space<vmem>>, vector<16xf32>,
    %get3A_117 = vector.shape_cast %get3A_116 : vector<16xf32> to vector<16xf32>
    %add3A_118 = arith.addf %add3A_114, %get3A_117 : vector<16xf32>
    %get3A_119 = arith.constant 48 : index
    %get3A_120 = tpu.vector_load %arg16[%get3A_119] {strides = array<i32>} : memref<512xf32, #tpu.memory_space<vmem>>, vector<16xf32>,
    %get3A_121 = vector.shape_cast %get3A_120 : vector<16xf32> to vector<16xf32>
    %add3A_122 = arith.addf %add3A_118, %get3A_121 : vector<16xf32>
    %max3A_123 = arith.constant 0.00999999977 : f32
    %max3A_124 = vector.broadcast %max3A_123 : f32 to vector<16xf32>
    %max3A_125 = arith.maximumf %add3A_122, %max3A_124 : vector<16xf32>
    %swap3A_126 = arith.constant 48 : index
    %swap3A_127 = tpu.vector_load %arg17[%swap3A_126] {strides = array<i32>} : memref<512xf32, #tpu.memory_space<vmem>>, vector<16xf32>,
    %swap3A_128 = vector.shape_cast %swap3A_127 : vector<16xf32> to vector<16xf32>
    %swap3A_129 = vector.shape_cast %max3A_125 : vector<16xf32> to vector<16xf32>
    tpu.vector_store %arg17[%swap3A_126], %swap3A_129 {strides = array<i32>} : memref<512xf32, #tpu.memory_space<vmem>>, vector<16xf32>,
    %get3A_130 = arith.constant 64 : index
    %get3A_131 = tpu.vector_load %arg13[%get3A_130] {strides = array<i32>} : memref<512xf32, #tpu.memory_space<vmem>>, vector<16xf32>,
    %get3A_132 = vector.shape_cast %get3A_131 : vector<16xf32> to vector<16xf32>
    %get3A_133 = arith.constant 64 : index
    %get3A_134 = tpu.vector_load %arg14[%get3A_133] {strides = array<i32>} : memref<512xf32, #tpu.memory_space<vmem>>, vector<16xf32>,
    %get3A_135 = vector.shape_cast %get3A_134 : vector<16xf32> to vector<16xf32>
    %mul3A_136 = arith.mulf %get3A_132, %get3A_135 : vector<16xf32>
    %max3A_137 = arith.constant 0.00999999977 : f32
    %max3A_138 = vector.broadcast %max3A_137 : f32 to vector<16xf32>
    %max3A_139 = arith.maximumf %mul3A_136, %max3A_138 : vector<16xf32>
    %sub3A_140 = arith.subf %get3A_135, %max3A_139 : vector<16xf32>
    %max3A_141 = arith.constant 0.00999999977 : f32
    %max3A_142 = vector.broadcast %max3A_141 : f32 to vector<16xf32>
    %max3A_143 = arith.maximumf %sub3A_140, %max3A_142 : vector<16xf32>
    %add3A_144 = arith.addf %max3A_143, %get3A_9 : vector<16xf32>
    %get3A_145 = arith.constant 64 : index
    %get3A_146 = tpu.vector_load %arg15[%get3A_145] {strides = array<i32>} : memref<512xf32, #tpu.memory_space<vmem>>, vector<16xf32>,
    %get3A_147 = vector.shape_cast %get3A_146 : vector<16xf32> to vector<16xf32>
    %add3A_148 = arith.addf %add3A_144, %get3A_147 : vector<16xf32>
    %get3A_149 = arith.constant 64 : index
    %get3A_150 = tpu.vector_load %arg16[%get3A_149] {strides = array<i32>} : memref<512xf32, #tpu.memory_space<vmem>>, vector<16xf32>,
    %get3A_151 = vector.shape_cast %get3A_150 : vector<16xf32> to vector<16xf32>
    %add3A_152 = arith.addf %add3A_148, %get3A_151 : vector<16xf32>
    %max3A_153 = arith.constant 0.00999999977 : f32
    %max3A_154 = vector.broadcast %max3A_153 : f32 to vector<16xf32>
    %max3A_155 = arith.maximumf %add3A_152, %max3A_154 : vector<16xf32>
    %swap3A_156 = arith.constant 64 : index
    %swap3A_157 = tpu.vector_load %arg17[%swap3A_156] {strides = array<i32>} : memref<512xf32, #tpu.memory_space<vmem>>, vector<16xf32>,
    %swap3A_158 = vector.shape_cast %swap3A_157 : vector<16xf32> to vector<16xf32>
    %swap3A_159 = vector.shape_cast %max3A_155 : vector<16xf32> to vector<16xf32>
    tpu.vector_store %arg17[%swap3A_156], %swap3A_159 {strides = array<i32>} : memref<512xf32, #tpu.memory_space<vmem>>, vector<16xf32>,
    %get3A_160 = arith.constant 80 : index
    %get3A_161 = tpu.vector_load %arg13[%get3A_160] {strides = array<i32>} : memref<512xf32, #tpu.memory_space<vmem>>, vector<16xf32>,
    %get3A_162 = vector.shape_cast %get3A_161 : vector<16xf32> to vector<16xf32>
    %get3A_163 = arith.constant 80 : index
    %get3A_164 = tpu.vector_load %arg14[%get3A_163] {strides = array<i32>} : memref<512xf32, #tpu.memory_space<vmem>>, vector<16xf32>,
    %get3A_165 = vector.shape_cast %get3A_164 : vector<16xf32> to vector<16xf32>
    %mul3A_166 = arith.mulf %get3A_162, %get3A_165 : vector<16xf32>
    %max3A_167 = arith.constant 0.00999999977 : f32
    %max3A_168 = vector.broadcast %max3A_167 : f32 to vector<16xf32>
    %max3A_169 = arith.maximumf %mul3A_166, %max3A_168 : vector<16xf32>
    %sub3A_170 = arith.subf %get3A_165, %max3A_169 : vector<16xf32>
    %max3A_171 = arith.constant 0.00999999977 : f32
    %max3A_172 = vector.broadcast %max3A_171 : f32 to vector<16xf32>
    %max3A_173 = arith.maximumf %sub3A_170, %max3A_172 : vector<16xf32>
    %add3A_174 = arith.addf %max3A_173, %get3A_9 : vector<16xf32>
    %get3A_175 = arith.constant 80 : index
    %get3A_176 = tpu.vector_load %arg15[%get3A_175] {strides = array<i32>} : memref<512xf32, #tpu.memory_space<vmem>>, vector<16xf32>,
    %get3A_177 = vector.shape_cast %get3A_176 : vector<16xf32> to vector<16xf32>
    %add3A_178 = arith.addf %add3A_174, %get3A_177 : vector<16xf32>
    %get3A_179 = arith.constant 80 : index
    %get3A_180 = tpu.vector_load %arg16[%get3A_179] {strides = array<i32>} : memref<512xf32, #tpu.memory_space<vmem>>, vector<16xf32>,
    %get3A_181 = vector.shape_cast %get3A_180 : vector<16xf32> to vector<16xf32>
    %add3A_182 = arith.addf %add3A_178, %get3A_181 : vector<16xf32>
    %max3A_183 = arith.constant 0.00999999977 : f32
    %max3A_184 = vector.broadcast %max3A_183 : f32 to vector<16xf32>
    %max3A_185 = arith.maximumf %add3A_182, %max3A_184 : vector<16xf32>
    %swap3A_186 = arith.constant 80 : index
    %swap3A_187 = tpu.vector_load %arg17[%swap3A_186] {strides = array<i32>} : memref<512xf32, #tpu.memory_space<vmem>>, vector<16xf32>,
    %swap3A_188 = vector.shape_cast %swap3A_187 : vector<16xf32> to vector<16xf32>
    %swap3A_189 = vector.shape_cast %max3A_185 : vector<16xf32> to vector<16xf32>
    tpu.vector_store %arg17[%swap3A_186], %swap3A_189 {strides = array<i32>} : memref<512xf32, #tpu.memory_space<vmem>>, vector<16xf32>,
    %get3A_190 = arith.constant 96 : index
    %get3A_191 = tpu.vector_load %arg13[%get3A_190] {strides = array<i32>} : memref<512xf32, #tpu.memory_space<vmem>>, vector<16xf32>,
    %get3A_192 = vector.shape_cast %get3A_191 : vector<16xf32> to vector<16xf32>
    %get3A_193 = arith.constant 96 : index
    %get3A_194 = tpu.vector_load %arg14[%get3A_193] {strides = array<i32>} : memref<512xf32, #tpu.memory_space<vmem>>, vector<16xf32>,
    %get3A_195 = vector.shape_cast %get3A_194 : vector<16xf32> to vector<16xf32>
    %mul3A_196 = arith.mulf %get3A_192, %get3A_195 : vector<16xf32>
    %max3A_197 = arith.constant 0.00999999977 : f32
    %max3A_198 = vector.broadcast %max3A_197 : f32 to vector<16xf32>
    %max3A_199 = arith.maximumf %mul3A_196, %max3A_198 : vector<16xf32>
    %sub3A_200 = arith.subf %get3A_195, %max3A_199 : vector<16xf32>
    %max3A_201 = arith.constant 0.00999999977 : f32
    %max3A_202 = vector.broadcast %max3A_201 : f32 to vector<16xf32>
    %max3A_203 = arith.maximumf %sub3A_200, %max3A_202 : vector<16xf32>
    %add3A_204 = arith.addf %max3A_203, %get3A_9 : vector<16xf32>
    %get3A_205 = arith.constant 96 : index
    %get3A_206 = tpu.vector_load %arg15[%get3A_205] {strides = array<i32>} : memref<512xf32, #tpu.memory_space<vmem>>, vector<16xf32>,
    %get3A_207 = vector.shape_cast %get3A_206 : vector<16xf32> to vector<16xf32>
    %add3A_208 = arith.addf %add3A_204, %get3A_207 : vector<16xf32>
    %get3A_209 = arith.constant 96 : index
    %get3A_210 = tpu.vector_load %arg16[%get3A_209] {strides = array<i32>} : memref<512xf32, #tpu.memory_space<vmem>>, vector<16xf32>,
    %get3A_211 = vector.shape_cast %get3A_210 : vector<16xf32> to vector<16xf32>
    %add3A_212 = arith.addf %add3A_208, %get3A_211 : vector<16xf32>
    %max3A_213 = arith.constant 0.00999999977 : f32
    %max3A_214 = vector.broadcast %max3A_213 : f32 to vector<16xf32>
    %max3A_215 = arith.maximumf %add3A_212, %max3A_214 : vector<16xf32>
    %swap3A_216 = arith.constant 96 : index
    %swap3A_217 = tpu.vector_load %arg17[%swap3A_216] {strides = array<i32>} : memref<512xf32, #tpu.memory_space<vmem>>, vector<16xf32>,
    %swap3A_218 = vector.shape_cast %swap3A_217 : vector<16xf32> to vector<16xf32>
    %swap3A_219 = vector.shape_cast %max3A_215 : vector<16xf32> to vector<16xf32>
    tpu.vector_store %arg17[%swap3A_216], %swap3A_219 {strides = array<i32>} : memref<512xf32, #tpu.memory_space<vmem>>, vector<16xf32>,
    %get3A_220 = arith.constant 112 : index
    %get3A_221 = tpu.vector_load %arg13[%get3A_220] {strides = array<i32>} : memref<512xf32, #tpu.memory_space<vmem>>, vector<16xf32>,
    %get3A_222 = vector.shape_cast %get3A_221 : vector<16xf32> to vector<16xf32>
    %get3A_223 = arith.constant 112 : index
    %get3A_224 = tpu.vector_load %arg14[%get3A_223] {strides = array<i32>} : memref<512xf32, #tpu.memory_space<vmem>>, vector<16xf32>,
    %get3A_225 = vector.shape_cast %get3A_224 : vector<16xf32> to vector<16xf32>
    %mul3A_226 = arith.mulf %get3A_222, %get3A_225 : vector<16xf32>
    %max3A_227 = arith.constant 0.00999999977 : f32
    %max3A_228 = vector.broadcast %max3A_227 : f32 to vector<16xf32>
    %max3A_229 = arith.maximumf %mul3A_226, %max3A_228 : vector<16xf32>
    %sub3A_230 = arith.subf %get3A_225, %max3A_229 : vector<16xf32>
    %max3A_231 = arith.constant 0.00999999977 : f32
    %max3A_232 = vector.broadcast %max3A_231 : f32 to vector<16xf32>
    %max3A_233 = arith.maximumf %sub3A_230, %max3A_232 : vector<16xf32>
    %add3A_234 = arith.addf %max3A_233, %get3A_9 : vector<16xf32>
    %get3A_235 = arith.constant 112 : index
    %get3A_236 = tpu.vector_load %arg15[%get3A_235] {strides = array<i32>} : memref<512xf32, #tpu.memory_space<vmem>>, vector<16xf32>,
    %get3A_237 = vector.shape_cast %get3A_236 : vector<16xf32> to vector<16xf32>
    %add3A_238 = arith.addf %add3A_234, %get3A_237 : vector<16xf32>
    %get3A_239 = arith.constant 112 : index
    %get3A_240 = tpu.vector_load %arg16[%get3A_239] {strides = array<i32>} : memref<512xf32, #tpu.memory_space<vmem>>, vector<16xf32>,
    %get3A_241 = vector.shape_cast %get3A_240 : vector<16xf32> to vector<16xf32>
    %add3A_242 = arith.addf %add3A_238, %get3A_241 : vector<16xf32>
    %max3A_243 = arith.constant 0.00999999977 : f32
    %max3A_244 = vector.broadcast %max3A_243 : f32 to vector<16xf32>
    %max3A_245 = arith.maximumf %add3A_242, %max3A_244 : vector<16xf32>
    %swap3A_246 = arith.constant 112 : index
    %swap3A_247 = tpu.vector_load %arg17[%swap3A_246] {strides = array<i32>} : memref<512xf32, #tpu.memory_space<vmem>>, vector<16xf32>,
    %swap3A_248 = vector.shape_cast %swap3A_247 : vector<16xf32> to vector<16xf32>
    %swap3A_249 = vector.shape_cast %max3A_245 : vector<16xf32> to vector<16xf32>
    tpu.vector_store %arg17[%swap3A_246], %swap3A_249 {strides = array<i32>} : memref<512xf32, #tpu.memory_space<vmem>>, vector<16xf32>,
    %get3A_250 = arith.constant 128 : index
    %get3A_251 = tpu.vector_load %arg13[%get3A_250] {strides = array<i32>} : memref<512xf32, #tpu.memory_space<vmem>>, vector<16xf32>,
    %get3A_252 = vector.shape_cast %get3A_251 : vector<16xf32> to vector<16xf32>
    %get3A_253 = arith.constant 128 : index
    %get3A_254 = tpu.vector_load %arg14[%get3A_253] {strides = array<i32>} : memref<512xf32, #tpu.memory_space<vmem>>, vector<16xf32>,
    %get3A_255 = vector.shape_cast %get3A_254 : vector<16xf32> to vector<16xf32>
    %mul3A_256 = arith.mulf %get3A_252, %get3A_255 : vector<16xf32>
    %max3A_257 = arith.constant 0.00999999977 : f32
    %max3A_258 = vector.broadcast %max3A_257 : f32 to vector<16xf32>
    %max3A_259 = arith.maximumf %mul3A_256, %max3A_258 : vector<16xf32>
    %sub3A_260 = arith.subf %get3A_255, %max3A_259 : vector<16xf32>
    %max3A_261 = arith.constant 0.00999999977 : f32
    %max3A_262 = vector.broadcast %max3A_261 : f32 to vector<16xf32>
    %max3A_263 = arith.maximumf %sub3A_260, %max3A_262 : vector<16xf32>
    %add3A_264 = arith.addf %max3A_263, %get3A_9 : vector<16xf32>
    %get3A_265 = arith.constant 128 : index
    %get3A_266 = tpu.vector_load %arg15[%get3A_265] {strides = array<i32>} : memref<512xf32, #tpu.memory_space<vmem>>, vector<16xf32>,
    %get3A_267 = vector.shape_cast %get3A_266 : vector<16xf32> to vector<16xf32>
    %add3A_268 = arith.addf %add3A_264, %get3A_267 : vector<16xf32>
    %get3A_269 = arith.constant 128 : index
    %get3A_270 = tpu.vector_load %arg16[%get3A_269] {strides = array<i32>} : memref<512xf32, #tpu.memory_space<vmem>>, vector<16xf32>,
    %get3A_271 = vector.shape_cast %get3A_270 : vector<16xf32> to vector<16xf32>
    %add3A_272 = arith.addf %add3A_268, %get3A_271 : vector<16xf32>
    %max3A_273 = arith.constant 0.00999999977 : f32
    %max3A_274 = vector.broadcast %max3A_273 : f32 to vector<16xf32>
    %max3A_275 = arith.maximumf %add3A_272, %max3A_274 : vector<16xf32>
    %swap3A_276 = arith.constant 128 : index
    %swap3A_277 = tpu.vector_load %arg17[%swap3A_276] {strides = array<i32>} : memref<512xf32, #tpu.memory_space<vmem>>, vector<16xf32>,
    %swap3A_278 = vector.shape_cast %swap3A_277 : vector<16xf32> to vector<16xf32>
    %swap3A_279 = vector.shape_cast %max3A_275 : vector<16xf32> to vector<16xf32>
    tpu.vector_store %arg17[%swap3A_276], %swap3A_279 {strides = array<i32>} : memref<512xf32, #tpu.memory_space<vmem>>, vector<16xf32>,
    %get3A_280 = arith.constant 144 : index
    %get3A_281 = tpu.vector_load %arg13[%get3A_280] {strides = array<i32>} : memref<512xf32, #tpu.memory_space<vmem>>, vector<16xf32>,
    %get3A_282 = vector.shape_cast %get3A_281 : vector<16xf32> to vector<16xf32>
    %get3A_283 = arith.constant 144 : index
    %get3A_284 = tpu.vector_load %arg14[%get3A_283] {strides = array<i32>} : memref<512xf32, #tpu.memory_space<vmem>>, vector<16xf32>,
    %get3A_285 = vector.shape_cast %get3A_284 : vector<16xf32> to vector<16xf32>
    %mul3A_286 = arith.mulf %get3A_282, %get3A_285 : vector<16xf32>
    %max3A_287 = arith.constant 0.00999999977 : f32
    %max3A_288 = vector.broadcast %max3A_287 : f32 to vector<16xf32>
    %max3A_289 = arith.maximumf %mul3A_286, %max3A_288 : vector<16xf32>
    %sub3A_290 = arith.subf %get3A_285, %max3A_289 : vector<16xf32>
    %max3A_291 = arith.constant 0.00999999977 : f32
    %max3A_292 = vector.broadcast %max3A_291 : f32 to vector<16xf32>
    %max3A_293 = arith.maximumf %sub3A_290, %max3A_292 : vector<16xf32>
    %add3A_294 = arith.addf %max3A_293, %get3A_9 : vector<16xf32>
    %get3A_295 = arith.constant 144 : index
    %get3A_296 = tpu.vector_load %arg15[%get3A_295] {strides = array<i32>} : memref<512xf32, #tpu.memory_space<vmem>>, vector<16xf32>,
    %get3A_297 = vector.shape_cast %get3A_296 : vector<16xf32> to vector<16xf32>
    %add3A_298 = arith.addf %add3A_294, %get3A_297 : vector<16xf32>
    %get3A_299 = arith.constant 144 : index
    %get3A_300 = tpu.vector_load %arg16[%get3A_299] {strides = array<i32>} : memref<512xf32, #tpu.memory_space<vmem>>, vector<16xf32>,
    %get3A_301 = vector.shape_cast %get3A_300 : vector<16xf32> to vector<16xf32>
    %add3A_302 = arith.addf %add3A_298, %get3A_301 : vector<16xf32>
    %max3A_303 = arith.constant 0.00999999977 : f32
    %max3A_304 = vector.broadcast %max3A_303 : f32 to vector<16xf32>
    %max3A_305 = arith.maximumf %add3A_302, %max3A_304 : vector<16xf32>
    %swap3A_306 = arith.constant 144 : index
    %swap3A_307 = tpu.vector_load %arg17[%swap3A_306] {strides = array<i32>} : memref<512xf32, #tpu.memory_space<vmem>>, vector<16xf32>,
    %swap3A_308 = vector.shape_cast %swap3A_307 : vector<16xf32> to vector<16xf32>
    %swap3A_309 = vector.shape_cast %max3A_305 : vector<16xf32> to vector<16xf32>
    tpu.vector_store %arg17[%swap3A_306], %swap3A_309 {strides = array<i32>} : memref<512xf32, #tpu.memory_space<vmem>>, vector<16xf32>,
    %get3A_310 = arith.constant 160 : index
    %get3A_311 = tpu.vector_load %arg13[%get3A_310] {strides = array<i32>} : memref<512xf32, #tpu.memory_space<vmem>>, vector<16xf32>,
    %get3A_312 = vector.shape_cast %get3A_311 : vector<16xf32> to vector<16xf32>
    %get3A_313 = arith.constant 160 : index
    %get3A_314 = tpu.vector_load %arg14[%get3A_313] {strides = array<i32>} : memref<512xf32, #tpu.memory_space<vmem>>, vector<16xf32>,
    %get3A_315 = vector.shape_cast %get3A_314 : vector<16xf32> to vector<16xf32>
    %mul3A_316 = arith.mulf %get3A_312, %get3A_315 : vector<16xf32>
    %max3A_317 = arith.constant 0.00999999977 : f32
    %max3A_318 = vector.broadcast %max3A_317 : f32 to vector<16xf32>
    %max3A_319 = arith.maximumf %mul3A_316, %max3A_318 : vector<16xf32>
    %sub3A_320 = arith.subf %get3A_315, %max3A_319 : vector<16xf32>
    %max3A_321 = arith.constant 0.00999999977 : f32
    %max3A_322 = vector.broadcast %max3A_321 : f32 to vector<16xf32>
    %max3A_323 = arith.maximumf %sub3A_320, %max3A_322 : vector<16xf32>
    %add3A_324 = arith.addf %max3A_323, %get3A_9 : vector<16xf32>
    %get3A_325 = arith.constant 160 : index
    %get3A_326 = tpu.vector_load %arg15[%get3A_325] {strides = array<i32>} : memref<512xf32, #tpu.memory_space<vmem>>, vector<16xf32>,
    %get3A_327 = vector.shape_cast %get3A_326 : vector<16xf32> to vector<16xf32>
    %add3A_328 = arith.addf %add3A_324, %get3A_327 : vector<16xf32>
    %get3A_329 = arith.constant 160 : index
    %get3A_330 = tpu.vector_load %arg16[%get3A_329] {strides = array<i32>} : memref<512xf32, #tpu.memory_space<vmem>>, vector<16xf32>,
    %get3A_331 = vector.shape_cast %get3A_330 : vector<16xf32> to vector<16xf32>
    %add3A_332 = arith.addf %add3A_328, %get3A_331 : vector<16xf32>
    %max3A_333 = arith.constant 0.00999999977 : f32
    %max3A_334 = vector.broadcast %max3A_333 : f32 to vector<16xf32>
    %max3A_335 = arith.maximumf %add3A_332, %max3A_334 : vector<16xf32>
    %swap3A_336 = arith.constant 160 : index
    %swap3A_337 = tpu.vector_load %arg17[%swap3A_336] {strides = array<i32>} : memref<512xf32, #tpu.memory_space<vmem>>, vector<16xf32>,
    %swap3A_338 = vector.shape_cast %swap3A_337 : vector<16xf32> to vector<16xf32>
    %swap3A_339 = vector.shape_cast %max3A_335 : vector<16xf32> to vector<16xf32>
    tpu.vector_store %arg17[%swap3A_336], %swap3A_339 {strides = array<i32>} : memref<512xf32, #tpu.memory_space<vmem>>, vector<16xf32>,
    %get3A_340 = arith.constant 176 : index
    %get3A_341 = tpu.vector_load %arg13[%get3A_340] {strides = array<i32>} : memref<512xf32, #tpu.memory_space<vmem>>, vector<16xf32>,
    %get3A_342 = vector.shape_cast %get3A_341 : vector<16xf32> to vector<16xf32>
    %get3A_343 = arith.constant 176 : index
    %get3A_344 = tpu.vector_load %arg14[%get3A_343] {strides = array<i32>} : memref<512xf32, #tpu.memory_space<vmem>>, vector<16xf32>,
    %get3A_345 = vector.shape_cast %get3A_344 : vector<16xf32> to vector<16xf32>
    %mul3A_346 = arith.mulf %get3A_342, %get3A_345 : vector<16xf32>
    %max3A_347 = arith.constant 0.00999999977 : f32
    %max3A_348 = vector.broadcast %max3A_347 : f32 to vector<16xf32>
    %max3A_349 = arith.maximumf %mul3A_346, %max3A_348 : vector<16xf32>
    %sub3A_350 = arith.subf %get3A_345, %max3A_349 : vector<16xf32>
    %max3A_351 = arith.constant 0.00999999977 : f32
    %max3A_352 = vector.broadcast %max3A_351 : f32 to vector<16xf32>
    %max3A_353 = arith.maximumf %sub3A_350, %max3A_352 : vector<16xf32>
    %add3A_354 = arith.addf %max3A_353, %get3A_9 : vector<16xf32>
    %get3A_355 = arith.constant 176 : index
    %get3A_356 = tpu.vector_load %arg15[%get3A_355] {strides = array<i32>} : memref<512xf32, #tpu.memory_space<vmem>>, vector<16xf32>,
    %get3A_357 = vector.shape_cast %get3A_356 : vector<16xf32> to vector<16xf32>
    %add3A_358 = arith.addf %add3A_354, %get3A_357 : vector<16xf32>
    %get3A_359 = arith.constant 176 : index
    %get3A_360 = tpu.vector_load %arg16[%get3A_359] {strides = array<i32>} : memref<512xf32, #tpu.memory_space<vmem>>, vector<16xf32>,
    %get3A_361 = vector.shape_cast %get3A_360 : vector<16xf32> to vector<16xf32>
    %add3A_362 = arith.addf %add3A_358, %get3A_361 : vector<16xf32>
    %max3A_363 = arith.constant 0.00999999977 : f32
    %max3A_364 = vector.broadcast %max3A_363 : f32 to vector<16xf32>
    %max3A_365 = arith.maximumf %add3A_362, %max3A_364 : vector<16xf32>
    %swap3A_366 = arith.constant 176 : index
    %swap3A_367 = tpu.vector_load %arg17[%swap3A_366] {strides = array<i32>} : memref<512xf32, #tpu.memory_space<vmem>>, vector<16xf32>,
    %swap3A_368 = vector.shape_cast %swap3A_367 : vector<16xf32> to vector<16xf32>
    %swap3A_369 = vector.shape_cast %max3A_365 : vector<16xf32> to vector<16xf32>
    tpu.vector_store %arg17[%swap3A_366], %swap3A_369 {strides = array<i32>} : memref<512xf32, #tpu.memory_space<vmem>>, vector<16xf32>,
    %get3A_370 = arith.constant 192 : index
    %get3A_371 = tpu.vector_load %arg13[%get3A_370] {strides = array<i32>} : memref<512xf32, #tpu.memory_space<vmem>>, vector<16xf32>,
    %get3A_372 = vector.shape_cast %get3A_371 : vector<16xf32> to vector<16xf32>
    %get3A_373 = arith.constant 192 : index
    %get3A_374 = tpu.vector_load %arg14[%get3A_373] {strides = array<i32>} : memref<512xf32, #tpu.memory_space<vmem>>, vector<16xf32>,
    %get3A_375 = vector.shape_cast %get3A_374 : vector<16xf32> to vector<16xf32>
    %mul3A_376 = arith.mulf %get3A_372, %get3A_375 : vector<16xf32>
    %max3A_377 = arith.constant 0.00999999977 : f32
    %max3A_378 = vector.broadcast %max3A_377 : f32 to vector<16xf32>
    %max3A_379 = arith.maximumf %mul3A_376, %max3A_378 : vector<16xf32>
    %sub3A_380 = arith.subf %get3A_375, %max3A_379 : vector<16xf32>
    %max3A_381 = arith.constant 0.00999999977 : f32
    %max3A_382 = vector.broadcast %max3A_381 : f32 to vector<16xf32>
    %max3A_383 = arith.maximumf %sub3A_380, %max3A_382 : vector<16xf32>
    %add3A_384 = arith.addf %max3A_383, %get3A_9 : vector<16xf32>
    %get3A_385 = arith.constant 192 : index
    %get3A_386 = tpu.vector_load %arg15[%get3A_385] {strides = array<i32>} : memref<512xf32, #tpu.memory_space<vmem>>, vector<16xf32>,
    %get3A_387 = vector.shape_cast %get3A_386 : vector<16xf32> to vector<16xf32>
    %add3A_388 = arith.addf %add3A_384, %get3A_387 : vector<16xf32>
    %get3A_389 = arith.constant 192 : index
    %get3A_390 = tpu.vector_load %arg16[%get3A_389] {strides = array<i32>} : memref<512xf32, #tpu.memory_space<vmem>>, vector<16xf32>,
    %get3A_391 = vector.shape_cast %get3A_390 : vector<16xf32> to vector<16xf32>
    %add3A_392 = arith.addf %add3A_388, %get3A_391 : vector<16xf32>
    %max3A_393 = arith.constant 0.00999999977 : f32
    %max3A_394 = vector.broadcast %max3A_393 : f32 to vector<16xf32>
    %max3A_395 = arith.maximumf %add3A_392, %max3A_394 : vector<16xf32>
    %swap3A_396 = arith.constant 192 : index
    %swap3A_397 = tpu.vector_load %arg17[%swap3A_396] {strides = array<i32>} : memref<512xf32, #tpu.memory_space<vmem>>, vector<16xf32>,
    %swap3A_398 = vector.shape_cast %swap3A_397 : vector<16xf32> to vector<16xf32>
    %swap3A_399 = vector.shape_cast %max3A_395 : vector<16xf32> to vector<16xf32>
    tpu.vector_store %arg17[%swap3A_396], %swap3A_399 {strides = array<i32>} : memref<512xf32, #tpu.memory_space<vmem>>, vector<16xf32>,
    %get3A_400 = arith.constant 208 : index
    %get3A_401 = tpu.vector_load %arg13[%get3A_400] {strides = array<i32>} : memref<512xf32, #tpu.memory_space<vmem>>, vector<16xf32>,
    %get3A_402 = vector.shape_cast %get3A_401 : vector<16xf32> to vector<16xf32>
    %get3A_403 = arith.constant 208 : index
    %get3A_404 = tpu.vector_load %arg14[%get3A_403] {strides = array<i32>} : memref<512xf32, #tpu.memory_space<vmem>>, vector<16xf32>,
    %get3A_405 = vector.shape_cast %get3A_404 : vector<16xf32> to vector<16xf32>
    %mul3A_406 = arith.mulf %get3A_402, %get3A_405 : vector<16xf32>
    %max3A_407 = arith.constant 0.00999999977 : f32
    %max3A_408 = vector.broadcast %max3A_407 : f32 to vector<16xf32>
    %max3A_409 = arith.maximumf %mul3A_406, %max3A_408 : vector<16xf32>
    %sub3A_410 = arith.subf %get3A_405, %max3A_409 : vector<16xf32>
    %max3A_411 = arith.constant 0.00999999977 : f32
    %max3A_412 = vector.broadcast %max3A_411 : f32 to vector<16xf32>
    %max3A_413 = arith.maximumf %sub3A_410, %max3A_412 : vector<16xf32>
    %add3A_414 = arith.addf %max3A_413, %get3A_9 : vector<16xf32>
    %get3A_415 = arith.constant 208 : index
    %get3A_416 = tpu.vector_load %arg15[%get3A_415] {strides = array<i32>} : memref<512xf32, #tpu.memory_space<vmem>>, vector<16xf32>,
    %get3A_417 = vector.shape_cast %get3A_416 : vector<16xf32> to vector<16xf32>
    %add3A_418 = arith.addf %add3A_414, %get3A_417 : vector<16xf32>
    %get3A_419 = arith.constant 208 : index
    %get3A_420 = tpu.vector_load %arg16[%get3A_419] {strides = array<i32>} : memref<512xf32, #tpu.memory_space<vmem>>, vector<16xf32>,
    %get3A_421 = vector.shape_cast %get3A_420 : vector<16xf32> to vector<16xf32>
    %add3A_422 = arith.addf %add3A_418, %get3A_421 : vector<16xf32>
    %max3A_423 = arith.constant 0.00999999977 : f32
    %max3A_424 = vector.broadcast %max3A_423 : f32 to vector<16xf32>
    %max3A_425 = arith.maximumf %add3A_422, %max3A_424 : vector<16xf32>
    %swap3A_426 = arith.constant 208 : index
    %swap3A_427 = tpu.vector_load %arg17[%swap3A_426] {strides = array<i32>} : memref<512xf32, #tpu.memory_space<vmem>>, vector<16xf32>,
    %swap3A_428 = vector.shape_cast %swap3A_427 : vector<16xf32> to vector<16xf32>
    %swap3A_429 = vector.shape_cast %max3A_425 : vector<16xf32> to vector<16xf32>
    tpu.vector_store %arg17[%swap3A_426], %swap3A_429 {strides = array<i32>} : memref<512xf32, #tpu.memory_space<vmem>>, vector<16xf32>,
    %get3A_430 = arith.constant 224 : index
    %get3A_431 = tpu.vector_load %arg13[%get3A_430] {strides = array<i32>} : memref<512xf32, #tpu.memory_space<vmem>>, vector<16xf32>,
    %get3A_432 = vector.shape_cast %get3A_431 : vector<16xf32> to vector<16xf32>
    %get3A_433 = arith.constant 224 : index
    %get3A_434 = tpu.vector_load %arg14[%get3A_433] {strides = array<i32>} : memref<512xf32, #tpu.memory_space<vmem>>, vector<16xf32>,
    %get3A_435 = vector.shape_cast %get3A_434 : vector<16xf32> to vector<16xf32>
    %mul3A_436 = arith.mulf %get3A_432, %get3A_435 : vector<16xf32>
    %max3A_437 = arith.constant 0.00999999977 : f32
    %max3A_438 = vector.broadcast %max3A_437 : f32 to vector<16xf32>
    %max3A_439 = arith.maximumf %mul3A_436, %max3A_438 : vector<16xf32>
    %sub3A_440 = arith.subf %get3A_435, %max3A_439 : vector<16xf32>
    %max3A_441 = arith.constant 0.00999999977 : f32
    %max3A_442 = vector.broadcast %max3A_441 : f32 to vector<16xf32>
    %max3A_443 = arith.maximumf %sub3A_440, %max3A_442 : vector<16xf32>
    %add3A_444 = arith.addf %max3A_443, %get3A_9 : vector<16xf32>
    %get3A_445 = arith.constant 224 : index
    %get3A_446 = tpu.vector_load %arg15[%get3A_445] {strides = array<i32>} : memref<512xf32, #tpu.memory_space<vmem>>, vector<16xf32>,
    %get3A_447 = vector.shape_cast %get3A_446 : vector<16xf32> to vector<16xf32>
    %add3A_448 = arith.addf %add3A_444, %get3A_447 : vector<16xf32>
    %get3A_449 = arith.constant 224 : index
    %get3A_450 = tpu.vector_load %arg16[%get3A_449] {strides = array<i32>} : memref<512xf32, #tpu.memory_space<vmem>>, vector<16xf32>,
    %get3A_451 = vector.shape_cast %get3A_450 : vector<16xf32> to vector<16xf32>
    %add3A_452 = arith.addf %add3A_448, %get3A_451 : vector<16xf32>
    %max3A_453 = arith.constant 0.00999999977 : f32
    %max3A_454 = vector.broadcast %max3A_453 : f32 to vector<16xf32>
    %max3A_455 = arith.maximumf %add3A_452, %max3A_454 : vector<16xf32>
    %swap3A_456 = arith.constant 224 : index
    %swap3A_457 = tpu.vector_load %arg17[%swap3A_456] {strides = array<i32>} : memref<512xf32, #tpu.memory_space<vmem>>, vector<16xf32>,
    %swap3A_458 = vector.shape_cast %swap3A_457 : vector<16xf32> to vector<16xf32>
    %swap3A_459 = vector.shape_cast %max3A_455 : vector<16xf32> to vector<16xf32>
    tpu.vector_store %arg17[%swap3A_456], %swap3A_459 {strides = array<i32>} : memref<512xf32, #tpu.memory_space<vmem>>, vector<16xf32>,
    %get3A_460 = arith.constant 240 : index
    %get3A_461 = tpu.vector_load %arg13[%get3A_460] {strides = array<i32>} : memref<512xf32, #tpu.memory_space<vmem>>, vector<16xf32>,
    %get3A_462 = vector.shape_cast %get3A_461 : vector<16xf32> to vector<16xf32>
    %get3A_463 = arith.constant 240 : index
    %get3A_464 = tpu.vector_load %arg14[%get3A_463] {strides = array<i32>} : memref<512xf32, #tpu.memory_space<vmem>>, vector<16xf32>,
    %get3A_465 = vector.shape_cast %get3A_464 : vector<16xf32> to vector<16xf32>
    %mul3A_466 = arith.mulf %get3A_462, %get3A_465 : vector<16xf32>
    %max3A_467 = arith.constant 0.00999999977 : f32
    %max3A_468 = vector.broadcast %max3A_467 : f32 to vector<16xf32>
    %max3A_469 = arith.maximumf %mul3A_466, %max3A_468 : vector<16xf32>
    %sub3A_470 = arith.subf %get3A_465, %max3A_469 : vector<16xf32>
    %max3A_471 = arith.constant 0.00999999977 : f32
    %max3A_472 = vector.broadcast %max3A_471 : f32 to vector<16xf32>
    %max3A_473 = arith.maximumf %sub3A_470, %max3A_472 : vector<16xf32>
    %add3A_474 = arith.addf %max3A_473, %get3A_9 : vector<16xf32>
    %get3A_475 = arith.constant 240 : index
    %get3A_476 = tpu.vector_load %arg15[%get3A_475] {strides = array<i32>} : memref<512xf32, #tpu.memory_space<vmem>>, vector<16xf32>,
    %get3A_477 = vector.shape_cast %get3A_476 : vector<16xf32> to vector<16xf32>
    %add3A_478 = arith.addf %add3A_474, %get3A_477 : vector<16xf32>
    %get3A_479 = arith.constant 240 : index
    %get3A_480 = tpu.vector_load %arg16[%get3A_479] {strides = array<i32>} : memref<512xf32, #tpu.memory_space<vmem>>, vector<16xf32>,
    %get3A_481 = vector.shape_cast %get3A_480 : vector<16xf32> to vector<16xf32>
    %add3A_482 = arith.addf %add3A_478, %get3A_481 : vector<16xf32>
    %max3A_483 = arith.constant 0.00999999977 : f32
    %max3A_484 = vector.broadcast %max3A_483 : f32 to vector<16xf32>
    %max3A_485 = arith.maximumf %add3A_482, %max3A_484 : vector<16xf32>
    %swap3A_486 = arith.constant 240 : index
    %swap3A_487 = tpu.vector_load %arg17[%swap3A_486] {strides = array<i32>} : memref<512xf32, #tpu.memory_space<vmem>>, vector<16xf32>,
    %swap3A_488 = vector.shape_cast %swap3A_487 : vector<16xf32> to vector<16xf32>
    %swap3A_489 = vector.shape_cast %max3A_485 : vector<16xf32> to vector<16xf32>
    tpu.vector_store %arg17[%swap3A_486], %swap3A_489 {strides = array<i32>} : memref<512xf32, #tpu.memory_space<vmem>>, vector<16xf32>,
    %get3A_490 = arith.constant 256 : index
    %get3A_491 = tpu.vector_load %arg13[%get3A_490] {strides = array<i32>} : memref<512xf32, #tpu.memory_space<vmem>>, vector<16xf32>,
    %get3A_492 = vector.shape_cast %get3A_491 : vector<16xf32> to vector<16xf32>
    %get3A_493 = arith.constant 256 : index
    %get3A_494 = tpu.vector_load %arg14[%get3A_493] {strides = array<i32>} : memref<512xf32, #tpu.memory_space<vmem>>, vector<16xf32>,
    %get3A_495 = vector.shape_cast %get3A_494 : vector<16xf32> to vector<16xf32>
    %mul3A_496 = arith.mulf %get3A_492, %get3A_495 : vector<16xf32>
    %max3A_497 = arith.constant 0.00999999977 : f32
    %max3A_498 = vector.broadcast %max3A_497 : f32 to vector<16xf32>
    %max3A_499 = arith.maximumf %mul3A_496, %max3A_498 : vector<16xf32>
    %sub3A_500 = arith.subf %get3A_495, %max3A_499 : vector<16xf32>
    %max3A_501 = arith.constant 0.00999999977 : f32
    %max3A_502 = vector.broadcast %max3A_501 : f32 to vector<16xf32>
    %max3A_503 = arith.maximumf %sub3A_500, %max3A_502 : vector<16xf32>
    %add3A_504 = arith.addf %max3A_503, %get3A_9 : vector<16xf32>
    %get3A_505 = arith.constant 256 : index
    %get3A_506 = tpu.vector_load %arg15[%get3A_505] {strides = array<i32>} : memref<512xf32, #tpu.memory_space<vmem>>, vector<16xf32>,
    %get3A_507 = vector.shape_cast %get3A_506 : vector<16xf32> to vector<16xf32>
    %add3A_508 = arith.addf %add3A_504, %get3A_507 : vector<16xf32>
    %get3A_509 = arith.constant 256 : index
    %get3A_510 = tpu.vector_load %arg16[%get3A_509] {strides = array<i32>} : memref<512xf32, #tpu.memory_space<vmem>>, vector<16xf32>,
    %get3A_511 = vector.shape_cast %get3A_510 : vector<16xf32> to vector<16xf32>
    %add3A_512 = arith.addf %add3A_508, %get3A_511 : vector<16xf32>
    %max3A_513 = arith.constant 0.00999999977 : f32
    %max3A_514 = vector.broadcast %max3A_513 : f32 to vector<16xf32>
    %max3A_515 = arith.maximumf %add3A_512, %max3A_514 : vector<16xf32>
    %swap3A_516 = arith.constant 256 : index
    %swap3A_517 = tpu.vector_load %arg17[%swap3A_516] {strides = array<i32>} : memref<512xf32, #tpu.memory_space<vmem>>, vector<16xf32>,
    %swap3A_518 = vector.shape_cast %swap3A_517 : vector<16xf32> to vector<16xf32>
    %swap3A_519 = vector.shape_cast %max3A_515 : vector<16xf32> to vector<16xf32>
    tpu.vector_store %arg17[%swap3A_516], %swap3A_519 {strides = array<i32>} : memref<512xf32, #tpu.memory_space<vmem>>, vector<16xf32>,
    %get3A_520 = arith.constant 272 : index
    %get3A_521 = tpu.vector_load %arg13[%get3A_520] {strides = array<i32>} : memref<512xf32, #tpu.memory_space<vmem>>, vector<16xf32>,
    %get3A_522 = vector.shape_cast %get3A_521 : vector<16xf32> to vector<16xf32>
    %get3A_523 = arith.constant 272 : index
    %get3A_524 = tpu.vector_load %arg14[%get3A_523] {strides = array<i32>} : memref<512xf32, #tpu.memory_space<vmem>>, vector<16xf32>,
    %get3A_525 = vector.shape_cast %get3A_524 : vector<16xf32> to vector<16xf32>
    %mul3A_526 = arith.mulf %get3A_522, %get3A_525 : vector<16xf32>
    %max3A_527 = arith.constant 0.00999999977 : f32
    %max3A_528 = vector.broadcast %max3A_527 : f32 to vector<16xf32>
    %max3A_529 = arith.maximumf %mul3A_526, %max3A_528 : vector<16xf32>
    %sub3A_530 = arith.subf %get3A_525, %max3A_529 : vector<16xf32>
    %max3A_531 = arith.constant 0.00999999977 : f32
    %max3A_532 = vector.broadcast %max3A_531 : f32 to vector<16xf32>
    %max3A_533 = arith.maximumf %sub3A_530, %max3A_532 : vector<16xf32>
    %add3A_534 = arith.addf %max3A_533, %get3A_9 : vector<16xf32>
    %get3A_535 = arith.constant 272 : index
    %get3A_536 = tpu.vector_load %arg15[%get3A_535] {strides = array<i32>} : memref<512xf32, #tpu.memory_space<vmem>>, vector<16xf32>,
    %get3A_537 = vector.shape_cast %get3A_536 : vector<16xf32> to vector<16xf32>
    %add3A_538 = arith.addf %add3A_534, %get3A_537 : vector<16xf32>
    %get3A_539 = arith.constant 272 : index
    %get3A_540 = tpu.vector_load %arg16[%get3A_539] {strides = array<i32>} : memref<512xf32, #tpu.memory_space<vmem>>, vector<16xf32>,
    %get3A_541 = vector.shape_cast %get3A_540 : vector<16xf32> to vector<16xf32>
    %add3A_542 = arith.addf %add3A_538, %get3A_541 : vector<16xf32>
    %max3A_543 = arith.constant 0.00999999977 : f32
    %max3A_544 = vector.broadcast %max3A_543 : f32 to vector<16xf32>
    %max3A_545 = arith.maximumf %add3A_542, %max3A_544 : vector<16xf32>
    %swap3A_546 = arith.constant 272 : index
    %swap3A_547 = tpu.vector_load %arg17[%swap3A_546] {strides = array<i32>} : memref<512xf32, #tpu.memory_space<vmem>>, vector<16xf32>,
    %swap3A_548 = vector.shape_cast %swap3A_547 : vector<16xf32> to vector<16xf32>
    %swap3A_549 = vector.shape_cast %max3A_545 : vector<16xf32> to vector<16xf32>
    tpu.vector_store %arg17[%swap3A_546], %swap3A_549 {strides = array<i32>} : memref<512xf32, #tpu.memory_space<vmem>>, vector<16xf32>,
    %get3A_550 = arith.constant 288 : index
    %get3A_551 = tpu.vector_load %arg13[%get3A_550] {strides = array<i32>} : memref<512xf32, #tpu.memory_space<vmem>>, vector<16xf32>,
    %get3A_552 = vector.shape_cast %get3A_551 : vector<16xf32> to vector<16xf32>
    %get3A_553 = arith.constant 288 : index
    %get3A_554 = tpu.vector_load %arg14[%get3A_553] {strides = array<i32>} : memref<512xf32, #tpu.memory_space<vmem>>, vector<16xf32>,
    %get3A_555 = vector.shape_cast %get3A_554 : vector<16xf32> to vector<16xf32>
    %mul3A_556 = arith.mulf %get3A_552, %get3A_555 : vector<16xf32>
    %max3A_557 = arith.constant 0.00999999977 : f32
    %max3A_558 = vector.broadcast %max3A_557 : f32 to vector<16xf32>
    %max3A_559 = arith.maximumf %mul3A_556, %max3A_558 : vector<16xf32>
    %sub3A_560 = arith.subf %get3A_555, %max3A_559 : vector<16xf32>
    %max3A_561 = arith.constant 0.00999999977 : f32
    %max3A_562 = vector.broadcast %max3A_561 : f32 to vector<16xf32>
    %max3A_563 = arith.maximumf %sub3A_560, %max3A_562 : vector<16xf32>
    %add3A_564 = arith.addf %max3A_563, %get3A_9 : vector<16xf32>
    %get3A_565 = arith.constant 288 : index
    %get3A_566 = tpu.vector_load %arg15[%get3A_565] {strides = array<i32>} : memref<512xf32, #tpu.memory_space<vmem>>, vector<16xf32>,
    %get3A_567 = vector.shape_cast %get3A_566 : vector<16xf32> to vector<16xf32>
    %add3A_568 = arith.addf %add3A_564, %get3A_567 : vector<16xf32>
    %get3A_569 = arith.constant 288 : index
    %get3A_570 = tpu.vector_load %arg16[%get3A_569] {strides = array<i32>} : memref<512xf32, #tpu.memory_space<vmem>>, vector<16xf32>,
    %get3A_571 = vector.shape_cast %get3A_570 : vector<16xf32> to vector<16xf32>
    %add3A_572 = arith.addf %add3A_568, %get3A_571 : vector<16xf32>
    %max3A_573 = arith.constant 0.00999999977 : f32
    %max3A_574 = vector.broadcast %max3A_573 : f32 to vector<16xf32>
    %max3A_575 = arith.maximumf %add3A_572, %max3A_574 : vector<16xf32>
    %swap3A_576 = arith.constant 288 : index
    %swap3A_577 = tpu.vector_load %arg17[%swap3A_576] {strides = array<i32>} : memref<512xf32, #tpu.memory_space<vmem>>, vector<16xf32>,
    %swap3A_578 = vector.shape_cast %swap3A_577 : vector<16xf32> to vector<16xf32>
    %swap3A_579 = vector.shape_cast %max3A_575 : vector<16xf32> to vector<16xf32>
    tpu.vector_store %arg17[%swap3A_576], %swap3A_579 {strides = array<i32>} : memref<512xf32, #tpu.memory_space<vmem>>, vector<16xf32>,
    %get3A_580 = arith.constant 304 : index
    %get3A_581 = tpu.vector_load %arg13[%get3A_580] {strides = array<i32>} : memref<512xf32, #tpu.memory_space<vmem>>, vector<16xf32>,
    %get3A_582 = vector.shape_cast %get3A_581 : vector<16xf32> to vector<16xf32>
    %get3A_583 = arith.constant 304 : index
    %get3A_584 = tpu.vector_load %arg14[%get3A_583] {strides = array<i32>} : memref<512xf32, #tpu.memory_space<vmem>>, vector<16xf32>,
    %get3A_585 = vector.shape_cast %get3A_584 : vector<16xf32> to vector<16xf32>
    %mul3A_586 = arith.mulf %get3A_582, %get3A_585 : vector<16xf32>
    %max3A_587 = arith.constant 0.00999999977 : f32
    %max3A_588 = vector.broadcast %max3A_587 : f32 to vector<16xf32>
    %max3A_589 = arith.maximumf %mul3A_586, %max3A_588 : vector<16xf32>
    %sub3A_590 = arith.subf %get3A_585, %max3A_589 : vector<16xf32>
    %max3A_591 = arith.constant 0.00999999977 : f32
    %max3A_592 = vector.broadcast %max3A_591 : f32 to vector<16xf32>
    %max3A_593 = arith.maximumf %sub3A_590, %max3A_592 : vector<16xf32>
    %add3A_594 = arith.addf %max3A_593, %get3A_9 : vector<16xf32>
    %get3A_595 = arith.constant 304 : index
    %get3A_596 = tpu.vector_load %arg15[%get3A_595] {strides = array<i32>} : memref<512xf32, #tpu.memory_space<vmem>>, vector<16xf32>,
    %get3A_597 = vector.shape_cast %get3A_596 : vector<16xf32> to vector<16xf32>
    %add3A_598 = arith.addf %add3A_594, %get3A_597 : vector<16xf32>
    %get3A_599 = arith.constant 304 : index
    %get3A_600 = tpu.vector_load %arg16[%get3A_599] {strides = array<i32>} : memref<512xf32, #tpu.memory_space<vmem>>, vector<16xf32>,
    %get3A_601 = vector.shape_cast %get3A_600 : vector<16xf32> to vector<16xf32>
    %add3A_602 = arith.addf %add3A_598, %get3A_601 : vector<16xf32>
    %max3A_603 = arith.constant 0.00999999977 : f32
    %max3A_604 = vector.broadcast %max3A_603 : f32 to vector<16xf32>
    %max3A_605 = arith.maximumf %add3A_602, %max3A_604 : vector<16xf32>
    %swap3A_606 = arith.constant 304 : index
    %swap3A_607 = tpu.vector_load %arg17[%swap3A_606] {strides = array<i32>} : memref<512xf32, #tpu.memory_space<vmem>>, vector<16xf32>,
    %swap3A_608 = vector.shape_cast %swap3A_607 : vector<16xf32> to vector<16xf32>
    %swap3A_609 = vector.shape_cast %max3A_605 : vector<16xf32> to vector<16xf32>
    tpu.vector_store %arg17[%swap3A_606], %swap3A_609 {strides = array<i32>} : memref<512xf32, #tpu.memory_space<vmem>>, vector<16xf32>,
    %get3A_610 = arith.constant 320 : index
    %get3A_611 = tpu.vector_load %arg13[%get3A_610] {strides = array<i32>} : memref<512xf32, #tpu.memory_space<vmem>>, vector<16xf32>,
    %get3A_612 = vector.shape_cast %get3A_611 : vector<16xf32> to vector<16xf32>
    %get3A_613 = arith.constant 320 : index
    %get3A_614 = tpu.vector_load %arg14[%get3A_613] {strides = array<i32>} : memref<512xf32, #tpu.memory_space<vmem>>, vector<16xf32>,
    %get3A_615 = vector.shape_cast %get3A_614 : vector<16xf32> to vector<16xf32>
    %mul3A_616 = arith.mulf %get3A_612, %get3A_615 : vector<16xf32>
    %max3A_617 = arith.constant 0.00999999977 : f32
    %max3A_618 = vector.broadcast %max3A_617 : f32 to vector<16xf32>
    %max3A_619 = arith.maximumf %mul3A_616, %max3A_618 : vector<16xf32>
    %sub3A_620 = arith.subf %get3A_615, %max3A_619 : vector<16xf32>
    %max3A_621 = arith.constant 0.00999999977 : f32
    %max3A_622 = vector.broadcast %max3A_621 : f32 to vector<16xf32>
    %max3A_623 = arith.maximumf %sub3A_620, %max3A_622 : vector<16xf32>
    %add3A_624 = arith.addf %max3A_623, %get3A_9 : vector<16xf32>
    %get3A_625 = arith.constant 320 : index
    %get3A_626 = tpu.vector_load %arg15[%get3A_625] {strides = array<i32>} : memref<512xf32, #tpu.memory_space<vmem>>, vector<16xf32>,
    %get3A_627 = vector.shape_cast %get3A_626 : vector<16xf32> to vector<16xf32>
    %add3A_628 = arith.addf %add3A_624, %get3A_627 : vector<16xf32>
    %get3A_629 = arith.constant 320 : index
    %get3A_630 = tpu.vector_load %arg16[%get3A_629] {strides = array<i32>} : memref<512xf32, #tpu.memory_space<vmem>>, vector<16xf32>,
    %get3A_631 = vector.shape_cast %get3A_630 : vector<16xf32> to vector<16xf32>
    %add3A_632 = arith.addf %add3A_628, %get3A_631 : vector<16xf32>
    %max3A_633 = arith.constant 0.00999999977 : f32
    %max3A_634 = vector.broadcast %max3A_633 : f32 to vector<16xf32>
    %max3A_635 = arith.maximumf %add3A_632, %max3A_634 : vector<16xf32>
    %swap3A_636 = arith.constant 320 : index
    %swap3A_637 = tpu.vector_load %arg17[%swap3A_636] {strides = array<i32>} : memref<512xf32, #tpu.memory_space<vmem>>, vector<16xf32>,
    %swap3A_638 = vector.shape_cast %swap3A_637 : vector<16xf32> to vector<16xf32>
    %swap3A_639 = vector.shape_cast %max3A_635 : vector<16xf32> to vector<16xf32>
    tpu.vector_store %arg17[%swap3A_636], %swap3A_639 {strides = array<i32>} : memref<512xf32, #tpu.memory_space<vmem>>, vector<16xf32>,
    %get3A_640 = arith.constant 336 : index
    %get3A_641 = tpu.vector_load %arg13[%get3A_640] {strides = array<i32>} : memref<512xf32, #tpu.memory_space<vmem>>, vector<16xf32>,
    %get3A_642 = vector.shape_cast %get3A_641 : vector<16xf32> to vector<16xf32>
    %get3A_643 = arith.constant 336 : index
    %get3A_644 = tpu.vector_load %arg14[%get3A_643] {strides = array<i32>} : memref<512xf32, #tpu.memory_space<vmem>>, vector<16xf32>,
    %get3A_645 = vector.shape_cast %get3A_644 : vector<16xf32> to vector<16xf32>
    %mul3A_646 = arith.mulf %get3A_642, %get3A_645 : vector<16xf32>
    %max3A_647 = arith.constant 0.00999999977 : f32
    %max3A_648 = vector.broadcast %max3A_647 : f32 to vector<16xf32>
    %max3A_649 = arith.maximumf %mul3A_646, %max3A_648 : vector<16xf32>
    %sub3A_650 = arith.subf %get3A_645, %max3A_649 : vector<16xf32>
    %max3A_651 = arith.constant 0.00999999977 : f32
    %max3A_652 = vector.broadcast %max3A_651 : f32 to vector<16xf32>
    %max3A_653 = arith.maximumf %sub3A_650, %max3A_652 : vector<16xf32>
    %add3A_654 = arith.addf %max3A_653, %get3A_9 : vector<16xf32>
    %get3A_655 = arith.constant 336 : index
    %get3A_656 = tpu.vector_load %arg15[%get3A_655] {strides = array<i32>} : memref<512xf32, #tpu.memory_space<vmem>>, vector<16xf32>,
    %get3A_657 = vector.shape_cast %get3A_656 : vector<16xf32> to vector<16xf32>
    %add3A_658 = arith.addf %add3A_654, %get3A_657 : vector<16xf32>
    %get3A_659 = arith.constant 336 : index
    %get3A_660 = tpu.vector_load %arg16[%get3A_659] {strides = array<i32>} : memref<512xf32, #tpu.memory_space<vmem>>, vector<16xf32>,
    %get3A_661 = vector.shape_cast %get3A_660 : vector<16xf32> to vector<16xf32>
    %add3A_662 = arith.addf %add3A_658, %get3A_661 : vector<16xf32>
    %max3A_663 = arith.constant 0.00999999977 : f32
    %max3A_664 = vector.broadcast %max3A_663 : f32 to vector<16xf32>
    %max3A_665 = arith.maximumf %add3A_662, %max3A_664 : vector<16xf32>
    %swap3A_666 = arith.constant 336 : index
    %swap3A_667 = tpu.vector_load %arg17[%swap3A_666] {strides = array<i32>} : memref<512xf32, #tpu.memory_space<vmem>>, vector<16xf32>,
    %swap3A_668 = vector.shape_cast %swap3A_667 : vector<16xf32> to vector<16xf32>
    %swap3A_669 = vector.shape_cast %max3A_665 : vector<16xf32> to vector<16xf32>
    tpu.vector_store %arg17[%swap3A_666], %swap3A_669 {strides = array<i32>} : memref<512xf32, #tpu.memory_space<vmem>>, vector<16xf32>,
    %get3A_670 = arith.constant 352 : index
    %get3A_671 = tpu.vector_load %arg13[%get3A_670] {strides = array<i32>} : memref<512xf32, #tpu.memory_space<vmem>>, vector<16xf32>,
    %get3A_672 = vector.shape_cast %get3A_671 : vector<16xf32> to vector<16xf32>
    %get3A_673 = arith.constant 352 : index
    %get3A_674 = tpu.vector_load %arg14[%get3A_673] {strides = array<i32>} : memref<512xf32, #tpu.memory_space<vmem>>, vector<16xf32>,
    %get3A_675 = vector.shape_cast %get3A_674 : vector<16xf32> to vector<16xf32>
    %mul3A_676 = arith.mulf %get3A_672, %get3A_675 : vector<16xf32>
    %max3A_677 = arith.constant 0.00999999977 : f32
    %max3A_678 = vector.broadcast %max3A_677 : f32 to vector<16xf32>
    %max3A_679 = arith.maximumf %mul3A_676, %max3A_678 : vector<16xf32>
    %sub3A_680 = arith.subf %get3A_675, %max3A_679 : vector<16xf32>
    %max3A_681 = arith.constant 0.00999999977 : f32
    %max3A_682 = vector.broadcast %max3A_681 : f32 to vector<16xf32>
    %max3A_683 = arith.maximumf %sub3A_680, %max3A_682 : vector<16xf32>
    %add3A_684 = arith.addf %max3A_683, %get3A_9 : vector<16xf32>
    %get3A_685 = arith.constant 352 : index
    %get3A_686 = tpu.vector_load %arg15[%get3A_685] {strides = array<i32>} : memref<512xf32, #tpu.memory_space<vmem>>, vector<16xf32>,
    %get3A_687 = vector.shape_cast %get3A_686 : vector<16xf32> to vector<16xf32>
    %add3A_688 = arith.addf %add3A_684, %get3A_687 : vector<16xf32>
    %get3A_689 = arith.constant 352 : index
    %get3A_690 = tpu.vector_load %arg16[%get3A_689] {strides = array<i32>} : memref<512xf32, #tpu.memory_space<vmem>>, vector<16xf32>,
    %get3A_691 = vector.shape_cast %get3A_690 : vector<16xf32> to vector<16xf32>
    %add3A_692 = arith.addf %add3A_688, %get3A_691 : vector<16xf32>
    %max3A_693 = arith.constant 0.00999999977 : f32
    %max3A_694 = vector.broadcast %max3A_693 : f32 to vector<16xf32>
    %max3A_695 = arith.maximumf %add3A_692, %max3A_694 : vector<16xf32>
    %swap3A_696 = arith.constant 352 : index
    %swap3A_697 = tpu.vector_load %arg17[%swap3A_696] {strides = array<i32>} : memref<512xf32, #tpu.memory_space<vmem>>, vector<16xf32>,
    %swap3A_698 = vector.shape_cast %swap3A_697 : vector<16xf32> to vector<16xf32>
    %swap3A_699 = vector.shape_cast %max3A_695 : vector<16xf32> to vector<16xf32>
    tpu.vector_store %arg17[%swap3A_696], %swap3A_699 {strides = array<i32>} : memref<512xf32, #tpu.memory_space<vmem>>, vector<16xf32>,
    %get3A_700 = arith.constant 368 : index
    %get3A_701 = tpu.vector_load %arg13[%get3A_700] {strides = array<i32>} : memref<512xf32, #tpu.memory_space<vmem>>, vector<16xf32>,
    %get3A_702 = vector.shape_cast %get3A_701 : vector<16xf32> to vector<16xf32>
    %get3A_703 = arith.constant 368 : index
    %get3A_704 = tpu.vector_load %arg14[%get3A_703] {strides = array<i32>} : memref<512xf32, #tpu.memory_space<vmem>>, vector<16xf32>,
    %get3A_705 = vector.shape_cast %get3A_704 : vector<16xf32> to vector<16xf32>
    %mul3A_706 = arith.mulf %get3A_702, %get3A_705 : vector<16xf32>
    %max3A_707 = arith.constant 0.00999999977 : f32
    %max3A_708 = vector.broadcast %max3A_707 : f32 to vector<16xf32>
    %max3A_709 = arith.maximumf %mul3A_706, %max3A_708 : vector<16xf32>
    %sub3A_710 = arith.subf %get3A_705, %max3A_709 : vector<16xf32>
    %max3A_711 = arith.constant 0.00999999977 : f32
    %max3A_712 = vector.broadcast %max3A_711 : f32 to vector<16xf32>
    %max3A_713 = arith.maximumf %sub3A_710, %max3A_712 : vector<16xf32>
    %add3A_714 = arith.addf %max3A_713, %get3A_9 : vector<16xf32>
    %get3A_715 = arith.constant 368 : index
    %get3A_716 = tpu.vector_load %arg15[%get3A_715] {strides = array<i32>} : memref<512xf32, #tpu.memory_space<vmem>>, vector<16xf32>,
    %get3A_717 = vector.shape_cast %get3A_716 : vector<16xf32> to vector<16xf32>
    %add3A_718 = arith.addf %add3A_714, %get3A_717 : vector<16xf32>
    %get3A_719 = arith.constant 368 : index
    %get3A_720 = tpu.vector_load %arg16[%get3A_719] {strides = array<i32>} : memref<512xf32, #tpu.memory_space<vmem>>, vector<16xf32>,
    %get3A_721 = vector.shape_cast %get3A_720 : vector<16xf32> to vector<16xf32>
    %add3A_722 = arith.addf %add3A_718, %get3A_721 : vector<16xf32>
    %max3A_723 = arith.constant 0.00999999977 : f32
    %max3A_724 = vector.broadcast %max3A_723 : f32 to vector<16xf32>
    %max3A_725 = arith.maximumf %add3A_722, %max3A_724 : vector<16xf32>
    %swap3A_726 = arith.constant 368 : index
    %swap3A_727 = tpu.vector_load %arg17[%swap3A_726] {strides = array<i32>} : memref<512xf32, #tpu.memory_space<vmem>>, vector<16xf32>,
    %swap3A_728 = vector.shape_cast %swap3A_727 : vector<16xf32> to vector<16xf32>
    %swap3A_729 = vector.shape_cast %max3A_725 : vector<16xf32> to vector<16xf32>
    tpu.vector_store %arg17[%swap3A_726], %swap3A_729 {strides = array<i32>} : memref<512xf32, #tpu.memory_space<vmem>>, vector<16xf32>,
    %get3A_730 = arith.constant 384 : index
    %get3A_731 = tpu.vector_load %arg13[%get3A_730] {strides = array<i32>} : memref<512xf32, #tpu.memory_space<vmem>>, vector<16xf32>,
    %get3A_732 = vector.shape_cast %get3A_731 : vector<16xf32> to vector<16xf32>
    %get3A_733 = arith.constant 384 : index
    %get3A_734 = tpu.vector_load %arg14[%get3A_733] {strides = array<i32>} : memref<512xf32, #tpu.memory_space<vmem>>, vector<16xf32>,
    %get3A_735 = vector.shape_cast %get3A_734 : vector<16xf32> to vector<16xf32>
    %mul3A_736 = arith.mulf %get3A_732, %get3A_735 : vector<16xf32>
    %max3A_737 = arith.constant 0.00999999977 : f32
    %max3A_738 = vector.broadcast %max3A_737 : f32 to vector<16xf32>
    %max3A_739 = arith.maximumf %mul3A_736, %max3A_738 : vector<16xf32>
    %sub3A_740 = arith.subf %get3A_735, %max3A_739 : vector<16xf32>
    %max3A_741 = arith.constant 0.00999999977 : f32
    %max3A_742 = vector.broadcast %max3A_741 : f32 to vector<16xf32>
    %max3A_743 = arith.maximumf %sub3A_740, %max3A_742 : vector<16xf32>
    %add3A_744 = arith.addf %max3A_743, %get3A_9 : vector<16xf32>
    %get3A_745 = arith.constant 384 : index
    %get3A_746 = tpu.vector_load %arg15[%get3A_745] {strides = array<i32>} : memref<512xf32, #tpu.memory_space<vmem>>, vector<16xf32>,
    %get3A_747 = vector.shape_cast %get3A_746 : vector<16xf32> to vector<16xf32>
    %add3A_748 = arith.addf %add3A_744, %get3A_747 : vector<16xf32>
    %get3A_749 = arith.constant 384 : index
    %get3A_750 = tpu.vector_load %arg16[%get3A_749] {strides = array<i32>} : memref<512xf32, #tpu.memory_space<vmem>>, vector<16xf32>,
    %get3A_751 = vector.shape_cast %get3A_750 : vector<16xf32> to vector<16xf32>
    %add3A_752 = arith.addf %add3A_748, %get3A_751 : vector<16xf32>
    %max3A_753 = arith.constant 0.00999999977 : f32
    %max3A_754 = vector.broadcast %max3A_753 : f32 to vector<16xf32>
    %max3A_755 = arith.maximumf %add3A_752, %max3A_754 : vector<16xf32>
    %swap3A_756 = arith.constant 384 : index
    %swap3A_757 = tpu.vector_load %arg17[%swap3A_756] {strides = array<i32>} : memref<512xf32, #tpu.memory_space<vmem>>, vector<16xf32>,
    %swap3A_758 = vector.shape_cast %swap3A_757 : vector<16xf32> to vector<16xf32>
    %swap3A_759 = vector.shape_cast %max3A_755 : vector<16xf32> to vector<16xf32>
    tpu.vector_store %arg17[%swap3A_756], %swap3A_759 {strides = array<i32>} : memref<512xf32, #tpu.memory_space<vmem>>, vector<16xf32>,
    %get3A_760 = arith.constant 400 : index
    %get3A_761 = tpu.vector_load %arg13[%get3A_760] {strides = array<i32>} : memref<512xf32, #tpu.memory_space<vmem>>, vector<16xf32>,
    %get3A_762 = vector.shape_cast %get3A_761 : vector<16xf32> to vector<16xf32>
    %get3A_763 = arith.constant 400 : index
    %get3A_764 = tpu.vector_load %arg14[%get3A_763] {strides = array<i32>} : memref<512xf32, #tpu.memory_space<vmem>>, vector<16xf32>,
    %get3A_765 = vector.shape_cast %get3A_764 : vector<16xf32> to vector<16xf32>
    %mul3A_766 = arith.mulf %get3A_762, %get3A_765 : vector<16xf32>
    %max3A_767 = arith.constant 0.00999999977 : f32
    %max3A_768 = vector.broadcast %max3A_767 : f32 to vector<16xf32>
    %max3A_769 = arith.maximumf %mul3A_766, %max3A_768 : vector<16xf32>
    %sub3A_770 = arith.subf %get3A_765, %max3A_769 : vector<16xf32>
    %max3A_771 = arith.constant 0.00999999977 : f32
    %max3A_772 = vector.broadcast %max3A_771 : f32 to vector<16xf32>
    %max3A_773 = arith.maximumf %sub3A_770, %max3A_772 : vector<16xf32>
    %add3A_774 = arith.addf %max3A_773, %get3A_9 : vector<16xf32>
    %get3A_775 = arith.constant 400 : index
    %get3A_776 = tpu.vector_load %arg15[%get3A_775] {strides = array<i32>} : memref<512xf32, #tpu.memory_space<vmem>>, vector<16xf32>,
    %get3A_777 = vector.shape_cast %get3A_776 : vector<16xf32> to vector<16xf32>
    %add3A_778 = arith.addf %add3A_774, %get3A_777 : vector<16xf32>
    %get3A_779 = arith.constant 400 : index
    %get3A_780 = tpu.vector_load %arg16[%get3A_779] {strides = array<i32>} : memref<512xf32, #tpu.memory_space<vmem>>, vector<16xf32>,
    %get3A_781 = vector.shape_cast %get3A_780 : vector<16xf32> to vector<16xf32>
    %add3A_782 = arith.addf %add3A_778, %get3A_781 : vector<16xf32>
    %max3A_783 = arith.constant 0.00999999977 : f32
    %max3A_784 = vector.broadcast %max3A_783 : f32 to vector<16xf32>
    %max3A_785 = arith.maximumf %add3A_782, %max3A_784 : vector<16xf32>
    %swap3A_786 = arith.constant 400 : index
    %swap3A_787 = tpu.vector_load %arg17[%swap3A_786] {strides = array<i32>} : memref<512xf32, #tpu.memory_space<vmem>>, vector<16xf32>,
    %swap3A_788 = vector.shape_cast %swap3A_787 : vector<16xf32> to vector<16xf32>
    %swap3A_789 = vector.shape_cast %max3A_785 : vector<16xf32> to vector<16xf32>
    tpu.vector_store %arg17[%swap3A_786], %swap3A_789 {strides = array<i32>} : memref<512xf32, #tpu.memory_space<vmem>>, vector<16xf32>,
    %get3A_790 = arith.constant 416 : index
    %get3A_791 = tpu.vector_load %arg13[%get3A_790] {strides = array<i32>} : memref<512xf32, #tpu.memory_space<vmem>>, vector<16xf32>,
    %get3A_792 = vector.shape_cast %get3A_791 : vector<16xf32> to vector<16xf32>
    %get3A_793 = arith.constant 416 : index
    %get3A_794 = tpu.vector_load %arg14[%get3A_793] {strides = array<i32>} : memref<512xf32, #tpu.memory_space<vmem>>, vector<16xf32>,
    %get3A_795 = vector.shape_cast %get3A_794 : vector<16xf32> to vector<16xf32>
    %mul3A_796 = arith.mulf %get3A_792, %get3A_795 : vector<16xf32>
    %max3A_797 = arith.constant 0.00999999977 : f32
    %max3A_798 = vector.broadcast %max3A_797 : f32 to vector<16xf32>
    %max3A_799 = arith.maximumf %mul3A_796, %max3A_798 : vector<16xf32>
    %sub3A_800 = arith.subf %get3A_795, %max3A_799 : vector<16xf32>
    %max3A_801 = arith.constant 0.00999999977 : f32
    %max3A_802 = vector.broadcast %max3A_801 : f32 to vector<16xf32>
    %max3A_803 = arith.maximumf %sub3A_800, %max3A_802 : vector<16xf32>
    %add3A_804 = arith.addf %max3A_803, %get3A_9 : vector<16xf32>
    %get3A_805 = arith.constant 416 : index
    %get3A_806 = tpu.vector_load %arg15[%get3A_805] {strides = array<i32>} : memref<512xf32, #tpu.memory_space<vmem>>, vector<16xf32>,
    %get3A_807 = vector.shape_cast %get3A_806 : vector<16xf32> to vector<16xf32>
    %add3A_808 = arith.addf %add3A_804, %get3A_807 : vector<16xf32>
    %get3A_809 = arith.constant 416 : index
    %get3A_810 = tpu.vector_load %arg16[%get3A_809] {strides = array<i32>} : memref<512xf32, #tpu.memory_space<vmem>>, vector<16xf32>,
    %get3A_811 = vector.shape_cast %get3A_810 : vector<16xf32> to vector<16xf32>
    %add3A_812 = arith.addf %add3A_808, %get3A_811 : vector<16xf32>
    %max3A_813 = arith.constant 0.00999999977 : f32
    %max3A_814 = vector.broadcast %max3A_813 : f32 to vector<16xf32>
    %max3A_815 = arith.maximumf %add3A_812, %max3A_814 : vector<16xf32>
    %swap3A_816 = arith.constant 416 : index
    %swap3A_817 = tpu.vector_load %arg17[%swap3A_816] {strides = array<i32>} : memref<512xf32, #tpu.memory_space<vmem>>, vector<16xf32>,
    %swap3A_818 = vector.shape_cast %swap3A_817 : vector<16xf32> to vector<16xf32>
    %swap3A_819 = vector.shape_cast %max3A_815 : vector<16xf32> to vector<16xf32>
    tpu.vector_store %arg17[%swap3A_816], %swap3A_819 {strides = array<i32>} : memref<512xf32, #tpu.memory_space<vmem>>, vector<16xf32>,
    %get3A_820 = arith.constant 432 : index
    %get3A_821 = tpu.vector_load %arg13[%get3A_820] {strides = array<i32>} : memref<512xf32, #tpu.memory_space<vmem>>, vector<16xf32>,
    %get3A_822 = vector.shape_cast %get3A_821 : vector<16xf32> to vector<16xf32>
    %get3A_823 = arith.constant 432 : index
    %get3A_824 = tpu.vector_load %arg14[%get3A_823] {strides = array<i32>} : memref<512xf32, #tpu.memory_space<vmem>>, vector<16xf32>,
    %get3A_825 = vector.shape_cast %get3A_824 : vector<16xf32> to vector<16xf32>
    %mul3A_826 = arith.mulf %get3A_822, %get3A_825 : vector<16xf32>
    %max3A_827 = arith.constant 0.00999999977 : f32
    %max3A_828 = vector.broadcast %max3A_827 : f32 to vector<16xf32>
    %max3A_829 = arith.maximumf %mul3A_826, %max3A_828 : vector<16xf32>
    %sub3A_830 = arith.subf %get3A_825, %max3A_829 : vector<16xf32>
    %max3A_831 = arith.constant 0.00999999977 : f32
    %max3A_832 = vector.broadcast %max3A_831 : f32 to vector<16xf32>
    %max3A_833 = arith.maximumf %sub3A_830, %max3A_832 : vector<16xf32>
    %add3A_834 = arith.addf %max3A_833, %get3A_9 : vector<16xf32>
    %get3A_835 = arith.constant 432 : index
    %get3A_836 = tpu.vector_load %arg15[%get3A_835] {strides = array<i32>} : memref<512xf32, #tpu.memory_space<vmem>>, vector<16xf32>,
    %get3A_837 = vector.shape_cast %get3A_836 : vector<16xf32> to vector<16xf32>
    %add3A_838 = arith.addf %add3A_834, %get3A_837 : vector<16xf32>
    %get3A_839 = arith.constant 432 : index
    %get3A_840 = tpu.vector_load %arg16[%get3A_839] {strides = array<i32>} : memref<512xf32, #tpu.memory_space<vmem>>, vector<16xf32>,
    %get3A_841 = vector.shape_cast %get3A_840 : vector<16xf32> to vector<16xf32>
    %add3A_842 = arith.addf %add3A_838, %get3A_841 : vector<16xf32>
    %max3A_843 = arith.constant 0.00999999977 : f32
    %max3A_844 = vector.broadcast %max3A_843 : f32 to vector<16xf32>
    %max3A_845 = arith.maximumf %add3A_842, %max3A_844 : vector<16xf32>
    %swap3A_846 = arith.constant 432 : index
    %swap3A_847 = tpu.vector_load %arg17[%swap3A_846] {strides = array<i32>} : memref<512xf32, #tpu.memory_space<vmem>>, vector<16xf32>,
    %swap3A_848 = vector.shape_cast %swap3A_847 : vector<16xf32> to vector<16xf32>
    %swap3A_849 = vector.shape_cast %max3A_845 : vector<16xf32> to vector<16xf32>
    tpu.vector_store %arg17[%swap3A_846], %swap3A_849 {strides = array<i32>} : memref<512xf32, #tpu.memory_space<vmem>>, vector<16xf32>,
    %get3A_850 = arith.constant 448 : index
    %get3A_851 = tpu.vector_load %arg13[%get3A_850] {strides = array<i32>} : memref<512xf32, #tpu.memory_space<vmem>>, vector<16xf32>,
    %get3A_852 = vector.shape_cast %get3A_851 : vector<16xf32> to vector<16xf32>
    %get3A_853 = arith.constant 448 : index
    %get3A_854 = tpu.vector_load %arg14[%get3A_853] {strides = array<i32>} : memref<512xf32, #tpu.memory_space<vmem>>, vector<16xf32>,
    %get3A_855 = vector.shape_cast %get3A_854 : vector<16xf32> to vector<16xf32>
    %mul3A_856 = arith.mulf %get3A_852, %get3A_855 : vector<16xf32>
    %max3A_857 = arith.constant 0.00999999977 : f32
    %max3A_858 = vector.broadcast %max3A_857 : f32 to vector<16xf32>
    %max3A_859 = arith.maximumf %mul3A_856, %max3A_858 : vector<16xf32>
    %sub3A_860 = arith.subf %get3A_855, %max3A_859 : vector<16xf32>
    %max3A_861 = arith.constant 0.00999999977 : f32
    %max3A_862 = vector.broadcast %max3A_861 : f32 to vector<16xf32>
    %max3A_863 = arith.maximumf %sub3A_860, %max3A_862 : vector<16xf32>
    %add3A_864 = arith.addf %max3A_863, %get3A_9 : vector<16xf32>
    %get3A_865 = arith.constant 448 : index
    %get3A_866 = tpu.vector_load %arg15[%get3A_865] {strides = array<i32>} : memref<512xf32, #tpu.memory_space<vmem>>, vector<16xf32>,
    %get3A_867 = vector.shape_cast %get3A_866 : vector<16xf32> to vector<16xf32>
    %add3A_868 = arith.addf %add3A_864, %get3A_867 : vector<16xf32>
    %get3A_869 = arith.constant 448 : index
    %get3A_870 = tpu.vector_load %arg16[%get3A_869] {strides = array<i32>} : memref<512xf32, #tpu.memory_space<vmem>>, vector<16xf32>,
    %get3A_871 = vector.shape_cast %get3A_870 : vector<16xf32> to vector<16xf32>
    %add3A_872 = arith.addf %add3A_868, %get3A_871 : vector<16xf32>
    %max3A_873 = arith.constant 0.00999999977 : f32
    %max3A_874 = vector.broadcast %max3A_873 : f32 to vector<16xf32>
    %max3A_875 = arith.maximumf %add3A_872, %max3A_874 : vector<16xf32>
    %swap3A_876 = arith.constant 448 : index
    %swap3A_877 = tpu.vector_load %arg17[%swap3A_876] {strides = array<i32>} : memref<512xf32, #tpu.memory_space<vmem>>, vector<16xf32>,
    %swap3A_878 = vector.shape_cast %swap3A_877 : vector<16xf32> to vector<16xf32>
    %swap3A_879 = vector.shape_cast %max3A_875 : vector<16xf32> to vector<16xf32>
    tpu.vector_store %arg17[%swap3A_876], %swap3A_879 {strides = array<i32>} : memref<512xf32, #tpu.memory_space<vmem>>, vector<16xf32>,
    %get3A_880 = arith.constant 464 : index
    %get3A_881 = tpu.vector_load %arg13[%get3A_880] {strides = array<i32>} : memref<512xf32, #tpu.memory_space<vmem>>, vector<16xf32>,
    %get3A_882 = vector.shape_cast %get3A_881 : vector<16xf32> to vector<16xf32>
    %get3A_883 = arith.constant 464 : index
    %get3A_884 = tpu.vector_load %arg14[%get3A_883] {strides = array<i32>} : memref<512xf32, #tpu.memory_space<vmem>>, vector<16xf32>,
    %get3A_885 = vector.shape_cast %get3A_884 : vector<16xf32> to vector<16xf32>
    %mul3A_886 = arith.mulf %get3A_882, %get3A_885 : vector<16xf32>
    %max3A_887 = arith.constant 0.00999999977 : f32
    %max3A_888 = vector.broadcast %max3A_887 : f32 to vector<16xf32>
    %max3A_889 = arith.maximumf %mul3A_886, %max3A_888 : vector<16xf32>
    %sub3A_890 = arith.subf %get3A_885, %max3A_889 : vector<16xf32>
    %max3A_891 = arith.constant 0.00999999977 : f32
    %max3A_892 = vector.broadcast %max3A_891 : f32 to vector<16xf32>
    %max3A_893 = arith.maximumf %sub3A_890, %max3A_892 : vector<16xf32>
    %add3A_894 = arith.addf %max3A_893, %get3A_9 : vector<16xf32>
    %get3A_895 = arith.constant 464 : index
    %get3A_896 = tpu.vector_load %arg15[%get3A_895] {strides = array<i32>} : memref<512xf32, #tpu.memory_space<vmem>>, vector<16xf32>,
    %get3A_897 = vector.shape_cast %get3A_896 : vector<16xf32> to vector<16xf32>
    %add3A_898 = arith.addf %add3A_894, %get3A_897 : vector<16xf32>
    %get3A_899 = arith.constant 464 : index
    %get3A_900 = tpu.vector_load %arg16[%get3A_899] {strides = array<i32>} : memref<512xf32, #tpu.memory_space<vmem>>, vector<16xf32>,
    %get3A_901 = vector.shape_cast %get3A_900 : vector<16xf32> to vector<16xf32>
    %add3A_902 = arith.addf %add3A_898, %get3A_901 : vector<16xf32>
    %max3A_903 = arith.constant 0.00999999977 : f32
    %max3A_904 = vector.broadcast %max3A_903 : f32 to vector<16xf32>
    %max3A_905 = arith.maximumf %add3A_902, %max3A_904 : vector<16xf32>
    %swap3A_906 = arith.constant 464 : index
    %swap3A_907 = tpu.vector_load %arg17[%swap3A_906] {strides = array<i32>} : memref<512xf32, #tpu.memory_space<vmem>>, vector<16xf32>,
    %swap3A_908 = vector.shape_cast %swap3A_907 : vector<16xf32> to vector<16xf32>
    %swap3A_909 = vector.shape_cast %max3A_905 : vector<16xf32> to vector<16xf32>
    tpu.vector_store %arg17[%swap3A_906], %swap3A_909 {strides = array<i32>} : memref<512xf32, #tpu.memory_space<vmem>>, vector<16xf32>,
    %get3A_910 = arith.constant 480 : index
    %get3A_911 = tpu.vector_load %arg13[%get3A_910] {strides = array<i32>} : memref<512xf32, #tpu.memory_space<vmem>>, vector<16xf32>,
    %get3A_912 = vector.shape_cast %get3A_911 : vector<16xf32> to vector<16xf32>
    %get3A_913 = arith.constant 480 : index
    %get3A_914 = tpu.vector_load %arg14[%get3A_913] {strides = array<i32>} : memref<512xf32, #tpu.memory_space<vmem>>, vector<16xf32>,
    %get3A_915 = vector.shape_cast %get3A_914 : vector<16xf32> to vector<16xf32>
    %mul3A_916 = arith.mulf %get3A_912, %get3A_915 : vector<16xf32>
    %max3A_917 = arith.constant 0.00999999977 : f32
    %max3A_918 = vector.broadcast %max3A_917 : f32 to vector<16xf32>
    %max3A_919 = arith.maximumf %mul3A_916, %max3A_918 : vector<16xf32>
    %sub3A_920 = arith.subf %get3A_915, %max3A_919 : vector<16xf32>
    %max3A_921 = arith.constant 0.00999999977 : f32
    %max3A_922 = vector.broadcast %max3A_921 : f32 to vector<16xf32>
    %max3A_923 = arith.maximumf %sub3A_920, %max3A_922 : vector<16xf32>
    %add3A_924 = arith.addf %max3A_923, %get3A_9 : vector<16xf32>
    %get3A_925 = arith.constant 480 : index
    %get3A_926 = tpu.vector_load %arg15[%get3A_925] {strides = array<i32>} : memref<512xf32, #tpu.memory_space<vmem>>, vector<16xf32>,
    %get3A_927 = vector.shape_cast %get3A_926 : vector<16xf32> to vector<16xf32>
    %add3A_928 = arith.addf %add3A_924, %get3A_927 : vector<16xf32>
    %get3A_929 = arith.constant 480 : index
    %get3A_930 = tpu.vector_load %arg16[%get3A_929] {strides = array<i32>} : memref<512xf32, #tpu.memory_space<vmem>>, vector<16xf32>,
    %get3A_931 = vector.shape_cast %get3A_930 : vector<16xf32> to vector<16xf32>
    %add3A_932 = arith.addf %add3A_928, %get3A_931 : vector<16xf32>
    %max3A_933 = arith.constant 0.00999999977 : f32
    %max3A_934 = vector.broadcast %max3A_933 : f32 to vector<16xf32>
    %max3A_935 = arith.maximumf %add3A_932, %max3A_934 : vector<16xf32>
    %swap3A_936 = arith.constant 480 : index
    %swap3A_937 = tpu.vector_load %arg17[%swap3A_936] {strides = array<i32>} : memref<512xf32, #tpu.memory_space<vmem>>, vector<16xf32>,
    %swap3A_938 = vector.shape_cast %swap3A_937 : vector<16xf32> to vector<16xf32>
    %swap3A_939 = vector.shape_cast %max3A_935 : vector<16xf32> to vector<16xf32>
    tpu.vector_store %arg17[%swap3A_936], %swap3A_939 {strides = array<i32>} : memref<512xf32, #tpu.memory_space<vmem>>, vector<16xf32>,
    %get3A_940 = arith.constant 496 : index
    %get3A_941 = tpu.vector_load %arg13[%get3A_940] {strides = array<i32>} : memref<512xf32, #tpu.memory_space<vmem>>, vector<16xf32>,
    %get3A_942 = vector.shape_cast %get3A_941 : vector<16xf32> to vector<16xf32>
    %get3A_943 = arith.constant 496 : index
    %get3A_944 = tpu.vector_load %arg14[%get3A_943] {strides = array<i32>} : memref<512xf32, #tpu.memory_space<vmem>>, vector<16xf32>,
    %get3A_945 = vector.shape_cast %get3A_944 : vector<16xf32> to vector<16xf32>
    %mul3A_946 = arith.mulf %get3A_942, %get3A_945 : vector<16xf32>
    %max3A_947 = arith.constant 0.00999999977 : f32
    %max3A_948 = vector.broadcast %max3A_947 : f32 to vector<16xf32>
    %max3A_949 = arith.maximumf %mul3A_946, %max3A_948 : vector<16xf32>
    %sub3A_950 = arith.subf %get3A_945, %max3A_949 : vector<16xf32>
    %max3A_951 = arith.constant 0.00999999977 : f32
    %max3A_952 = vector.broadcast %max3A_951 : f32 to vector<16xf32>
    %max3A_953 = arith.maximumf %sub3A_950, %max3A_952 : vector<16xf32>
    %add3A_954 = arith.addf %max3A_953, %get3A_9 : vector<16xf32>
    %get3A_955 = arith.constant 496 : index
    %get3A_956 = tpu.vector_load %arg15[%get3A_955] {strides = array<i32>} : memref<512xf32, #tpu.memory_space<vmem>>, vector<16xf32>,
    %get3A_957 = vector.shape_cast %get3A_956 : vector<16xf32> to vector<16xf32>
    %add3A_958 = arith.addf %add3A_954, %get3A_957 : vector<16xf32>
    %get3A_959 = arith.constant 496 : index
    %get3A_960 = tpu.vector_load %arg16[%get3A_959] {strides = array<i32>} : memref<512xf32, #tpu.memory_space<vmem>>, vector<16xf32>,
    %get3A_961 = vector.shape_cast %get3A_960 : vector<16xf32> to vector<16xf32>
    %add3A_962 = arith.addf %add3A_958, %get3A_961 : vector<16xf32>
    %max3A_963 = arith.constant 0.00999999977 : f32
    %max3A_964 = vector.broadcast %max3A_963 : f32 to vector<16xf32>
    %max3A_965 = arith.maximumf %add3A_962, %max3A_964 : vector<16xf32>
    %swap3A_966 = arith.constant 496 : index
    %swap3A_967 = tpu.vector_load %arg17[%swap3A_966] {strides = array<i32>} : memref<512xf32, #tpu.memory_space<vmem>>, vector<16xf32>,
    %swap3A_968 = vector.shape_cast %swap3A_967 : vector<16xf32> to vector<16xf32>
    %swap3A_969 = vector.shape_cast %max3A_965 : vector<16xf32> to vector<16xf32>
    tpu.vector_store %arg17[%swap3A_966], %swap3A_969 {strides = array<i32>} : memref<512xf32, #tpu.memory_space<vmem>>, vector<16xf32>,
    "tpu.region"() ({
      %run_scoped3A = tpu.sem_alloc : memref<!tpu.dma_semaphore, #tpu.memory_space<semaphore_mem>>
      %dma_start3A_972 = tpu.memref_slice %arg10[%mul3A_2] : memref<16384xf32, #tpu.memory_space<hbm>> -> memref<512xf32, #tpu.memory_space<hbm>>
      %dma_start3A_973 = tpu.memref_slice %arg10[%mul3A_2] : memref<16384xf32, #tpu.memory_space<hbm>> -> memref<512xf32, #tpu.memory_space<hbm>>
      tpu.enqueue_dma source(%arg17 : memref<512xf32, #tpu.memory_space<vmem>>) target(%dma_start3A_973 : memref<512xf32, #tpu.memory_space<hbm>>) target_semaphore(%run_scoped3A : memref<!tpu.dma_semaphore, #tpu.memory_space<semaphore_mem>>)
      %dma_wait3A_974 = tpu.memref_slice %arg10[%mul3A_2] : memref<16384xf32, #tpu.memory_space<hbm>> -> memref<512xf32, #tpu.memory_space<hbm>>
      %dma_wait3A_975 = tpu.memref_slice %arg10[%mul3A_2] : memref<16384xf32, #tpu.memory_space<hbm>> -> memref<512xf32, #tpu.memory_space<hbm>>
      tpu.wait_dma2 semaphore(%run_scoped3A : memref<!tpu.dma_semaphore, #tpu.memory_space<semaphore_mem>>) src(%arg17 : memref<512xf32, #tpu.memory_space<vmem>>) dst(%dma_wait3A_975 : memref<512xf32, #tpu.memory_space<hbm>>)
      tpu.yield
    }) : () -> ()
    %dma_wait3A_970 = tpu.memref_slice %arg9[%mul3A_2] : memref<16384xf32, #tpu.memory_space<hbm>> -> memref<512xf32, #tpu.memory_space<hbm>>
    %dma_wait3A_971 = tpu.memref_slice %arg5[%mul3A_2] : memref<16384xf32, #tpu.memory_space<hbm>> -> memref<512xf32, #tpu.memory_space<hbm>>
    tpu.wait_dma2 semaphore(%arg20 : memref<!tpu.dma_semaphore, #tpu.memory_space<semaphore_mem>>) src(%dma_wait3A_971 : memref<512xf32, #tpu.memory_space<hbm>>) dst(%dma_wait3A_970 : memref<512xf32, #tpu.memory_space<hbm>>)
    return
  }
}

</mosaic_0001>

<sc_bundles>
// kernel: alpha_half.3.cloned.1.call-start
scs
__scs_entry_jumppad:
0x0: {  	(pc) =	sbr.rel $0x88, $3  }
0x1: {  	(tag) =	ssettag $0x0;
	lr =	simm.s32 $0x1  }
0x2: {  	[smem:$0x3F97] =	sst lr;
	_ =	strace $0xD0000000  }
0x3: {  	_ = 	snop  }
0x4: {  	_ = 	snop  }
0x5: {  	_ = 	snop  }
0x6: {  	_ = 	snop  }
0x7: {  	_ = 	snop  }
__scs_overlays_trampoline_lowered:
0x8: {  	[smem:$0x3FA6] =	sst s0  }
0x9: {  	[smem:$0x3FA7] =	sst s1  }
0xa: {  	[smem:$0x3FA8] =	sst s2  }
0xb: {  	[smem:$0x3FA9] =	sst s3  }
0xc: {  	[smem:$0x3FAA] =	sst s4  }
0xd: {  	[smem:$0x3FAB] =	sst s5  }
0xe: {  	[smem:$0x3FAC] =	sst s6  }
0xf: {  	[smem:$0x3FAD] =	sst s7  }
0x10: {  	[smem:$0x3FAE] =	sst s8  }
0x11: {  	[smem:$0x3FAF] =	sst s9;
	s0 =	simm.s32 @!p0 $0x0  }
0x12: {  	s1 =	sld [smem:$0x3F95];
	s0 =	simm.s32 @p0 $0x1  }
0x13: {  	[smem:$0x3FB0] =	sst s0;
	s0 =	simm.s32 @!p1 $0x0  }
0x14: {  	s2 =	sld [smem:$0x3F94];
	s0 =	simm.s32 @p1 $0x1  }
0x15: {  	[smem:$0x3FB1] =	sst s0;
	s0 =	simm.s32 @!p2 $0x0  }
0x16: {  	s3 =	sld [smem:$0x3FDB];
	s0 =	simm.s32 @p2 $0x1  }
0x17: {  	s4 =	simm.s32 $0x1BF5;
	[smem:$0x3FB3] =	sst s0  }
0x18: {  	s0 =	sld [smem:$0x3F96];
	_ =	swait.ge [sflag:s4], $0x0  }
0x19: {  	s7 =	sld [smem:$0x3F97]  }
0x1a: {  	s8 =	sadd.s32 $0xFFFFE003, lr  }
0x1b: {  	s9 =	sadd.s32 $0xFFFFFEF7, lr;
	s5 =	simm.s32 $0xFFFFFFFF;
	p2 =	slt.u32 s8, $0xFFFFF086  }
0x1c: {  	p1 =	slt.u32 s9, $0xF7A;
	s5 =	simm.s32 @!p2 $0x0  }
0x1d: {  	s5 =	simm.s32 @p1 $0x1;
	p0 =	seq.s32 s7, s2  }
0x1e: {  	s7 =	smul.u32 @!p0 $0xF7A, s2;
	p2 =	seq.s32 @!p0 s5, $0x0  }
0x1f: {  	s9 =	smul.u32 $0xF7A, s1;
	s8 =	simm.s32 @!p0 $0x1BF5;
	p2 =	por !p2, p0  }
0x20: {  	[sflag:s8] =	ssyncset.s32 @!p0 $0xFFFFF086;
	s6 =	sadd.s32 @!p0 s3, s7;
	s7 =	simm.s32 @!p0 $0x108  }
0x21: {  	s3 =	sadd.s32 s3, s9;
	s6 =	sadd.s32 @!p0 $0x88, s6;
	s7 =	simm.s32 @p2 $0x1082  }
0x22: {  	[simem:s7], [sflag:s8] =	dma.local @!p0 [hbm:s6], $0xF7A  }
0x23: {  	s9 =	sor.u32 $0xD0000000, s2;
	s6 =	simm.s32 $0x108;
	_ =	swait.ge @!p0 [sflag:s8], $0x0  }
0x24: {  	s3 =	sadd.s32 $0x88, s3;
	s6 =	simm.s32 @!p1 $0x1082;
	[sflag:s4] =	ssyncset.s32 $0xFFFFF086  }
0x25: {  	[simem:s6], [sflag:s4] =	dma.local [hbm:s3], $0xF7A  }
0x26: {  	[smem:$0x3F97] =	sst s1;
	(tag) =	ssettag s2;
	_ =	strace s9  }
0x27: {  	s1 =	sld [smem:$0x3FA7]  }
0x28: {  	s2 =	sld [smem:$0x3FA8]  }
0x29: {  	s4 =	sld [smem:$0x3FAA]  }
0x2a: {  	p0 =	seq.s32 s5, $0x0;
	s5 =	sld [smem:$0x3FAB]  }
0x2b: {  	s6 =	sld [smem:$0x3FAC]  }
0x2c: {  	s7 =	sld [smem:$0x3FAD]  }
0x2d: {  	s3 =	simm.s32 $0x108;
	s8 =	sld [smem:$0x3FAE]  }
0x2e: {  	s3 =	simm.s32 @!p0 $0x1082;
	s9 =	sld [smem:$0x3FAF]  }
0x2f: {  	lr =	sadd.s32 s0, s3;
	s0 =	sld [smem:$0x3FA6]  }
0x30: {  	s3 =	sld [smem:$0x3FA9]  }
0x31: {  	[smem:$0x3FB2] =	sst s10  }
0x32: {  	s10 =	sld [smem:$0x3FB0];
	_ =	sdelay $0x3  }
0x33: {  	p0 =	seq.s32 s10, $0x1;
	s10 =	sld [smem:$0x3FB2];
	_ =	sdelay $0x3  }
0x34: {  	[smem:$0x3FB2] =	sst s10  }
0x35: {  	s10 =	sld [smem:$0x3FB1];
	_ =	sdelay $0x3  }
0x36: {  	p1 =	seq.s32 s10, $0x1;
	s10 =	sld [smem:$0x3FB2];
	_ =	sdelay $0x3  }
0x37: {  	[smem:$0x3FB2] =	sst s10  }
0x38: {  	s10 =	sld [smem:$0x3FB3]  }
0x39: {  	_ = 	snop;
	(pc) =	sbr.ind lr, $3  }
0x3a: {  	_ = 	snop  }
0x3b: {  	_ = 	snop  }
0x3c: {  	p2 =	seq.s32 s10, $0x1;
	s10 =	sld [smem:$0x3FB2]  }
0x3d: {  	_ =	shalt  }
0x3e: {  	_ =	shalt  }
0x3f: {  	_ =	shalt  }
0x40: {  	_ =	shalt  }
0x41: {  	_ =	shalt  }
0x42: {  	_ =	shalt  }
0x43: {  	_ =	shalt  }
0x44: {  	_ =	shalt  }
0x45: {  	_ =	shalt  }
0x46: {  	_ =	shalt  }
0x47: {  	_ =	shalt  }
0x48: {  	_ =	shalt  }
0x49: {  	_ =	shalt  }
0x4a: {  	_ =	shalt  }
0x4b: {  	_ =	shalt  }
0x4c: {  	_ =	shalt  }
0x4d: {  	_ =	shalt  }
0x4e: {  	_ =	shalt  }
0x4f: {  	_ =	shalt  }
0x50: {  	_ =	shalt  }
0x51: {  	_ =	shalt  }
0x52: {  	_ =	shalt  }
0x53: {  	_ =	shalt  }
0x54: {  	_ =	shalt  }
0x55: {  	_ =	shalt  }
0x56: {  	_ =	shalt  }
0x57: {  	_ =	shalt  }
0x58: {  	_ =	shalt  }
0x59: {  	_ =	shalt  }
0x5a: {  	_ =	shalt  }
0x5b: {  	_ =	shalt  }
0x5c: {  	_ =	shalt  }
0x5d: {  	_ =	shalt  }
0x5e: {  	_ =	shalt  }
0x5f: {  	_ =	shalt  }
0x60: {  	_ =	shalt  }
0x61: {  	_ =	shalt  }
0x62: {  	_ =	shalt  }
0x63: {  	_ =	shalt  }
0x64: {  	_ =	shalt  }
0x65: {  	_ =	shalt  }
0x66: {  	_ =	shalt  }
0x67: {  	_ =	shalt  }
0x68: {  	_ =	shalt  }
0x69: {  	_ =	shalt  }
0x6a: {  	_ =	shalt  }
0x6b: {  	_ =	shalt  }
0x6c: {  	_ =	shalt  }
0x6d: {  	_ =	shalt  }
0x6e: {  	_ =	shalt  }
0x6f: {  	_ =	shalt  }
0x70: {  	_ =	shalt  }
0x71: {  	_ =	shalt  }
0x72: {  	_ =	shalt  }
0x73: {  	_ =	shalt  }
0x74: {  	_ =	shalt  }
0x75: {  	_ =	shalt  }
0x76: {  	_ =	shalt  }
0x77: {  	_ =	shalt  }
0x78: {  	_ =	shalt  }
0x79: {  	_ =	shalt  }
0x7a: {  	_ =	shalt  }
0x7b: {  	_ =	shalt  }
0x7c: {  	_ =	shalt  }
0x7d: {  	_ =	shalt  }
0x7e: {  	_ =	shalt  }
0x7f: {  	_ =	shalt  }
0x80: {  	_ =	shalt  }
0x81: {  	_ =	shalt  }
0x82: {  	_ =	shalt  }
0x83: {  	_ =	shalt  }
0x84: {  	_ =	shalt  }
0x85: {  	_ =	shalt  }
0x86: {  	_ =	shalt  }
0x87: {  	_ =	shalt  }
.Lfunc_end0:
.L_simem_size_0:
called_computation_lowered:
.L_overlay_start_0:
0x88: {  	s2 =	sld [smem:$0x3FD9]  }
0x89: {  	s3 =	sld [smem:$0x3FFE];
	_ =	sdelay $0x1  }
0x8a: {  	s1 =	srdreg.scid  }
0x8b: {  	s0 =	sand.u32 $0x1, s1  }
0x8c: {  	s14 =	sshll.u32 s0, $0xA;
	s2 =	sadd.s32 s3, s2  }
0x8d: {  	s2 =	sadd.s32 s2, s14  }
0x8e: {  	[smem:$0x3FBE] =	sst s2  }
0x8f: {  	_ = 	snop  }
0x90: {  	s2 =	sld [smem:$0x3FC9]  }
0x91: {  	s15 =	sld [smem:$0x3FD0]  }
0x92: {  	s4 =	sld [smem:$0x3FC8]  }
0x93: {  	s5 =	sld [smem:$0x3FC7]  }
0x94: {  	s7 =	simm.s32 $0xB;
	s8 =	simm.s32 $0x10;
	s6 =	sld [smem:$0x3FC6]  }
0x95: {  	[smem:s8], [sflag:s7] =	dma.local [hbm:s15], $0x1  }
0x96: {  	_ =	swait.eq [sflag:s7], $0x1  }
0x97: {  	[sflag:s7] =	ssyncset.done $0x0  }
0x98: {  	s16 =	sld [smem:$0x10];
	[sflag:s7] =	ssyncadd.s32 $0xFFFFFFFF  }
0x99: {  	s17 =	sld [smem:$0x12];
	(tm) =	ssettm $0x1  }
0x9a: {  	s18 =	sld [smem:$0x3FFB];
	_ =	sdelay $0x3  }
0x9b: {  	_ =	strace s18  }
0x9c: {  	s8 =	sld [smem:$0x3FFC];
	_ =	sdelay $0x3  }
0x9d: {  	_ =	strace s8  }
0x9e: {  	s8 =	sld [smem:$0x3FFD];
	_ =	sdelay $0x3  }
0x9f: {  	_ =	strace s8  }
0xa0: {  	_ =	strace $0x8FFFFFFF  }
0xa1: {  	s19 =	sld [smem:$0x3FDB];
	_ =	sdelay $0x1  }
0xa2: {  	s9 =	simm.s32 $_scs_section_size  }
0xa3: {  	s10 =	simm.s32 $_size__tile_overlayer_lowered;
	s11 =	simm.s32 $_tile_overlayer_lowered  }
0xa4: {  	s22 =	simm.s32 $0x1BFF;
	s21 =	sshll.u32 s11, $0x1;
	s8 =	sadd.s32 s9, s19  }
0xa5: {  	s12 =	simm.s32 $0x0;
	s20 =	sshll.u32 s10, $0x1;
	s10 =	sadd.s32 s21, s8  }
0xa6: {  	[timem:s12], [sflag:s22] =	dma.local [hbm:s10], s20  }
0xa7: {  	_ =	swait.ge [sflag:s22], s20  }
0xa8: {  	s9 =	ssub.s32 $0x0, s20;
	[sflag:s22] =	ssyncset.done $0x0  }
0xa9: {  	[sflag:s22] =	ssyncadd.s32 s9;
	_ =	sdelay $0x1  }
0xaa: {  	s23 =	simm.s32 $0x1B8B  }
0xab: {  	_ =	swait.ge [sflag:s23], $0x1  }
0xac: {  	[sflag:s23] =	ssyncset.done $0x0  }
0xad: {  	s25 =	simm.s32 $0x1B8E;
	s24 =	sld [smem:$0x3FFE];
	[sflag:s23] =	ssyncadd.s32 $0xFFFFFFFF  }
0xae: {  	s26 =	simm.s32 $execute0_lowered;
	[smem:$0x3FD2] =	sst s25  }
0xaf: {  	s10 =	sshll.u32 s26, $0x1;
	_ =	strace $0x80000046;
	[dreg:$0x1] =	wrdreg $0xFFFFFFFF  }
0xb0: {  	s28 =	simm.s32 $_size_execute0_lowered;
	s8 =	sadd.s32 s8, s10;
	[dreg:$0x0] =	wrdreg $0x0  }
0xb1: {  	s10 =	sshll.u32 s28, $0x1;
	[dreg:$0x2] =	wrdreg s8  }
0xb2: {  	[dreg:$0x3] =	wrdreg s10  }
0xb3: {  	[dreg:$0x4] =	wrdreg $0xC0  }
0xb4: {  	_ =	task [dreg:s12], $0x5FFFF  }
0xb5: {  	[dreg:$0x1] =	wrdreg $0xFFFFFFFF  }
0xb6: {  	[dreg:$0x0] =	wrdreg $0x60  }
0xb7: {  	[dreg:$0x2] =	wrdreg s2  }
0xb8: {  	[dreg:$0x3] =	wrdreg s4  }
0xb9: {  	[dreg:$0x4] =	wrdreg s5  }
0xba: {  	[dreg:$0x5] =	wrdreg s6  }
0xbb: {  	[dreg:$0x6] =	wrdreg s24  }
0xbc: {  	[dreg:$0x7] =	wrdreg s16  }
0xbd: {  	[dreg:$0x8] =	wrdreg s17  }
0xbe: {  	[dreg:$0x9] =	wrdreg $0x9  }
0xbf: {  	_ =	task.clear_ibuf [dreg:s12], $0xAFFFF;
	_ =	strace $0x90000046  }
0xc0: {  	s29 =	simm.s32 $0x9;
	_ =	strace $0x80000048  }
0xc1: {  	_ =	swait.ge [sflag:s29], $0x1  }
0xc2: {  	[sflag:s29] =	ssyncadd.s32 $0xFFFFFFFF  }
0xc3: {  	_ =	strace $0x90000048  }
0xc4: {  	_ =	sfence  }
0xc5: {  	s30 =	sld [smem:$0x0];
	_ =	sdelay $0x2  }
0xc6: {  	s31 =	sshll.u32 s1, $0xD;
	s1 =	sshrl.u32 s1, $0x2  }
0xc7: {  	s3 =	sand.u32 $0x4000, s31;
	s1 =	sadd.s32 s1, s30  }
0xc8: {  	s0 =	sor.u32 s3, s0;
	s1 =	sshll.u32 s1, $0x11  }
0xc9: {  	s0 =	sor.u32 s1, s0  }
0xca: {  	s0 =	sadd.s32 $0x8F2B, s0  }
0xcb: {  	[sflag:s0] =	ssyncadd.remote.s32 $0x1  }
0xcc: {  	_ =	sfence.sel $0xFFFF  }
0xcd: {  	[dreg:$0x0] =	wrdreg $0xFFFFFFFF;
	(pc) =	sbr.abs _section_cstart, $3  }
0xce: {  	[dreg:$0x1] =	wrdreg $0xFFFFFFFF  }
0xcf: {  	_ =	task.clear_ibuf [dreg:s12], $0x2FFFF;
	_ =	strace $0x9FFFFFFF  }
0xd0: {  	(tm) =	ssettm $0x7FFFFFFF  }
0xd1: {  	_ =	shalt  }
tec
execute0_lowered:
.L_overlay_start_1:
0x0: {  	(tag) =	ssettag $0x1  }
0x1: {  	s6 =	rddreg [dreg:$0x0]  }
0x2: {  	s7 =	rddreg [dreg:$0x1]  }
0x3: {  	s9 =	rddreg [dreg:$0x2]  }
0x4: {  	s10 =	rddreg [dreg:$0x3]  }
0x5: {  	s5 =	rddreg [dreg:$0x4]  }
0x6: {  	s8 =	rddreg [dreg:$0x5]  }
0x7: {  	s11 =	rddreg [dreg:$0x6]  }
0x8: {  	s0 =	rddreg [dreg:$0x7];
	s1 =	simm.s32 $0x0  }
0x9: {  	s4 =	srdreg.scid;
	s2 =	stileid.u32;
	s16 =	simm.s32 $0xA00  }
0xa: {  	s18 =	simm.s32 $0x400;
	s19 =	simm.s32 $0x600;
	s20 =	simm.s32 $0xE00  }
0xb: {  	s21 =	simm.s32 $0x1;
	s22 =	simm.s32 $0xC00;
	s23 =	simm.s32 $0x2  }
0xc: {  	[smem:$0x7FF] =	sst s1;
	s3 =	sadd.s32 $0x1600, s5;
	s4 =	sand.u32 $0x1, s4  }
0xd: {  	s13 =	sshll.u32 s2, $0x7;
	s17 =	sshll.u32 s2, $0x6;
	_ =	strace $0x80000047  }
0xe: {  	s12 =	ssub.s32 $0x2, s4;
	s14 =	sshll.u32 s4, $0x6;
	s4 =	sadd.s32 $0x20000, s5  }
0xf: {  	s5 =	sadd.s32 $0x3EA00, s5;
	s17 =	sor.u32 $0x1C02, s17;
	s15 =	sshrl.u32 s12, $0x1  }
0x10: {  	s13 =	sor.u32 s14, s13;
	s14 =	simm.s32 $0x200;
	s12 =	ssub.s32 s12, s15  }
0x11: {  	s6 =	sadd.s32 s6, s13;
	s7 =	sadd.s32 s7, s13;
	s8 =	sadd.s32 s8, s13  }
0x12: {  	s9 =	sadd.s32 s9, s13;
	s10 =	sadd.s32 s10, s13;
	s11 =	sadd.s32 s11, s13  }
0x13: {  	s13 =	simm.s32 $0x3;
	s15 =	simm.s32 $0x800;
	s12 =	smax.u32 s12, $0x1  }
.LBB2_1:
0x14: {  	[tilespmem:s1], [sflag:$0x3] =	stream.linear.gather [hbm4b:s6+s1], $0x200, $0x38;
	[tilespmem:$0xE80] =	vst v63  }
0x15: {  	_ =	swait.ge [sflag:s13], $0x200  }
0x16: {  	[sflag:s13] =	ssyncset.done $0x0  }
0x17: {  	[sflag:s13] =	ssyncadd.s32 $0xFFFFFE00  }
0x18: {  	[tilespmem:s14], [sflag:$0x3] =	stream.linear.gather [hbm4b:s7+s1], $0x200, $0x38;
	[tilespmem:$0xE80] =	vst v63  }
0x19: {  	_ =	swait.ge [sflag:s13], $0x200  }
0x1a: {  	[sflag:s13] =	ssyncset.done $0x0  }
0x1b: {  	[sflag:s13] =	ssyncadd.s32 $0xFFFFFE00  }
0x1c: {  	[tilespmem:s15], [sflag:$0x1] =	stream.indirect.gather [hbm4b:s3+s14], $0x1, s1, s14, $0xb8;
	[tilespmem:$0xE80] =	vst v63  }
0x1d: {  	_ = 	snop  }
0x1e: {  	[tilespmem:s16], [sflag:$0x1] =	stream.indirect.gather [hbm4b:s4+s14], $0x1, s14, s14, $0xb8;
	[tilespmem:$0xE80] =	vst v63  }
0x1f: {  	[hbm:s8], [sflag:s17] =	dma.local [hbm:s9], $0x40  }
0x20: {  	[tilespmem:s18], [sflag:$0x3] =	stream.linear.gather [hbm4b:s9+s1], $0x200, $0x38;
	[tilespmem:$0xE80] =	vst v63  }
0x21: {  	_ =	swait.ge [sflag:s13], $0x200  }
0x22: {  	[sflag:s13] =	ssyncset.done $0x0  }
0x23: {  	[sflag:s13] =	ssyncadd.s32 $0xFFFFFE00  }
0x24: {  	[tilespmem:s19], [sflag:$0x3] =	stream.linear.gather [hbm4b:s10+s1], $0x200, $0x38;
	[tilespmem:$0xE80] =	vst v63  }
0x25: {  	_ =	swait.ge [sflag:s13], $0x200  }
0x26: {  	[sflag:s13] =	ssyncset.done $0x0  }
0x27: {  	[sflag:s13] =	ssyncadd.s32 $0xFFFFFE00  }
0x28: {  	[tilespmem:s20], [sflag:$0x3] =	stream.linear.gather [hbm4b:s5+s1], $0x80, $0x38;
	[tilespmem:$0xE80] =	vst v63  }
0x29: {  	_ =	swait.ge [sflag:s13], $0x80  }
0x2a: {  	[sflag:s13] =	ssyncset.done $0x0  }
0x2b: {  	[sflag:s13] =	ssyncadd.s32 $0xFFFFFF80  }
0x2c: {  	v0 =	vld [tilespmem:$0xE00];
	_ =	swait.ge [sflag:s21], $0x200  }
0x2d: {  	[sflag:s21] =	ssyncset.done $0x0  }
0x2e: {  	[sflag:s21] =	ssyncadd.s32 $0xFFFFFE00  }
0x2f: {  	_ =	swait.ge [sflag:s21], $0x200  }
0x30: {  	[sflag:s21] =	ssyncset.done $0x0  }
0x31: {  	[sflag:s21] =	ssyncadd.s32 $0xFFFFFE00  }
0x32: {  	v1 =	vld [tilespmem:$0x400]  }
0x33: {  	v2 =	vld [tilespmem:$0x600]  }
0x34: {  	v3 =	vld [tilespmem:$0x800]  }
0x35: {  	v4 =	vld [tilespmem:$0xA00]  }
0x36: {  	v5 =	vld [tilespmem:$0x410]  }
0x37: {  	v6 =	vld [tilespmem:$0x610]  }
0x38: {  	v7 =	vld [tilespmem:$0x810]  }
0x39: {  	v8 =	vld [tilespmem:$0xA10]  }
0x3a: {  	v9 =	vld [tilespmem:$0x420]  }
0x3b: {  	v10 =	vld [tilespmem:$0x620]  }
0x3c: {  	v11 =	vld [tilespmem:$0x820]  }
0x3d: {  	v12 =	vld [tilespmem:$0xA20]  }
0x3e: {  	v13 =	vld [tilespmem:$0x430]  }
0x3f: {  	v14 =	vld [tilespmem:$0x630]  }
0x40: {  	v15 =	vld [tilespmem:$0x830]  }
0x41: {  	v16 =	vld [tilespmem:$0xA30]  }
0x42: {  	v17 =	vld [tilespmem:$0x440]  }
0x43: {  	v18 =	vld [tilespmem:$0x640]  }
0x44: {  	v19 =	vld [tilespmem:$0x840]  }
0x45: {  	v20 =	vld [tilespmem:$0xA40]  }
0x46: {  	v21 =	vld [tilespmem:$0x450]  }
0x47: {  	v22 =	vld [tilespmem:$0x650]  }
0x48: {  	v23 =	vld [tilespmem:$0x850]  }
0x49: {  	v24 =	vld [tilespmem:$0xA50]  }
0x4a: {  	v25 =	vld [tilespmem:$0x460]  }
0x4b: {  	v26 =	vld [tilespmem:$0x660]  }
0x4c: {  	v27 =	vld [tilespmem:$0x860]  }
0x4d: {  	v28 =	vld [tilespmem:$0xA60]  }
0x4e: {  	v29 =	vld [tilespmem:$0x470]  }
0x4f: {  	v30 =	vld [tilespmem:$0x670]  }
0x50: {  	v31 =	vld [tilespmem:$0x870]  }
0x51: {  	v40 =	vld [tilespmem:$0xA70]  }
0x52: {  	v33 =	vld [tilespmem:$0x480]  }
0x53: {  	v34 =	vld [tilespmem:$0x680]  }
0x54: {  	v35 =	vld [tilespmem:$0x880]  }
0x55: {  	v36 =	vld [tilespmem:$0xA80]  }
0x56: {  	v37 =	vld [tilespmem:$0x490]  }
0x57: {  	v38 =	vld [tilespmem:$0x690]  }
0x58: {  	v39 =	vld [tilespmem:$0x890]  }
0x59: {  	v48 =	vld [tilespmem:$0xA90]  }
0x5a: {  	v41 =	vld [tilespmem:$0x4A0]  }
0x5b: {  	v42 =	vld [tilespmem:$0x6A0]  }
0x5c: {  	v43 =	vld [tilespmem:$0x8A0]  }
0x5d: {  	v44 =	vld [tilespmem:$0xAA0]  }
0x5e: {  	v45 =	vld [tilespmem:$0x4B0]  }
0x5f: {  	v46 =	vld [tilespmem:$0x6B0]  }
0x60: {  	v47 =	vld [tilespmem:$0x8B0]  }
0x61: {  	v56 =	vld [tilespmem:$0xAB0]  }
0x62: {  	v49 =	vld [tilespmem:$0x4C0]  }
0x63: {  	v50 =	vld [tilespmem:$0x6C0]  }
0x64: {  	v51 =	vld [tilespmem:$0x8C0]  }
0x65: {  	v52 =	vld [tilespmem:$0xAC0]  }
0x66: {  	v53 =	vld [tilespmem:$0x4D0]  }
0x67: {  	v54 =	vld [tilespmem:$0x6D0]  }
0x68: {  	v55 =	vld [tilespmem:$0x8D0]  }
0x69: {  	v63 =	vld [tilespmem:$0xAD0]  }
0x6a: {  	v57 =	vld [tilespmem:$0x4E0]  }
0x6b: {  	v58 =	vld [tilespmem:$0x6E0]  }
0x6c: {  	v32 =	vld [tilespmem:$0x8F0]  }
0x6d: {  	v59 =	vld [tilespmem:$0x8E0]  }
0x6e: {  	v60 =	vld [tilespmem:$0xAE0]  }
0x6f: {  	v61 =	vld [tilespmem:$0x4F0]  }
0x70: {  	v62 =	vld [tilespmem:$0x6F0]  }
0x71: {  	[tilespmem:$0x1FFD0] =	vst v32;
	v32 =	vld [tilespmem:$0xAF0]  }
0x72: {  	v1 =	vmul.f32 v2, v1;
	v2 =	vmul.f32 v6, v5;
	v6 =	vld [tilespmem:$0x700]  }
0x73: {  	v5 =	vld [tilespmem:$0x900]  }
0x74: {  	v9 =	vmul.f32 v10, v9;
	v10 =	vld [tilespmem:$0xB00]  }
0x75: {  	v18 =	vmul.f32 v18, v17;
	v17 =	vld [tilespmem:$0x720]  }
0x76: {  	v34 =	vmul.f32 v34, v33;
	v33 =	vld [tilespmem:$0x550]  }
0x77: {  	v53 =	vmul.f32 v54, v53;
	v54 =	vmul.f32 v58, v57;
	v57 =	vld [tilespmem:$0x560]  }
0x78: {  	v58 =	vld [tilespmem:$0x760]  }
0x79: {  	v46 =	vmul.f32 v46, v45;
	v45 =	vld [tilespmem:$0x780]  }
0x7a: {  	v42 =	vmul.f32 v42, v41;
	v50 =	vmul.f32 v50, v49;
	v49 =	vld [tilespmem:$0x1FFD0]  }
0x7b: {  	v21 =	vmul.f32 v22, v21;
	v22 =	vmax.f32 v18, $9.999999770e-03;
	v18 =	vld [tilespmem:$0x920]  }
0x7c: {  	v26 =	vmul.f32 v26, v25;
	v2 =	vmax.f32 v2, $9.999999770e-03;
	v25 =	vmax.f32 v42, $9.999999770e-03;
	v42 =	vld [tilespmem:$0x960]  }
0x7d: {  	v30 =	vmul.f32 v30, v29;
	v1 =	vmax.f32 v1, $9.999999770e-03;
	v2 =	vadd.f32 v2, v0;
	[tilespmem:$0x1FFE0] =	vst v32;
	v32 =	vld [tilespmem:$0x500]  }
0x7e: {  	v38 =	vmul.f32 v38, v37;
	v29 =	vmax.f32 v46, $9.999999770e-03;
	v1 =	vadd.f32 v1, v0;
	[tilespmem:$0x1FFF0] =	vst v5;
	v5 =	vld [tilespmem:$0x510]  }
0x7f: {  	v37 =	vmax.f32 v54, $9.999999770e-03;
	v25 =	vadd.f32 v25, v0;
	v2 =	vadd.f32 v2, v7;
	v7 =	vld [tilespmem:$0x710]  }
0x80: {  	v1 =	vadd.f32 v1, v3;
	v3 =	vmax.f32 v9, $9.999999770e-03;
	v9 =	vmul.f32 v14, v13;
	v14 =	vld [tilespmem:$0x910]  }
0x81: {  	v29 =	vadd.f32 v29, v0;
	v37 =	vadd.f32 v37, v0;
	v13 =	vld [tilespmem:$0x520]  }
0x82: {  	v25 =	vadd.f32 v25, v43;
	v43 =	vld [tilespmem:$0xB60]  }
0x83: {  	v29 =	vadd.f32 v29, v47;
	v47 =	vmul.f32 v62, v61;
	v37 =	vadd.f32 v37, v59;
	v62 =	vld [tilespmem:$0x7A0]  }
0x84: {  	v3 =	vadd.f32 v3, v0;
	v2 =	vadd.f32 v2, v8;
	v8 =	vld [tilespmem:$0xB10]  }
0x85: {  	v1 =	vadd.f32 v1, v4;
	v4 =	vmax.f32 v21, $9.999999770e-03;
	v21 =	vld [tilespmem:$0x530];
	v25 =	vadd.f32 v25, v44  }
0x86: {  	v9 =	vmax.f32 v9, $9.999999770e-03;
	v29 =	vadd.f32 v29, v56;
	v37 =	vadd.f32 v37, v60;
	v44 =	vld [tilespmem:$0xB70]  }
0x87: {  	v41 =	vmax.f32 v47, $9.999999770e-03;
	v47 =	vld [tilespmem:$0x5B0];
	v3 =	vadd.f32 v3, v11;
	v9 =	vadd.f32 v9, v0  }
0x88: {  	v11 =	vadd.f32 v22, v0;
	v4 =	vadd.f32 v4, v0;
	v22 =	vld [tilespmem:$0x730]  }
0x89: {  	v41 =	vadd.f32 v41, v0;
	v9 =	vadd.f32 v9, v15;
	v15 =	vld [tilespmem:$0xB20]  }
0x8a: {  	v56 =	vmul.f32 v58, v57;
	v3 =	vadd.f32 v3, v12;
	v4 =	vadd.f32 v4, v23;
	v23 =	vld [tilespmem:$0xB30]  }
0x8b: {  	v11 =	vadd.f32 v11, v19;
	v12 =	vmax.f32 v26, $9.999999770e-03;
	v19 =	vmax.f32 v30, $9.999999770e-03;
	v26 =	vld [tilespmem:$0x540]  }
0x8c: {  	v30 =	vld [tilespmem:$0xB40];
	v6 =	vmul.f32 v6, v32;
	v41 =	vadd.f32 v41, v49;
	v12 =	vadd.f32 v12, v0  }
0x8d: {  	v32 =	vld [tilespmem:$0x570];
	v5 =	vmul.f32 v7, v5;
	v19 =	vadd.f32 v19, v0;
	v9 =	vadd.f32 v9, v16  }
0x8e: {  	v13 =	vmul.f32 v17, v13;
	v17 =	vld [tilespmem:$0x970];
	v11 =	vadd.f32 v11, v20;
	v4 =	vadd.f32 v4, v24  }
0x8f: {  	v49 =	vld [tilespmem:$0x7B0];
	v16 =	vmax.f32 v34, $9.999999770e-03;
	v24 =	vmax.f32 v38, $9.999999770e-03;
	v6 =	vmax.f32 v6, $9.999999770e-03  }
0x90: {  	v20 =	vld [tilespmem:$0x930];
	v5 =	vmax.f32 v5, $9.999999770e-03;
	v12 =	vadd.f32 v12, v27;
	v16 =	vadd.f32 v16, v0  }
0x91: {  	v34 =	vld [tilespmem:$0x750];
	v13 =	vmax.f32 v13, $9.999999770e-03;
	v19 =	vadd.f32 v19, v31;
	v24 =	vadd.f32 v24, v0  }
0x92: {  	v38 =	vld [tilespmem:$0xB50];
	v31 =	vmax.f32 v50, $9.999999770e-03;
	v6 =	vadd.f32 v6, v0;
	v5 =	vadd.f32 v5, v0  }
0x93: {  	v1 =	vmax.f32 v1, $9.999999770e-03;
	v27 =	vld [tilespmem:$0x740];
	v13 =	vadd.f32 v13, v0;
	v31 =	vadd.f32 v31, v0  }
0x94: {  	v21 =	vmul.f32 v22, v21;
	v22 =	vld [tilespmem:$0x580];
	v12 =	vadd.f32 v12, v28;
	v16 =	vadd.f32 v16, v35  }
0x95: {  	v2 =	vmax.f32 v2, $9.999999770e-03;
	v50 =	vld [tilespmem:$0x1FFE0];
	v19 =	vadd.f32 v19, v40;
	v24 =	vadd.f32 v24, v39  }
0x96: {  	v28 =	vld [tilespmem:$0x940];
	v35 =	vmax.f32 v53, $9.999999770e-03;
	v5 =	vadd.f32 v5, v14;
	v13 =	vadd.f32 v13, v18  }
0x97: {  	v61 =	vmax.f32 v56, $9.999999770e-03;
	v18 =	vld [tilespmem:$0xB80];
	v31 =	vadd.f32 v31, v51;
	v35 =	vadd.f32 v35, v0  }
0x98: {  	v56 =	vmax.f32 v25, $9.999999770e-03;
	v39 =	vld [tilespmem:$0xBA0];
	v16 =	vadd.f32 v16, v36;
	v24 =	vadd.f32 v24, v48  }
0x99: {  	v3 =	vmax.f32 v3, $9.999999770e-03;
	v51 =	vld [tilespmem:$0x1FFF0];
	v5 =	vadd.f32 v5, v8;
	v31 =	vadd.f32 v31, v52  }
0x9a: {  	v40 =	vmax.f32 v4, $9.999999770e-03;
	v36 =	vld [tilespmem:$0x950];
	v35 =	vadd.f32 v35, v55;
	v41 =	vadd.f32 v41, v50  }
0x9b: {  	v48 =	vld [tilespmem:$0x770];
	v52 =	vmax.f32 v21, $9.999999770e-03;
	v54 =	vmul.f32 v27, v26;
	v55 =	vmul.f32 v34, v33  }
0x9c: {  	v8 =	vld [tilespmem:$0x590];
	v27 =	vadd.f32 v61, v0;
	v34 =	vmax.f32 v11, $9.999999770e-03;
	v14 =	vadd.f32 v52, v0  }
0x9d: {  	[tilespmem:$0xC00] =	vst v1;
	v21 =	vld [tilespmem:$0x980];
	v5 =	vmax.f32 v5, $9.999999770e-03;
	v35 =	vadd.f32 v35, v63;
	v57 =	vmax.f32 v54, $9.999999770e-03  }
0x9e: {  	[tilespmem:$0xC10] =	vst v2;
	v26 =	vld [tilespmem:$0x990];
	v58 =	vmax.f32 v55, $9.999999770e-03;
	v63 =	vmax.f32 v9, $9.999999770e-03;
	v46 =	vadd.f32 v27, v42  }
0x9f: {  	[tilespmem:$0xCA0] =	vst v56;
	v33 =	vld [tilespmem:$0xB90];
	v54 =	vmul.f32 v45, v22;
	v55 =	vmax.f32 v24, $9.999999770e-03;
	v9 =	vmul.f32 v49, v47  }
0xa0: {  	v61 =	vld [tilespmem:$0x9C0];
	[tilespmem:$0xC40] =	vst v34;
	v34 =	vmax.f32 v41, $9.999999770e-03;
	v6 =	vadd.f32 v6, v51;
	v53 =	vadd.f32 v14, v20  }
0xa1: {  	[tilespmem:$0xC20] =	vst v3;
	v20 =	vld [tilespmem:$0x5A0];
	v59 =	vadd.f32 v57, v0;
	v60 =	vadd.f32 v58, v0;
	v51 =	vmax.f32 v19, $9.999999770e-03  }
0xa2: {  	[tilespmem:$0xC50] =	vst v40;
	v52 =	vld [tilespmem:$0x9B0];
	v58 =	vmax.f32 v29, $9.999999770e-03;
	v7 =	vmul.f32 v48, v32;
	v48 =	vmax.f32 v12, $9.999999770e-03  }
0xa3: {  	[tilespmem:$0xD10] =	vst v5;
	v14 =	vld [tilespmem:$0x790];
	v4 =	vadd.f32 v46, v43;
	v29 =	vmax.f32 v35, $9.999999770e-03;
	v6 =	vadd.f32 v6, v10  }
0xa4: {  	[tilespmem:$0xC30] =	vst v63;
	v57 =	vld [tilespmem:$0x5C0];
	v9 =	vmax.f32 v9, $9.999999770e-03;
	v10 =	vadd.f32 v13, v15;
	v1 =	vadd.f32 v53, v23  }
0xa5: {  	[tilespmem:$0xC90] =	vst v55;
	v32 =	vld [tilespmem:$0x5E0];
	v2 =	vadd.f32 v59, v28;
	v36 =	vadd.f32 v60, v36;
	v53 =	vmax.f32 v16, $9.999999770e-03  }
0xa6: {  	[tilespmem:$0xCF0] =	vst v34;
	v15 =	vld [tilespmem:$0x9A0];
	v59 =	vmax.f32 v31, $9.999999770e-03;
	v16 =	vmax.f32 v54, $9.999999770e-03;
	v20 =	vmul.f32 v62, v20  }
0xa7: {  	[tilespmem:$0xC70] =	vst v51;
	v35 =	vld [tilespmem:$0x7E0];
	v9 =	vadd.f32 v9, v0;
	v7 =	vmax.f32 v7, $9.999999770e-03;
	v2 =	vadd.f32 v2, v30  }
0xa8: {  	[tilespmem:$0xCB0] =	vst v58;
	v60 =	vld [tilespmem:$0x7C0];
	v7 =	vadd.f32 v7, v0;
	v50 =	vadd.f32 v36, v38;
	v63 =	vmax.f32 v20, $9.999999770e-03  }
0xa9: {  	[tilespmem:$0xC60] =	vst v48;
	v28 =	vld [tilespmem:$0x5D0];
	v31 =	vmax.f32 v37, $9.999999770e-03;
	v62 =	vadd.f32 v16, v0;
	v16 =	vadd.f32 v63, v0  }
0xaa: {  	[tilespmem:$0xCD0] =	vst v29;
	v30 =	vld [tilespmem:$0x7D0];
	v6 =	vmax.f32 v6, $9.999999770e-03;
	v40 =	vmax.f32 v10, $9.999999770e-03;
	v1 =	vmax.f32 v1, $9.999999770e-03  }
0xab: {  	[tilespmem:$0xC80] =	vst v53;
	v36 =	vld [tilespmem:$0x5F0];
	v9 =	vadd.f32 v9, v52;
	v8 =	vmul.f32 v14, v8;
	v15 =	vadd.f32 v16, v15  }
0xac: {  	[tilespmem:$0xCC0] =	vst v59;
	v7 =	vadd.f32 v7, v17;
	v17 =	vld [tilespmem:$0xBB0];
	v2 =	vmax.f32 v2, $9.999999770e-03;
	v3 =	vmax.f32 v50, $9.999999770e-03  }
0xad: {  	[tilespmem:$0xCE0] =	vst v31;
	v49 =	vmul.f32 v35, v32;
	v8 =	vmax.f32 v8, $9.999999770e-03;
	v38 =	vadd.f32 v15, v39;
	v39 =	vld [tilespmem:$0x7F0]  }
0xae: {  	[tilespmem:$0xD00] =	vst v6;
	v50 =	vld [tilespmem:$0x9E0];
	v11 =	vadd.f32 v62, v21;
	v42 =	vmul.f32 v60, v57;
	v7 =	vadd.f32 v7, v44  }
0xaf: {  	v41 =	vld [tilespmem:$0xBC0];
	[tilespmem:$0xD20] =	vst v40;
	v8 =	vadd.f32 v8, v0;
	v44 =	vmax.f32 v4, $9.999999770e-03;
	v56 =	vmax.f32 v49, $9.999999770e-03  }
0xb0: {  	v43 =	vld [tilespmem:$0x9D0];
	[tilespmem:$0xD30] =	vst v1;
	v11 =	vadd.f32 v11, v18;
	v46 =	vmul.f32 v30, v28;
	v5 =	vmax.f32 v42, $9.999999770e-03  }
0xb1: {  	[tilespmem:$0xD40] =	vst v2;
	v57 =	vld [tilespmem:$0xBE0];
	v58 =	vadd.f32 v56, v0;
	v8 =	vadd.f32 v8, v26;
	v45 =	vmax.f32 v7, $9.999999770e-03  }
0xb2: {  	v54 =	vld [tilespmem:$0x9F0];
	[tilespmem:$0xD50] =	vst v3;
	v51 =	vadd.f32 v5, v0;
	v48 =	vmax.f32 v11, $9.999999770e-03;
	v53 =	vmul.f32 v39, v36  }
0xb3: {  	v47 =	vld [tilespmem:$0xBD0];
	[tilespmem:$0xD60] =	vst v44;
	v52 =	vmax.f32 v46, $9.999999770e-03;
	v55 =	vadd.f32 v9, v17;
	v4 =	vadd.f32 v58, v50  }
0xb4: {  	v59 =	vld [tilespmem:$0xBF0];
	[tilespmem:$0xD70] =	vst v45;
	v37 =	vadd.f32 v8, v33;
	v5 =	vadd.f32 v52, v0;
	v7 =	vmax.f32 v53, $9.999999770e-03  }
0xb5: {  	v3 =	vadd.f32 v51, v61;
	[tilespmem:$0xD80] =	vst v48;
	v1 =	vmax.f32 v55, $9.999999770e-03;
	v0 =	vadd.f32 v7, v0  }
0xb6: {  	v63 =	vadd.f32 v4, v57;
	v60 =	vadd.f32 v5, v43;
	v61 =	vmax.f32 v37, $9.999999770e-03;
	[tilespmem:$0xDB0] =	vst v1  }
0xb7: {  	v3 =	vadd.f32 v3, v41;
	v62 =	vmax.f32 v38, $9.999999770e-03;
	[tilespmem:$0xD90] =	vst v61;
	v0 =	vadd.f32 v0, v54  }
0xb8: {  	[tilespmem:$0xDA0] =	vst v62;
	v1 =	vmax.f32 v63, $9.999999770e-03;
	v2 =	vadd.f32 v60, v47  }
0xb9: {  	v3 =	vmax.f32 v3, $9.999999770e-03;
	[tilespmem:$0xDE0] =	vst v1;
	v0 =	vadd.f32 v0, v59  }
0xba: {  	[tilespmem:$0xDC0] =	vst v3;
	v2 =	vmax.f32 v2, $9.999999770e-03  }
0xbb: {  	[tilespmem:$0xDD0] =	vst v2;
	v0 =	vmax.f32 v0, $9.999999770e-03  }
0xbc: {  	[tilespmem:$0xDF0] =	vst v0  }
0xbd: {  	[hbm4b:s11+s1] =	stream.linear.scatter [tilespmem:s22], [sflag:$0x3], $0x200, $0x38;
	[tilespmem:$0xE80] =	vst v63  }
0xbe: {  	p0 =	sne.s32 s12, $0x1;
	_ =	swait.ge [sflag:s13], $0x200  }
.Ltmp0:
0xbf: {  	[sflag:s13] =	ssyncset.done $0x0;
	(pc) =	sbr.rel @p0 .LBB2_1-.Ltmp0, $4  }
0xc0: {  	[sflag:s13] =	ssyncadd.s32 $0xFFFFFE00  }
0xc1: {  	_ =	swait.ge [sflag:s23], $0x40  }
0xc2: {  	[sflag:s23] =	ssyncset.done $0x0  }
0xc3: {  	s12 =	sadd.s32 $0xFFFFFFFF, s12;
	[sflag:s23] =	ssyncadd.s32 $0xFFFFFFC0  }
0xc4: {  	_ =	sfence.sel $0x180000  }
0xc5: {  	[bflag:$0x0] =	sbarrier.arrive $0xFFFF  }
0xc6: {  	p0 =	sne.s32 s2, $0x0;
	_ =	strace $0x90000047  }
0xc7: {  	s0 =	sadd.s32 @!p0 $0x100000, s0;
	[bflag:$0x2] =	sbarrier.arrive $0xFFFF  }
0xc8: {  	[sflag:s0] =	ssyncadd.tile.s32 @!p0 $0x1;
	_ =	shalt  }
.Lfunc_end2:
_tile_overlayer_lowered:
.L_overlay_start_2:
0xc9: {  	(tag) =	ssettag $0x2  }
0xca: {  	s0 =	rddreg [dreg:$0x0];
	s2 =	stileid.u32  }
0xcb: {  	s1 =	rddreg [dreg:$0x1];
	p0 =	sne.s32 s2, $0x0  }
0xcc: {  	s3 =	rddreg [dreg:$0x2];
	[bflag:$0x3] =	sbarrier.arrive $0xFFFF;
	s2 =	simm.s32 @!p0 $0x1C03  }
0xcd: {  	[timem:s3], [sflag:s2] =	dma.local @!p0 [hbm:s0], s1  }
0xce: {  	s0 =	simm.s32 @!p0 $0x3  }
0xcf: {  	_ =	swait.ge @!p0 [sflag:s0], s1  }
0xd0: {  	s1 =	ssub.s32 @!p0 $0x0, s1;
	[sflag:s0] =	ssyncset.done @!p0 $0x0  }
0xd1: {  	[sflag:s0] =	ssyncadd.s32 @!p0 s1  }
0xd2: {  	[bflag:$0x3] =	sbarrier.arrive $0xFFFF  }
0xd3: {  	_ =	shalt  }

// kernel: beta_half.3.cloned.1.call-start
scs
__scs_entry_jumppad:
0x0: {  	(pc) =	sbr.rel $0x88, $3  }
0x1: {  	(tag) =	ssettag $0x0;
	lr =	simm.s32 $0x1  }
0x2: {  	[smem:$0x3F97] =	sst lr;
	_ =	strace $0xD0000000  }
0x3: {  	_ = 	snop  }
0x4: {  	_ = 	snop  }
0x5: {  	_ = 	snop  }
0x6: {  	_ = 	snop  }
0x7: {  	_ = 	snop  }
__scs_overlays_trampoline_lowered:
0x8: {  	[smem:$0x3FA6] =	sst s0  }
0x9: {  	[smem:$0x3FA7] =	sst s1  }
0xa: {  	[smem:$0x3FA8] =	sst s2  }
0xb: {  	[smem:$0x3FA9] =	sst s3  }
0xc: {  	[smem:$0x3FAA] =	sst s4  }
0xd: {  	[smem:$0x3FAB] =	sst s5  }
0xe: {  	[smem:$0x3FAC] =	sst s6  }
0xf: {  	[smem:$0x3FAD] =	sst s7  }
0x10: {  	[smem:$0x3FAE] =	sst s8  }
0x11: {  	[smem:$0x3FAF] =	sst s9;
	s0 =	simm.s32 @!p0 $0x0  }
0x12: {  	s1 =	sld [smem:$0x3F95];
	s0 =	simm.s32 @p0 $0x1  }
0x13: {  	[smem:$0x3FB0] =	sst s0;
	s0 =	simm.s32 @!p1 $0x0  }
0x14: {  	s2 =	sld [smem:$0x3F94];
	s0 =	simm.s32 @p1 $0x1  }
0x15: {  	[smem:$0x3FB1] =	sst s0;
	s0 =	simm.s32 @!p2 $0x0  }
0x16: {  	s3 =	sld [smem:$0x3FDB];
	s0 =	simm.s32 @p2 $0x1  }
0x17: {  	s4 =	simm.s32 $0x1BF5;
	[smem:$0x3FB3] =	sst s0  }
0x18: {  	s0 =	sld [smem:$0x3F96];
	_ =	swait.ge [sflag:s4], $0x0  }
0x19: {  	s7 =	sld [smem:$0x3F97]  }
0x1a: {  	s8 =	sadd.s32 $0xFFFFE003, lr  }
0x1b: {  	s9 =	sadd.s32 $0xFFFFFEF7, lr;
	s5 =	simm.s32 $0xFFFFFFFF;
	p2 =	slt.u32 s8, $0xFFFFF086  }
0x1c: {  	p1 =	slt.u32 s9, $0xF7A;
	s5 =	simm.s32 @!p2 $0x0  }
0x1d: {  	s5 =	simm.s32 @p1 $0x1;
	p0 =	seq.s32 s7, s2  }
0x1e: {  	s7 =	smul.u32 @!p0 $0xF7A, s2;
	p2 =	seq.s32 @!p0 s5, $0x0  }
0x1f: {  	s9 =	smul.u32 $0xF7A, s1;
	s8 =	simm.s32 @!p0 $0x1BF5;
	p2 =	por !p2, p0  }
0x20: {  	[sflag:s8] =	ssyncset.s32 @!p0 $0xFFFFF086;
	s6 =	sadd.s32 @!p0 s3, s7;
	s7 =	simm.s32 @!p0 $0x108  }
0x21: {  	s3 =	sadd.s32 s3, s9;
	s6 =	sadd.s32 @!p0 $0x88, s6;
	s7 =	simm.s32 @p2 $0x1082  }
0x22: {  	[simem:s7], [sflag:s8] =	dma.local @!p0 [hbm:s6], $0xF7A  }
0x23: {  	s9 =	sor.u32 $0xD0000000, s2;
	s6 =	simm.s32 $0x108;
	_ =	swait.ge @!p0 [sflag:s8], $0x0  }
0x24: {  	s3 =	sadd.s32 $0x88, s3;
	s6 =	simm.s32 @!p1 $0x1082;
	[sflag:s4] =	ssyncset.s32 $0xFFFFF086  }
0x25: {  	[simem:s6], [sflag:s4] =	dma.local [hbm:s3], $0xF7A  }
0x26: {  	[smem:$0x3F97] =	sst s1;
	(tag) =	ssettag s2;
	_ =	strace s9  }
0x27: {  	s1 =	sld [smem:$0x3FA7]  }
0x28: {  	s2 =	sld [smem:$0x3FA8]  }
0x29: {  	s4 =	sld [smem:$0x3FAA]  }
0x2a: {  	p0 =	seq.s32 s5, $0x0;
	s5 =	sld [smem:$0x3FAB]  }
0x2b: {  	s6 =	sld [smem:$0x3FAC]  }
0x2c: {  	s7 =	sld [smem:$0x3FAD]  }
0x2d: {  	s3 =	simm.s32 $0x108;
	s8 =	sld [smem:$0x3FAE]  }
0x2e: {  	s3 =	simm.s32 @!p0 $0x1082;
	s9 =	sld [smem:$0x3FAF]  }
0x2f: {  	lr =	sadd.s32 s0, s3;
	s0 =	sld [smem:$0x3FA6]  }
0x30: {  	s3 =	sld [smem:$0x3FA9]  }
0x31: {  	[smem:$0x3FB2] =	sst s10  }
0x32: {  	s10 =	sld [smem:$0x3FB0];
	_ =	sdelay $0x3  }
0x33: {  	p0 =	seq.s32 s10, $0x1;
	s10 =	sld [smem:$0x3FB2];
	_ =	sdelay $0x3  }
0x34: {  	[smem:$0x3FB2] =	sst s10  }
0x35: {  	s10 =	sld [smem:$0x3FB1];
	_ =	sdelay $0x3  }
0x36: {  	p1 =	seq.s32 s10, $0x1;
	s10 =	sld [smem:$0x3FB2];
	_ =	sdelay $0x3  }
0x37: {  	[smem:$0x3FB2] =	sst s10  }
0x38: {  	s10 =	sld [smem:$0x3FB3]  }
0x39: {  	_ = 	snop;
	(pc) =	sbr.ind lr, $3  }
0x3a: {  	_ = 	snop  }
0x3b: {  	_ = 	snop  }
0x3c: {  	p2 =	seq.s32 s10, $0x1;
	s10 =	sld [smem:$0x3FB2]  }
0x3d: {  	_ =	shalt  }
0x3e: {  	_ =	shalt  }
0x3f: {  	_ =	shalt  }
0x40: {  	_ =	shalt  }
0x41: {  	_ =	shalt  }
0x42: {  	_ =	shalt  }
0x43: {  	_ =	shalt  }
0x44: {  	_ =	shalt  }
0x45: {  	_ =	shalt  }
0x46: {  	_ =	shalt  }
0x47: {  	_ =	shalt  }
0x48: {  	_ =	shalt  }
0x49: {  	_ =	shalt  }
0x4a: {  	_ =	shalt  }
0x4b: {  	_ =	shalt  }
0x4c: {  	_ =	shalt  }
0x4d: {  	_ =	shalt  }
0x4e: {  	_ =	shalt  }
0x4f: {  	_ =	shalt  }
0x50: {  	_ =	shalt  }
0x51: {  	_ =	shalt  }
0x52: {  	_ =	shalt  }
0x53: {  	_ =	shalt  }
0x54: {  	_ =	shalt  }
0x55: {  	_ =	shalt  }
0x56: {  	_ =	shalt  }
0x57: {  	_ =	shalt  }
0x58: {  	_ =	shalt  }
0x59: {  	_ =	shalt  }
0x5a: {  	_ =	shalt  }
0x5b: {  	_ =	shalt  }
0x5c: {  	_ =	shalt  }
0x5d: {  	_ =	shalt  }
0x5e: {  	_ =	shalt  }
0x5f: {  	_ =	shalt  }
0x60: {  	_ =	shalt  }
0x61: {  	_ =	shalt  }
0x62: {  	_ =	shalt  }
0x63: {  	_ =	shalt  }
0x64: {  	_ =	shalt  }
0x65: {  	_ =	shalt  }
0x66: {  	_ =	shalt  }
0x67: {  	_ =	shalt  }
0x68: {  	_ =	shalt  }
0x69: {  	_ =	shalt  }
0x6a: {  	_ =	shalt  }
0x6b: {  	_ =	shalt  }
0x6c: {  	_ =	shalt  }
0x6d: {  	_ =	shalt  }
0x6e: {  	_ =	shalt  }
0x6f: {  	_ =	shalt  }
0x70: {  	_ =	shalt  }
0x71: {  	_ =	shalt  }
0x72: {  	_ =	shalt  }
0x73: {  	_ =	shalt  }
0x74: {  	_ =	shalt  }
0x75: {  	_ =	shalt  }
0x76: {  	_ =	shalt  }
0x77: {  	_ =	shalt  }
0x78: {  	_ =	shalt  }
0x79: {  	_ =	shalt  }
0x7a: {  	_ =	shalt  }
0x7b: {  	_ =	shalt  }
0x7c: {  	_ =	shalt  }
0x7d: {  	_ =	shalt  }
0x7e: {  	_ =	shalt  }
0x7f: {  	_ =	shalt  }
0x80: {  	_ =	shalt  }
0x81: {  	_ =	shalt  }
0x82: {  	_ =	shalt  }
0x83: {  	_ =	shalt  }
0x84: {  	_ =	shalt  }
0x85: {  	_ =	shalt  }
0x86: {  	_ =	shalt  }
0x87: {  	_ =	shalt  }
.Lfunc_end0:
.L_simem_size_0:
called_computation.1_lowered:
.L_overlay_start_0:
0x88: {  	s2 =	sld [smem:$0x3FD9]  }
0x89: {  	s3 =	sld [smem:$0x3FFE];
	_ =	sdelay $0x1  }
0x8a: {  	s1 =	srdreg.scid  }
0x8b: {  	s0 =	sand.u32 $0x1, s1  }
0x8c: {  	s15 =	sshll.u32 s0, $0xA;
	s2 =	sadd.s32 s3, s2  }
0x8d: {  	s2 =	sadd.s32 s2, s15  }
0x8e: {  	[smem:$0x3FBE] =	sst s2  }
0x8f: {  	_ = 	snop  }
0x90: {  	s2 =	sld [smem:$0x3FC9]  }
0x91: {  	s6 =	sld [smem:$0x3FD0]  }
0x92: {  	s16 =	sld [smem:$0x3FC8]  }
0x93: {  	s4 =	sld [smem:$0x3FC7]  }
0x94: {  	s8 =	simm.s32 $0xB;
	s7 =	simm.s32 $0x10;
	s5 =	sld [smem:$0x3FC6]  }
0x95: {  	[smem:s7], [sflag:s8] =	dma.local [hbm:s6], $0x1  }
0x96: {  	_ =	swait.eq [sflag:s8], $0x1  }
0x97: {  	[sflag:s8] =	ssyncset.done $0x0  }
0x98: {  	s17 =	sld [smem:$0x11];
	[sflag:s8] =	ssyncadd.s32 $0xFFFFFFFF  }
0x99: {  	s18 =	sld [smem:$0x13];
	(tm) =	ssettm $0x1  }
0x9a: {  	s19 =	sld [smem:$0x3FFB];
	_ =	sdelay $0x3  }
0x9b: {  	_ =	strace s19  }
0x9c: {  	s6 =	sld [smem:$0x3FFC];
	_ =	sdelay $0x3  }
0x9d: {  	_ =	strace s6  }
0x9e: {  	s6 =	sld [smem:$0x3FFD];
	_ =	sdelay $0x3  }
0x9f: {  	_ =	strace s6  }
0xa0: {  	_ =	strace $0x8FFFFFFF  }
0xa1: {  	s20 =	sld [smem:$0x3FDB];
	_ =	sdelay $0x1  }
0xa2: {  	s9 =	simm.s32 $_scs_section_size  }
0xa3: {  	s10 =	simm.s32 $_size__tile_overlayer_lowered;
	s11 =	simm.s32 $_tile_overlayer_lowered  }
0xa4: {  	s12 =	simm.s32 $0x1BFF;
	s21 =	sshll.u32 s11, $0x1;
	s9 =	sadd.s32 s9, s20  }
0xa5: {  	s22 =	simm.s32 $0x0;
	s10 =	sshll.u32 s10, $0x1;
	s11 =	sadd.s32 s21, s9  }
0xa6: {  	[timem:s22], [sflag:s12] =	dma.local [hbm:s11], s10  }
0xa7: {  	_ =	swait.ge [sflag:s12], s10  }
0xa8: {  	s10 =	ssub.s32 $0x0, s10;
	[sflag:s12] =	ssyncset.done $0x0  }
0xa9: {  	[sflag:s12] =	ssyncadd.s32 s10;
	_ =	sdelay $0x1  }
0xaa: {  	s23 =	simm.s32 $0x1B8B  }
0xab: {  	_ =	swait.ge [sflag:s23], $0x1  }
0xac: {  	[sflag:s23] =	ssyncset.done $0x0  }
0xad: {  	[sflag:s23] =	ssyncadd.s32 $0xFFFFFFFF  }
0xae: {  	s10 =	sld [smem:$0x0]  }
0xaf: {  	s11 =	sand.u32 $0xFFFFFFFE, s1  }
0xb0: {  	p0 =	sne.s32 s1, s11  }
0xb1: {  	s11 =	sshll.u32 @p0 s11, $0xE  }
0xb2: {  	s11 =	sadd.s32 @p0 $0x11B8D, s11;
	s12 =	sshll.u32 @p0 s10, $0x11  }
0xb3: {  	s11 =	sor.u32 @p0 s12, s11  }
0xb4: {  	[sflag:s11] =	ssyncadd.remote.s32 @p0 $0x1;
	_ =	sdelay $0x1  }
0xb5: {  	s11 =	simm.s32 @p0 $0x1B8D  }
0xb6: {  	_ =	swait.eq @p0 [sflag:s11], $0x1  }
0xb7: {  	[sflag:s11] =	ssyncadd.s32 @p0 $0xFFFFFFFF  }
0xb8: {  	s12 =	sshll.u32 @!p0 s1, $0xE  }
0xb9: {  	s12 =	sor.u32 @!p0 $0x4000, s12;
	s11 =	simm.s32 @!p0 $0x1B8D  }
0xba: {  	s10 =	sshll.u32 @!p0 s10, $0x11;
	s12 =	sadd.s32 @!p0 $0x11B8D, s12;
	_ =	swait.eq @!p0 [sflag:s11], $0x1  }
0xbb: {  	s10 =	sor.u32 @!p0 s10, s12;
	[sflag:s11] =	ssyncadd.s32 @!p0 $0xFFFFFFFF  }
0xbc: {  	s25 =	simm.s32 $0x1B8E;
	s24 =	sld [smem:$0x3FFE];
	[sflag:s10] =	ssyncadd.remote.s32 @!p0 $0x1  }
0xbd: {  	s26 =	simm.s32 $execute0_lowered;
	[smem:$0x3FD2] =	sst s25  }
0xbe: {  	s11 =	sshll.u32 s26, $0x1;
	_ =	strace $0x80000049;
	[dreg:$0x1] =	wrdreg $0xFFFFFFFF  }
0xbf: {  	s28 =	simm.s32 $_size_execute0_lowered;
	s9 =	sadd.s32 s9, s11;
	[dreg:$0x0] =	wrdreg $0x0  }
0xc0: {  	s11 =	sshll.u32 s28, $0x1;
	[dreg:$0x2] =	wrdreg s9  }
0xc1: {  	[dreg:$0x3] =	wrdreg s11  }
0xc2: {  	[dreg:$0x4] =	wrdreg $0xC0  }
0xc3: {  	_ =	task [dreg:s22], $0x5FFFF  }
0xc4: {  	[dreg:$0x1] =	wrdreg $0xFFFFFFFF  }
0xc5: {  	[dreg:$0x0] =	wrdreg $0x60  }
0xc6: {  	[dreg:$0x2] =	wrdreg s2  }
0xc7: {  	[dreg:$0x3] =	wrdreg s16  }
0xc8: {  	[dreg:$0x4] =	wrdreg s4  }
0xc9: {  	[dreg:$0x5] =	wrdreg s5  }
0xca: {  	[dreg:$0x6] =	wrdreg s24  }
0xcb: {  	[dreg:$0x7] =	wrdreg s17  }
0xcc: {  	[dreg:$0x8] =	wrdreg s18  }
0xcd: {  	[dreg:$0x9] =	wrdreg $0xA  }
0xce: {  	_ =	task.clear_ibuf [dreg:s22], $0xAFFFF;
	_ =	strace $0x90000049  }
0xcf: {  	s29 =	simm.s32 $0xA;
	_ =	strace $0x8000004B  }
0xd0: {  	_ =	swait.ge [sflag:s29], $0x1  }
0xd1: {  	[sflag:s29] =	ssyncadd.s32 $0xFFFFFFFF  }
0xd2: {  	_ =	strace $0x9000004B  }
0xd3: {  	_ =	sfence  }
0xd4: {  	s30 =	sld [smem:$0x0];
	_ =	sdelay $0x2  }
0xd5: {  	s31 =	sshll.u32 s1, $0xD;
	s1 =	sshrl.u32 s1, $0x2  }
0xd6: {  	s3 =	sand.u32 $0x4000, s31;
	s1 =	sadd.s32 s1, s30  }
0xd7: {  	s0 =	sor.u32 s3, s0;
	s1 =	sshll.u32 s1, $0x11  }
0xd8: {  	s0 =	sor.u32 s1, s0  }
0xd9: {  	s0 =	sadd.s32 $0x8F2B, s0  }
0xda: {  	[sflag:s0] =	ssyncadd.remote.s32 $0x1  }
0xdb: {  	_ =	sfence.sel $0xFFFF  }
0xdc: {  	[dreg:$0x0] =	wrdreg $0xFFFFFFFF;
	(pc) =	sbr.abs _section_cstart, $3  }
0xdd: {  	[dreg:$0x1] =	wrdreg $0xFFFFFFFF  }
0xde: {  	_ =	task.clear_ibuf [dreg:s22], $0x2FFFF;
	_ =	strace $0x9FFFFFFF  }
0xdf: {  	(tm) =	ssettm $0x7FFFFFFF  }
tec
execute0_lowered:
.L_overlay_start_1:
0x0: {  	(tag) =	ssettag $0x1  }
0x1: {  	s6 =	rddreg [dreg:$0x0]  }
0x2: {  	s7 =	rddreg [dreg:$0x1]  }
0x3: {  	s10 =	rddreg [dreg:$0x2]  }
0x4: {  	s9 =	rddreg [dreg:$0x3]  }
0x5: {  	s5 =	rddreg [dreg:$0x4]  }
0x6: {  	s8 =	rddreg [dreg:$0x5]  }
0x7: {  	s11 =	rddreg [dreg:$0x6]  }
0x8: {  	s0 =	rddreg [dreg:$0x7];
	s1 =	simm.s32 $0x0  }
0x9: {  	s4 =	srdreg.scid;
	s2 =	stileid.u32;
	s16 =	simm.s32 $0xA00  }
0xa: {  	s18 =	simm.s32 $0x400;
	s19 =	simm.s32 $0x600;
	s20 =	simm.s32 $0xE00  }
0xb: {  	s21 =	simm.s32 $0x1;
	s22 =	simm.s32 $0xC00;
	s23 =	simm.s32 $0x2  }
0xc: {  	[smem:$0x7FF] =	sst s1;
	s3 =	sadd.s32 $0x3EC00, s5;
	s4 =	sand.u32 $0x1, s4  }
0xd: {  	s13 =	sshll.u32 s2, $0x7;
	s17 =	sshll.u32 s2, $0x6;
	_ =	strace $0x8000004A  }
0xe: {  	s12 =	ssub.s32 $0x2, s4;
	s14 =	sshll.u32 s4, $0x6;
	s4 =	sadd.s32 $0x5D600, s5  }
0xf: {  	s5 =	sadd.s32 $0x7C000, s5;
	s17 =	sor.u32 $0x1C02, s17;
	s15 =	sshrl.u32 s12, $0x1  }
0x10: {  	s13 =	sor.u32 s14, s13;
	s14 =	simm.s32 $0x200;
	s12 =	ssub.s32 s12, s15  }
0x11: {  	s6 =	sadd.s32 s6, s13;
	s7 =	sadd.s32 s7, s13;
	s8 =	sadd.s32 s8, s13  }
0x12: {  	s9 =	sadd.s32 s9, s13;
	s10 =	sadd.s32 s10, s13;
	s11 =	sadd.s32 s11, s13  }
0x13: {  	s13 =	simm.s32 $0x3;
	s15 =	simm.s32 $0x800;
	s12 =	smax.u32 s12, $0x1  }
.LBB2_1:
0x14: {  	[tilespmem:s1], [sflag:$0x3] =	stream.linear.gather [hbm4b:s6+s1], $0x200, $0x38;
	[tilespmem:$0xE80] =	vst v63  }
0x15: {  	_ =	swait.ge [sflag:s13], $0x200  }
0x16: {  	[sflag:s13] =	ssyncset.done $0x0  }
0x17: {  	[sflag:s13] =	ssyncadd.s32 $0xFFFFFE00  }
0x18: {  	[tilespmem:s14], [sflag:$0x3] =	stream.linear.gather [hbm4b:s7+s1], $0x200, $0x38;
	[tilespmem:$0xE80] =	vst v63  }
0x19: {  	_ =	swait.ge [sflag:s13], $0x200  }
0x1a: {  	[sflag:s13] =	ssyncset.done $0x0  }
0x1b: {  	[sflag:s13] =	ssyncadd.s32 $0xFFFFFE00  }
0x1c: {  	[tilespmem:s15], [sflag:$0x1] =	stream.indirect.gather [hbm4b:s3+s14], $0x1, s1, s14, $0xb8;
	[tilespmem:$0xE80] =	vst v63  }
0x1d: {  	_ = 	snop  }
0x1e: {  	[tilespmem:s16], [sflag:$0x1] =	stream.indirect.gather [hbm4b:s4+s14], $0x1, s14, s14, $0xb8;
	[tilespmem:$0xE80] =	vst v63  }
0x1f: {  	[hbm:s8], [sflag:s17] =	dma.local [hbm:s9], $0x40  }
0x20: {  	[tilespmem:s18], [sflag:$0x3] =	stream.linear.gather [hbm4b:s10+s1], $0x200, $0x38;
	[tilespmem:$0xE80] =	vst v63  }
0x21: {  	_ =	swait.ge [sflag:s13], $0x200  }
0x22: {  	[sflag:s13] =	ssyncset.done $0x0  }
0x23: {  	[sflag:s13] =	ssyncadd.s32 $0xFFFFFE00  }
0x24: {  	[tilespmem:s19], [sflag:$0x3] =	stream.linear.gather [hbm4b:s9+s1], $0x200, $0x38;
	[tilespmem:$0xE80] =	vst v63  }
0x25: {  	_ =	swait.ge [sflag:s13], $0x200  }
0x26: {  	[sflag:s13] =	ssyncset.done $0x0  }
0x27: {  	[sflag:s13] =	ssyncadd.s32 $0xFFFFFE00  }
0x28: {  	[tilespmem:s20], [sflag:$0x3] =	stream.linear.gather [hbm4b:s5+s1], $0x80, $0x38;
	[tilespmem:$0xE80] =	vst v63  }
0x29: {  	_ =	swait.ge [sflag:s13], $0x80  }
0x2a: {  	[sflag:s13] =	ssyncset.done $0x0  }
0x2b: {  	[sflag:s13] =	ssyncadd.s32 $0xFFFFFF80  }
0x2c: {  	v0 =	vld [tilespmem:$0xE00];
	_ =	swait.ge [sflag:s21], $0x200  }
0x2d: {  	[sflag:s21] =	ssyncset.done $0x0  }
0x2e: {  	[sflag:s21] =	ssyncadd.s32 $0xFFFFFE00  }
0x2f: {  	_ =	swait.ge [sflag:s21], $0x200  }
0x30: {  	[sflag:s21] =	ssyncset.done $0x0  }
0x31: {  	[sflag:s21] =	ssyncadd.s32 $0xFFFFFE00  }
0x32: {  	v1 =	vld [tilespmem:$0x400]  }
0x33: {  	v2 =	vld [tilespmem:$0x600]  }
0x34: {  	v3 =	vld [tilespmem:$0x800]  }
0x35: {  	v4 =	vld [tilespmem:$0xA00]  }
0x36: {  	v5 =	vld [tilespmem:$0x410]  }
0x37: {  	v6 =	vld [tilespmem:$0x610]  }
0x38: {  	v7 =	vld [tilespmem:$0x810]  }
0x39: {  	v8 =	vld [tilespmem:$0xA10]  }
0x3a: {  	v9 =	vld [tilespmem:$0x420]  }
0x3b: {  	v10 =	vld [tilespmem:$0x620]  }
0x3c: {  	v11 =	vld [tilespmem:$0x820]  }
0x3d: {  	v12 =	vld [tilespmem:$0xA20]  }
0x3e: {  	v13 =	vld [tilespmem:$0x430]  }
0x3f: {  	v14 =	vld [tilespmem:$0x630]  }
0x40: {  	v15 =	vld [tilespmem:$0x830]  }
0x41: {  	v16 =	vld [tilespmem:$0xA30]  }
0x42: {  	v17 =	vld [tilespmem:$0x440]  }
0x43: {  	v18 =	vld [tilespmem:$0x640]  }
0x44: {  	v19 =	vld [tilespmem:$0x840]  }
0x45: {  	v20 =	vld [tilespmem:$0xA40]  }
0x46: {  	v21 =	vld [tilespmem:$0x450]  }
0x47: {  	v22 =	vld [tilespmem:$0x650]  }
0x48: {  	v23 =	vld [tilespmem:$0x850]  }
0x49: {  	v24 =	vld [tilespmem:$0xA50]  }
0x4a: {  	v25 =	vld [tilespmem:$0x460]  }
0x4b: {  	v26 =	vld [tilespmem:$0x660]  }
0x4c: {  	v27 =	vld [tilespmem:$0x860]  }
0x4d: {  	v28 =	vld [tilespmem:$0xA60]  }
0x4e: {  	v29 =	vld [tilespmem:$0x470]  }
0x4f: {  	v30 =	vld [tilespmem:$0x670]  }
0x50: {  	v31 =	vld [tilespmem:$0x870]  }
0x51: {  	v32 =	vld [tilespmem:$0xA70]  }
0x52: {  	v33 =	vld [tilespmem:$0x480]  }
0x53: {  	v34 =	vld [tilespmem:$0x680]  }
0x54: {  	v35 =	vld [tilespmem:$0x880]  }
0x55: {  	v36 =	vld [tilespmem:$0xA80]  }
0x56: {  	v37 =	vld [tilespmem:$0x490]  }
0x57: {  	v38 =	vld [tilespmem:$0x690]  }
0x58: {  	v39 =	vld [tilespmem:$0x890]  }
0x59: {  	v40 =	vld [tilespmem:$0xA90]  }
0x5a: {  	v41 =	vld [tilespmem:$0x4A0]  }
0x5b: {  	v42 =	vld [tilespmem:$0x6A0]  }
0x5c: {  	v43 =	vld [tilespmem:$0x8A0]  }
0x5d: {  	v44 =	vld [tilespmem:$0xAA0]  }
0x5e: {  	v45 =	vld [tilespmem:$0x4B0]  }
0x5f: {  	v46 =	vld [tilespmem:$0x6B0]  }
0x60: {  	v47 =	vld [tilespmem:$0x8B0];
	v1 =	vmul.f32 v2, v1  }
0x61: {  	v48 =	vld [tilespmem:$0xAB0];
	v53 =	vmul.f32 v6, v5;
	v54 =	vmul.f32 v10, v9  }
0x62: {  	v49 =	vld [tilespmem:$0x6C0];
	v55 =	vmul.f32 v14, v13;
	v58 =	vmul.f32 v18, v17  }
0x63: {  	v50 =	vld [tilespmem:$0x8C0];
	v59 =	vmul.f32 v22, v21;
	v62 =	vmul.f32 v30, v29  }
0x64: {  	v51 =	vld [tilespmem:$0x6D0];
	v60 =	vmul.f32 v26, v25;
	v1 =	vmax.f32 v1, $9.999999770e-03;
	v5 =	vmax.f32 v54, $9.999999770e-03  }
0x65: {  	v13 =	vld [tilespmem:$0x4D0];
	v57 =	vmax.f32 v55, $9.999999770e-03;
	v29 =	vmax.f32 v62, $9.999999770e-03;
	v55 =	vmul.f32 v42, v41  }
0x66: {  	v9 =	vld [tilespmem:$0x4C0];
	v1 =	vsub.f32 v2, v1;
	v2 =	vmax.f32 v53, $9.999999770e-03;
	v5 =	vsub.f32 v10, v5  }
0x67: {  	v17 =	vld [tilespmem:$0xAD0];
	v53 =	vmul.f32 v38, v37;
	v2 =	vsub.f32 v6, v2;
	v6 =	vmax.f32 v58, $9.999999770e-03  }
0x68: {  	v21 =	vld [tilespmem:$0x8E0];
	v1 =	vmax.f32 v1, $9.999999770e-03;
	v56 =	vmax.f32 v5, $9.999999770e-03;
	v5 =	vsub.f32 v14, v57  }
0x69: {  	v25 =	vld [tilespmem:$0x6F0];
	v6 =	vsub.f32 v18, v6;
	v1 =	vadd.f32 v1, v0;
	v2 =	vmax.f32 v2, $9.999999770e-03  }
0x6a: {  	v10 =	vld [tilespmem:$0xAC0];
	v13 =	vmul.f32 v51, v13;
	v2 =	vadd.f32 v2, v0;
	v5 =	vmax.f32 v5, $9.999999770e-03  }
0x6b: {  	v37 =	vld [tilespmem:$0xB20];
	v6 =	vmax.f32 v6, $9.999999770e-03;
	v1 =	vadd.f32 v1, v3;
	v3 =	vadd.f32 v56, v0  }
0x6c: {  	v58 =	vld [tilespmem:$0x710];
	v13 =	vmax.f32 v13, $9.999999770e-03;
	v5 =	vadd.f32 v5, v0;
	v6 =	vadd.f32 v6, v0  }
0x6d: {  	v14 =	vld [tilespmem:$0x8D0];
	v57 =	vmul.f32 v46, v45;
	v13 =	vsub.f32 v51, v13;
	v2 =	vadd.f32 v2, v7  }
0x6e: {  	v18 =	vld [tilespmem:$0x6E0];
	v7 =	vmax.f32 v60, $9.999999770e-03;
	v1 =	vadd.f32 v1, v4;
	v3 =	vadd.f32 v3, v11  }
0x6f: {  	v45 =	vld [tilespmem:$0x530];
	v4 =	vmax.f32 v59, $9.999999770e-03;
	v5 =	vadd.f32 v5, v15;
	v7 =	vsub.f32 v26, v7  }
0x70: {  	v56 =	vld [tilespmem:$0x510];
	v63 =	vadd.f32 v6, v19;
	v26 =	vmul.f32 v34, v33;
	v19 =	vsub.f32 v30, v29  }
0x71: {  	v60 =	vld [tilespmem:$0x520];
	v13 =	vmax.f32 v13, $9.999999770e-03;
	v2 =	vadd.f32 v2, v8;
	v4 =	vsub.f32 v22, v4  }
0x72: {  	v11 =	vld [tilespmem:$0x4E0];
	v59 =	vmul.f32 v49, v9;
	v13 =	vadd.f32 v13, v0;
	v3 =	vadd.f32 v3, v12  }
0x73: {  	v15 =	vld [tilespmem:$0x4F0];
	v7 =	vmax.f32 v7, $9.999999770e-03;
	v33 =	vmax.f32 v26, $9.999999770e-03;
	v6 =	vadd.f32 v63, v20  }
0x74: {  	v29 =	vld [tilespmem:$0x700];
	v54 =	vmax.f32 v19, $9.999999770e-03;
	v1 =	vmax.f32 v1, $9.999999770e-03;
	v7 =	vadd.f32 v7, v0  }
0x75: {  	v30 =	vld [tilespmem:$0xB40];
	v4 =	vmax.f32 v4, $9.999999770e-03;
	v52 =	vsub.f32 v34, v33;
	v13 =	vadd.f32 v13, v14  }
0x76: {  	v22 =	vld [tilespmem:$0xAF0];
	v51 =	vmul.f32 v58, v56;
	v2 =	vmax.f32 v2, $9.999999770e-03;
	v61 =	vadd.f32 v4, v0  }
0x77: {  	v12 =	vld [tilespmem:$0xAE0];
	v4 =	vadd.f32 v5, v16;
	v3 =	vmax.f32 v3, $9.999999770e-03;
	v6 =	vmax.f32 v6, $9.999999770e-03  }
0x78: {  	v26 =	vld [tilespmem:$0x500];
	v7 =	vadd.f32 v7, v27;
	v20 =	vmax.f32 v52, $9.999999770e-03;
	v27 =	vmax.f32 v55, $9.999999770e-03  }
0x79: {  	v63 =	vld [tilespmem:$0x720];
	v11 =	vmul.f32 v18, v11;
	v15 =	vmul.f32 v25, v15;
	v13 =	vadd.f32 v13, v17  }
0x7a: {  	v19 =	vld [tilespmem:$0x900];
	v14 =	vmax.f32 v51, $9.999999770e-03;
	v8 =	vadd.f32 v61, v23;
	v20 =	vadd.f32 v20, v0  }
0x7b: {  	v33 =	vld [tilespmem:$0x910];
	v23 =	vmax.f32 v53, $9.999999770e-03;
	v27 =	vsub.f32 v42, v27;
	v14 =	vsub.f32 v58, v14  }
0x7c: {  	v34 =	vld [tilespmem:$0xB10];
	v4 =	vmax.f32 v4, $9.999999770e-03;
	v23 =	vsub.f32 v38, v23;
	v7 =	vadd.f32 v7, v28  }
0x7d: {  	v56 =	vld [tilespmem:$0x950];
	v28 =	vmax.f32 v57, $9.999999770e-03;
	v11 =	vmax.f32 v11, $9.999999770e-03;
	v15 =	vmax.f32 v15, $9.999999770e-03  }
0x7e: {  	v16 =	vld [tilespmem:$0x8F0];
	v55 =	vmul.f32 v63, v60;
	v5 =	vadd.f32 v8, v24;
	v8 =	vadd.f32 v54, v0  }
0x7f: {  	v51 =	vld [tilespmem:$0x790];
	v20 =	vadd.f32 v20, v35;
	v28 =	vsub.f32 v46, v28;
	v62 =	vmax.f32 v27, $9.999999770e-03  }
0x80: {  	v53 =	vld [tilespmem:$0x550];
	v11 =	vsub.f32 v18, v11;
	v15 =	vsub.f32 v25, v15;
	v14 =	vmax.f32 v14, $9.999999770e-03  }
0x81: {  	v60 =	vld [tilespmem:$0x560];
	v23 =	vmax.f32 v23, $9.999999770e-03;
	v14 =	vadd.f32 v14, v0;
	v8 =	vadd.f32 v8, v31  }
0x82: {  	v24 =	vld [tilespmem:$0xB00];
	v17 =	vmax.f32 v55, $9.999999770e-03;
	v23 =	vadd.f32 v23, v0;
	v9 =	vadd.f32 v20, v36  }
0x83: {  	v46 =	vld [tilespmem:$0x730];
	v28 =	vmax.f32 v28, $9.999999770e-03;
	v11 =	vmax.f32 v11, $9.999999770e-03;
	v17 =	vsub.f32 v63, v17  }
0x84: {  	v18 =	vld [tilespmem:$0xB30];
	v15 =	vmax.f32 v15, $9.999999770e-03;
	v28 =	vadd.f32 v28, v0;
	v11 =	vadd.f32 v11, v0  }
0x85: {  	v54 =	vld [tilespmem:$0x750];
	v7 =	vmax.f32 v7, $9.999999770e-03;
	v15 =	vadd.f32 v15, v0;
	v14 =	vadd.f32 v14, v33  }
0x86: {  	v27 =	vld [tilespmem:$0xB60];
	v8 =	vadd.f32 v8, v32;
	v61 =	vadd.f32 v23, v39;
	v32 =	vmax.f32 v59, $9.999999770e-03  }
0x87: {  	v36 =	vld [tilespmem:$0x920];
	v5 =	vmax.f32 v5, $9.999999770e-03;
	v23 =	vadd.f32 v62, v0;
	v32 =	vsub.f32 v49, v32  }
0x88: {  	v63 =	vld [tilespmem:$0x960];
	v17 =	vmax.f32 v17, $9.999999770e-03;
	v28 =	vadd.f32 v28, v47;
	v11 =	vadd.f32 v11, v21  }
0x89: {  	v59 =	vld [tilespmem:$0xB50];
	v49 =	vmul.f32 v29, v26;
	v57 =	vadd.f32 v15, v16;
	v17 =	vadd.f32 v17, v0  }
0x8a: {  	v62 =	vld [tilespmem:$0x760];
	v14 =	vadd.f32 v14, v34;
	v25 =	vmul.f32 v54, v53;
	v20 =	vadd.f32 v61, v40  }
0x8b: {  	v47 =	vld [tilespmem:$0x540];
	v23 =	vadd.f32 v23, v43;
	v61 =	vmul.f32 v46, v45;
	v55 =	vmax.f32 v8, $9.999999770e-03  }
0x8c: {  	v40 =	vld [tilespmem:$0x930];
	v32 =	vmax.f32 v32, $9.999999770e-03;
	v28 =	vadd.f32 v28, v48;
	v11 =	vadd.f32 v11, v12  }
0x8d: {  	v45 =	vld [tilespmem:$0x770];
	v52 =	vmax.f32 v49, $9.999999770e-03;
	v12 =	vadd.f32 v57, v22;
	v17 =	vadd.f32 v17, v36  }
0x8e: {  	v48 =	vld [tilespmem:$0x740];
	v25 =	vmax.f32 v25, $9.999999770e-03;
	v32 =	vadd.f32 v32, v0;
	v23 =	vadd.f32 v23, v44  }
0x8f: {  	v36 =	vld [tilespmem:$0xB70];
	v21 =	vsub.f32 v29, v52;
	v38 =	vmax.f32 v61, $9.999999770e-03;
	v25 =	vsub.f32 v54, v25  }
0x90: {  	v57 =	vld [tilespmem:$0x7A0];
	v61 =	vmax.f32 v20, $9.999999770e-03;
	v22 =	vsub.f32 v46, v38;
	v17 =	vadd.f32 v17, v37  }
0x91: {  	v44 =	vld [tilespmem:$0x570];
	v32 =	vadd.f32 v32, v50;
	v58 =	vmax.f32 v21, $9.999999770e-03;
	v21 =	vmul.f32 v62, v60  }
0x92: {  	v54 =	vld [tilespmem:$0x5A0];
	v25 =	vmax.f32 v25, $9.999999770e-03;
	v15 =	vadd.f32 v58, v0;
	v22 =	vmax.f32 v22, $9.999999770e-03  }
0x93: {  	v38 =	vld [tilespmem:$0x5B0];
	v25 =	vadd.f32 v25, v0;
	v10 =	vadd.f32 v32, v10;
	v43 =	vmul.f32 v48, v47  }
0x94: {  	v50 =	vld [tilespmem:$0x940];
	v22 =	vadd.f32 v22, v0;
	v21 =	vmax.f32 v21, $9.999999770e-03;
	v15 =	vadd.f32 v15, v19  }
0x95: {  	v39 =	vmax.f32 v28, $9.999999770e-03;
	v47 =	vld [tilespmem:$0x580];
	v21 =	vsub.f32 v62, v21;
	v25 =	vadd.f32 v25, v56  }
0x96: {  	v56 =	vmax.f32 v9, $9.999999770e-03;
	v33 =	vmax.f32 v43, $9.999999770e-03;
	v22 =	vadd.f32 v22, v40;
	v40 =	vld [tilespmem:$0x7B0]  }
0x97: {  	v15 =	vadd.f32 v15, v24;
	v33 =	vsub.f32 v48, v33;
	v48 =	vld [tilespmem:$0x780];
	v21 =	vmax.f32 v21, $9.999999770e-03  }
0x98: {  	v49 =	vld [tilespmem:$0x590];
	v43 =	vmul.f32 v57, v54;
	v9 =	vadd.f32 v25, v59;
	v21 =	vadd.f32 v21, v0  }
0x99: {  	v29 =	vld [tilespmem:$0x980];
	v25 =	vmax.f32 v17, $9.999999770e-03;
	v18 =	vadd.f32 v22, v18;
	v33 =	vmax.f32 v33, $9.999999770e-03  }
0x9a: {  	v46 =	vld [tilespmem:$0x970];
	[tilespmem:$0xC80] =	vst v56;
	v33 =	vadd.f32 v33, v0;
	v58 =	vadd.f32 v21, v63;
	v63 =	vmax.f32 v23, $9.999999770e-03  }
0x9b: {  	v32 =	vld [tilespmem:$0xB90];
	v34 =	vmax.f32 v9, $9.999999770e-03;
	v56 =	vmul.f32 v40, v38;
	[tilespmem:$0xCA0] =	vst v63;
	v63 =	vmax.f32 v14, $9.999999770e-03  }
0x9c: {  	[tilespmem:$0xC00] =	vst v1;
	v54 =	vld [tilespmem:$0x5D0];
	v26 =	vadd.f32 v33, v50;
	v50 =	vmul.f32 v45, v44;
	v53 =	vmul.f32 v48, v47  }
0x9d: {  	[tilespmem:$0xC10] =	vst v2;
	v22 =	vld [tilespmem:$0xB80];
	v2 =	vadd.f32 v58, v27;
	v33 =	vmul.f32 v51, v49;
	v49 =	vmax.f32 v11, $9.999999770e-03  }
0x9e: {  	[tilespmem:$0xC90] =	vst v61;
	v21 =	vld [tilespmem:$0xBA0];
	v58 =	vmax.f32 v15, $9.999999770e-03;
	v61 =	vmax.f32 v56, $9.999999770e-03;
	v26 =	vadd.f32 v26, v30  }
0x9f: {  	[tilespmem:$0xC20] =	vst v3;
	v30 =	vld [tilespmem:$0x990];
	v52 =	vmax.f32 v50, $9.999999770e-03;
	v60 =	vmax.f32 v53, $9.999999770e-03;
	v42 =	vmax.f32 v33, $9.999999770e-03  }
0xa0: {  	[tilespmem:$0xC40] =	vst v6;
	v50 =	vmax.f32 v43, $9.999999770e-03;
	v33 =	vld [tilespmem:$0x7F0];
	v2 =	vmax.f32 v2, $9.999999770e-03;
	v24 =	vsub.f32 v45, v52  }
0xa1: {  	[tilespmem:$0xC30] =	vst v4;
	v62 =	vsub.f32 v48, v60;
	v45 =	vmax.f32 v10, $9.999999770e-03;
	v47 =	vsub.f32 v51, v42;
	v48 =	vld [tilespmem:$0x5C0]  }
0xa2: {  	[tilespmem:$0xC60] =	vst v7;
	v51 =	vld [tilespmem:$0x7C0];
	v52 =	vmax.f32 v12, $9.999999770e-03;
	v11 =	vsub.f32 v57, v50;
	v59 =	vmax.f32 v24, $9.999999770e-03  }
0xa3: {  	[tilespmem:$0xC50] =	vst v5;
	v57 =	vld [tilespmem:$0x7D0];
	v20 =	vmax.f32 v62, $9.999999770e-03;
	v53 =	vmax.f32 v47, $9.999999770e-03;
	v19 =	vadd.f32 v59, v0  }
0xa4: {  	[tilespmem:$0xC70] =	vst v55;
	v24 =	vld [tilespmem:$0x9A0];
	v11 =	vmax.f32 v11, $9.999999770e-03;
	v41 =	vadd.f32 v20, v0;
	v12 =	vadd.f32 v53, v0  }
0xa5: {  	[tilespmem:$0xCB0] =	vst v39;
	v31 =	vmax.f32 v26, $9.999999770e-03;
	v62 =	vld [tilespmem:$0x7E0];
	v11 =	vadd.f32 v11, v0;
	v19 =	vadd.f32 v19, v46  }
0xa6: {  	[tilespmem:$0xD20] =	vst v25;
	v59 =	vld [tilespmem:$0x5E0];
	v46 =	vmax.f32 v13, $9.999999770e-03;
	v5 =	vadd.f32 v41, v29;
	v60 =	vadd.f32 v12, v30  }
0xa7: {  	[tilespmem:$0xD50] =	vst v34;
	v12 =	vsub.f32 v40, v61;
	v29 =	vld [tilespmem:$0x5F0];
	v30 =	vmax.f32 v18, $9.999999770e-03;
	v38 =	vmul.f32 v51, v48  }
0xa8: {  	v44 =	vld [tilespmem:$0x9B0];
	[tilespmem:$0xD10] =	vst v63;
	v13 =	vmul.f32 v57, v54;
	v55 =	vadd.f32 v19, v36;
	v5 =	vadd.f32 v5, v22  }
0xa9: {  	v37 =	vld [tilespmem:$0xBB0];
	[tilespmem:$0xCE0] =	vst v49;
	v11 =	vadd.f32 v11, v24;
	v35 =	vmax.f32 v12, $9.999999770e-03;
	v6 =	vadd.f32 v60, v32  }
0xaa: {  	[tilespmem:$0xD00] =	vst v58;
	v43 =	vld [tilespmem:$0xBC0];
	v42 =	vmax.f32 v38, $9.999999770e-03;
	v13 =	vmax.f32 v13, $9.999999770e-03;
	v36 =	vadd.f32 v35, v0  }
0xab: {  	[tilespmem:$0xCC0] =	vst v45;
	v47 =	vld [tilespmem:$0x9E0];
	v15 =	vmul.f32 v62, v59;
	v8 =	vsub.f32 v51, v42;
	v45 =	vsub.f32 v57, v13  }
0xac: {  	[tilespmem:$0xD60] =	vst v2;
	v40 =	vld [tilespmem:$0x9C0];
	v3 =	vmax.f32 v55, $9.999999770e-03;
	v39 =	vadd.f32 v11, v21;
	v17 =	vmul.f32 v33, v29  }
0xad: {  	[tilespmem:$0xCF0] =	vst v52;
	v5 =	vmax.f32 v5, $9.999999770e-03;
	v41 =	vadd.f32 v36, v44;
	v44 =	vld [tilespmem:$0x9D0];
	v15 =	vmax.f32 v15, $9.999999770e-03  }
0xae: {  	[tilespmem:$0xCD0] =	vst v46;
	v46 =	vld [tilespmem:$0xBD0];
	v8 =	vmax.f32 v8, $9.999999770e-03;
	v15 =	vsub.f32 v62, v15;
	v17 =	vmax.f32 v17, $9.999999770e-03  }
0xaf: {  	[tilespmem:$0xD40] =	vst v31;
	v51 =	vld [tilespmem:$0x9F0];
	v49 =	vmax.f32 v45, $9.999999770e-03;
	v48 =	vadd.f32 v8, v0;
	v50 =	vsub.f32 v33, v17  }
0xb0: {  	[tilespmem:$0xD30] =	vst v30;
	v55 =	vld [tilespmem:$0xBE0];
	v53 =	vadd.f32 v49, v0;
	v52 =	vadd.f32 v41, v37;
	v54 =	vmax.f32 v15, $9.999999770e-03  }
0xb1: {  	v58 =	vld [tilespmem:$0xBF0];
	[tilespmem:$0xD70] =	vst v3;
	v1 =	vadd.f32 v48, v40;
	v56 =	vadd.f32 v54, v0;
	v57 =	vmax.f32 v50, $9.999999770e-03  }
0xb2: {  	v6 =	vmax.f32 v6, $9.999999770e-03;
	[tilespmem:$0xD80] =	vst v5;
	v59 =	vadd.f32 v53, v44;
	v0 =	vadd.f32 v57, v0  }
0xb3: {  	[tilespmem:$0xD90] =	vst v6;
	v4 =	vmax.f32 v39, $9.999999770e-03;
	v1 =	vadd.f32 v1, v43;
	v3 =	vadd.f32 v56, v47  }
0xb4: {  	[tilespmem:$0xDA0] =	vst v4;
	v2 =	vmax.f32 v52, $9.999999770e-03;
	v60 =	vadd.f32 v59, v46;
	v0 =	vadd.f32 v0, v51  }
0xb5: {  	[tilespmem:$0xDB0] =	vst v2;
	v1 =	vmax.f32 v1, $9.999999770e-03;
	v61 =	vadd.f32 v3, v55  }
0xb6: {  	[tilespmem:$0xDC0] =	vst v1;
	v62 =	vmax.f32 v60, $9.999999770e-03;
	v0 =	vadd.f32 v0, v58  }
0xb7: {  	[tilespmem:$0xDD0] =	vst v62;
	v63 =	vmax.f32 v61, $9.999999770e-03  }
0xb8: {  	[tilespmem:$0xDE0] =	vst v63;
	v0 =	vmax.f32 v0, $9.999999770e-03  }
0xb9: {  	[tilespmem:$0xDF0] =	vst v0  }
0xba: {  	[hbm4b:s11+s1] =	stream.linear.scatter [tilespmem:s22], [sflag:$0x3], $0x200, $0x38;
	[tilespmem:$0xE80] =	vst v63  }
0xbb: {  	p0 =	sne.s32 s12, $0x1;
	_ =	swait.ge [sflag:s13], $0x200  }
.Ltmp0:
0xbc: {  	[sflag:s13] =	ssyncset.done $0x0;
	(pc) =	sbr.rel @p0 .LBB2_1-.Ltmp0, $4  }
0xbd: {  	[sflag:s13] =	ssyncadd.s32 $0xFFFFFE00  }
0xbe: {  	_ =	swait.ge [sflag:s23], $0x40  }
0xbf: {  	[sflag:s23] =	ssyncset.done $0x0  }
0xc0: {  	s12 =	sadd.s32 $0xFFFFFFFF, s12;
	[sflag:s23] =	ssyncadd.s32 $0xFFFFFFC0  }
0xc1: {  	_ =	sfence.sel $0x180000  }
0xc2: {  	[bflag:$0x0] =	sbarrier.arrive $0xFFFF  }
0xc3: {  	p0 =	sne.s32 s2, $0x0;
	_ =	strace $0x9000004A  }
0xc4: {  	s0 =	sadd.s32 @!p0 $0x100000, s0;
	[bflag:$0x2] =	sbarrier.arrive $0xFFFF  }
0xc5: {  	[sflag:s0] =	ssyncadd.tile.s32 @!p0 $0x1;
	_ =	shalt  }
.Lfunc_end2:
_tile_overlayer_lowered:
.L_overlay_start_2:
0xc6: {  	(tag) =	ssettag $0x2  }
0xc7: {  	s0 =	rddreg [dreg:$0x0];
	s2 =	stileid.u32  }
0xc8: {  	s1 =	rddreg [dreg:$0x1];
	p0 =	sne.s32 s2, $0x0  }
0xc9: {  	s3 =	rddreg [dreg:$0x2];
	[bflag:$0x3] =	sbarrier.arrive $0xFFFF;
	s2 =	simm.s32 @!p0 $0x1C03  }
0xca: {  	[timem:s3], [sflag:s2] =	dma.local @!p0 [hbm:s0], s1  }
0xcb: {  	s0 =	simm.s32 @!p0 $0x3  }
0xcc: {  	_ =	swait.ge @!p0 [sflag:s0], s1  }
0xcd: {  	s1 =	ssub.s32 @!p0 $0x0, s1;
	[sflag:s0] =	ssyncset.done @!p0 $0x0  }
0xce: {  	[sflag:s0] =	ssyncadd.s32 @!p0 s1  }
0xcf: {  	[bflag:$0x3] =	sbarrier.arrive $0xFFFF  }
0xd0: {  	_ =	shalt  }

</sc_bundles>
